<compile_context>
chip_gen: v7x
topology: tpu7x:2x2x1
jax: 0.10.2.dev20260603
libtpu: 0.0.44.dev20260713+nightly
codegen_flags: <defaults>
</compile_context>

<pallas_src>
import functools

import numpy as np
import jax
import jax.numpy as jnp
from jax import lax
from jax.experimental import pallas as pl
from jax.experimental.pallas import tpu as pltpu
from jax.experimental.pallas import tpu_sc as plsc

N_NODES = 10000
HID = 128
NH = 16
K = 32
NG = 20
R_MAX = 10.0
N_GRAPHS = 16
HEAD_DIM = HID // NH

N_PAD = 10240
E_PAD = N_PAD * K
BR = 256
NB = N_PAD // BR
W = 1792
BRF = 128
NBF = N_PAD // BRF
EBF = BRF * K
SE_W = 24
TD = 128

COEFF = -0.5 / (R_MAX / (NG - 1)) ** 2
INV_SQRT_HD = 1.0 / float(np.sqrt(HEAD_DIM))



def _knn_body(cs_ref, xrows_ref, bcol_ref, xT_ref, bT_ref, out_ref):
    b = pl.program_id(0)
    cs = cs_ref[b]
    xw = xrows_ref[pl.ds(cs, W), :]
    bw = bcol_ref[pl.ds(cs, W), :]
    xb = xT_ref[...]
    bb = bT_ref[...]

    d2 = jnp.zeros((W, BR), jnp.float32)
    for c in range(3):
        diff = xw[:, c:c + 1] - xb[c:c + 1, :]
        d2 = d2 + diff * diff

    ii = lax.broadcasted_iota(jnp.int32, (W, BR), 0)
    gcol = cs + ii
    grow = b * BR + lax.broadcasted_iota(jnp.int32, (W, BR), 1)
    invalid = (bw != bb) | (gcol == grow)
    d2 = jnp.where(invalid, jnp.inf, d2)

    for kk in range(K):
        mval = jnp.min(d2, axis=0, keepdims=True)
        cand = jnp.where(d2 == mval, ii, W)
        idx = jnp.min(cand, axis=0, keepdims=True)
        out_ref[kk:kk + 1, :] = cs + idx
        d2 = jnp.where(ii == idx, jnp.inf, d2)


def _knn(xp, bpf, cs_arr):
    grid_spec = pltpu.PrefetchScalarGridSpec(
        num_scalar_prefetch=1,
        grid=(NB,),
        in_specs=[
            pl.BlockSpec((N_PAD, 3), lambda b, c: (0, 0)),
            pl.BlockSpec((N_PAD, 1), lambda b, c: (0, 0)),
            pl.BlockSpec((3, BR), lambda b, c: (0, b)),
            pl.BlockSpec((1, BR), lambda b, c: (0, b)),
        ],
        out_specs=pl.BlockSpec((K, BR), lambda b, c: (0, b)),
    )
    out = pl.pallas_call(
        _knn_body,
        grid_spec=grid_spec,
        out_shape=jax.ShapeDtypeStruct((K, N_PAD), jnp.int32),
    )(cs_arr, xp, bpf[:, None], xp.T, bpf[None, :])
    return out



_SC_CHUNK = 128


def _sc_gather(table, idx):
    D = table.shape[1]
    ch = _SC_CHUNK
    info = plsc.get_sparse_core_info()
    nc, ns = info.num_cores, info.num_subcores
    nw = nc * ns
    per_w = E_PAD // nw
    iters = per_w // ch
    mesh = plsc.VectorSubcoreMesh(core_axis_name="c", subcore_axis_name="s")

    @functools.partial(
        pl.kernel,
        mesh=mesh,
        out_type=jax.ShapeDtypeStruct((E_PAD, D), jnp.float32),
        scratch_types=[
            pltpu.VMEM((2, ch), jnp.int32),
            pltpu.VMEM((2, ch, D), jnp.float32),
            pltpu.SemaphoreType.DMA,
            pltpu.SemaphoreType.DMA,
            pltpu.SemaphoreType.DMA,
            pltpu.SemaphoreType.DMA,
        ],
    )
    def gk(table_hbm, idx_hbm, out_hbm, idx_v, rows_v, gs0, gs1, ss0, ss1):
        wid = lax.axis_index("s") * nc + lax.axis_index("c")
        base = wid * per_w
        gs = (gs0, gs1)
        ss = (ss0, ss1)

        def fire(j, b):
            pltpu.sync_copy(idx_hbm.at[pl.ds(base + j * ch, ch)], idx_v.at[b])
            pltpu.async_copy(table_hbm.at[idx_v.at[b]], rows_v.at[b], gs[b])

        def gwait(b):
            pltpu.make_async_copy(
                table_hbm.at[idx_v.at[b]], rows_v.at[b], gs[b]).wait()

        def store(j, b):
            pltpu.async_copy(
                rows_v.at[b], out_hbm.at[pl.ds(base + j * ch, ch)], ss[b])

        def swait(j, b):
            pltpu.make_async_copy(
                rows_v.at[b], out_hbm.at[pl.ds(base + j * ch, ch)], ss[b]).wait()

        fire(0, 0)
        fire(1, 1)

        def body(i2, carry):
            for b in (0, 1):
                j = i2 * 2 + b
                gwait(b)
                store(j, b)
                swait(j, b)
                fire(j + 2, b)
            return carry

        lax.fori_loop(0, iters // 2 - 1, body, 0)
        for b in (0, 1):
            j = iters - 2 + b
            gwait(b)
            store(j, b)
            swait(j, b)

    return gk(table, idx)



def _dot(a, b):
    return lax.dot_general(a, b, (((1,), (0,)), ((), ())),
                           preferred_element_type=jnp.float32,
                           precision=lax.Precision.DEFAULT)


def _ln(y, g, be):
    mu = jnp.mean(y, axis=-1, keepdims=True)
    d = y - mu
    var = jnp.mean(d * d, axis=-1, keepdims=True)
    return d * lax.rsqrt(var + 1e-5) * g + be


def _mlp2(x, w1, b1, g, be, w2, b2):
    y = _dot(x, w1) + b1
    y = jnp.maximum(_ln(y, g, be), 0.0)
    return _dot(y, w2) + b2


def _rep(a, reps):
    b, d = a.shape
    return jnp.broadcast_to(a[:, None, :], (b, reps, d)).reshape(b * reps, d)


def _edge_kv_mlp(sm, masks, hjdot, hproj_rep, wr):
    w_et, w_r, w_hj, b1, g, be, w2, b2 = wr
    y = hproj_rep + hjdot(w_hj) + b1
    for t in range(4):
        y = y + masks[t] * (_dot(sm, w_r[NG * t:NG * (t + 1), :]) + w_et[t:t + 1, :])
    y = jnp.maximum(_ln(y, g, be), 0.0)
    return _dot(y, w2) + b2


def _unpack_hj(words):
    u = lax.bitcast_convert_type(words, jnp.uint32)
    lo = lax.bitcast_convert_type(u << 16, jnp.float32)
    hi = lax.bitcast_convert_type(u & jnp.uint32(0xFFFF0000), jnp.float32)
    return lo, hi


def _edge_masks(lig_blk, ligj):
    ligi = _rep(lig_blk, K)
    et = (1.0 - ligj) * 2.0 + (1.0 - ligi)
    return [(et == float(t)).astype(jnp.float32) for t in range(4)]


def _edge_common(x_blk, lig_blk, xj, ligj, off_row, ep):
    rel = _rep(x_blk, K) - xj
    dist = jnp.sqrt(jnp.sum(rel * rel, axis=-1, keepdims=True))
    dlt = dist - off_row
    sm = jnp.exp(COEFF * (dlt * dlt))
    ew = _mlp2(sm, *ep)
    ew = 1.0 / (1.0 + jnp.exp(-ew))
    return rel, sm, ew, _edge_masks(lig_blk, ligj)


def _head_mats():
    rows = lax.broadcasted_iota(jnp.int32, (HID, NH), 0)
    cols = lax.broadcasted_iota(jnp.int32, (HID, NH), 1)
    s = (rows // HEAD_DIM == cols).astype(jnp.float32)
    return s, s.T


def _softmax_k(s16, brf):
    s3 = s16.reshape(brf, K, NH)
    mx = jnp.max(s3, axis=1, keepdims=True)
    e3 = jnp.exp(s3 - mx)
    den = jnp.sum(e3, axis=1, keepdims=True)
    return (e3 / (den + 1e-16)).reshape(brf * K, NH)


def _x2h_body(h_ref, x_ref, lig_ref, g_ref, off_ref, *rest):
    wr = rest[:-2]
    o_ref, se_ref = rest[-2], rest[-1]
    ep, whi_k, kv_k = wr[0:6], wr[6], wr[7:15]
    whi_v, kv_v = wr[15], wr[16:24]
    hq = wr[24:30]
    w_o, w_h, no_b1, no_g, no_be, no_w2, no_b2 = wr[30:37]

    h_blk = h_ref[...]
    g_all = g_ref[...]
    hj_lo, hj_hi = _unpack_hj(g_all[:, 0:HID // 2])
    hjdot = lambda w: _dot(hj_lo, w[:HID // 2]) + _dot(hj_hi, w[HID // 2:])
    xj = g_all[:, HID // 2:HID // 2 + 3]
    ligj = g_all[:, HID // 2 + 3:HID // 2 + 4]
    rel, sm, ew, masks = _edge_common(
        x_ref[...], lig_ref[...], xj, ligj, off_ref[...],
        [r[...] for r in ep])
    se_ref[...] = jnp.concatenate(
        [sm, ew, jnp.zeros((EBF, SE_W - NG - 1), jnp.float32)], axis=1)

    hik = _rep(_dot(h_blk, whi_k[...]), K)
    k_e = _edge_kv_mlp(sm, masks, hjdot, hik, [r[...] for r in kv_k])
    hiv = _rep(_dot(h_blk, whi_v[...]), K)
    v_e = _edge_kv_mlp(sm, masks, hjdot, hiv, [r[...] for r in kv_v]) * ew

    q = _mlp2(h_blk, *[r[...] for r in hq])
    s_mat, s_mat_t = _head_mats()
    s16 = _dot(_rep(q, K) * k_e, s_mat) * INV_SQRT_HD
    al = _softmax_k(s16, BRF)
    al128 = _dot(al, s_mat_t)
    out = jnp.sum((al128 * v_e).reshape(BRF, K, HID), axis=1)

    y = _dot(out, w_o[...]) + _dot(h_blk, w_h[...]) + no_b1[...]
    y = jnp.maximum(_ln(y, no_g[...], no_be[...]), 0.0)
    y = _dot(y, no_w2[...]) + no_b2[...]
    o_ref[...] = y + h_blk


def _h2x_body(h_ref, x_ref, lig_ref, g_ref, g2_ref, se_ref, *rest):
    wr = rest[:-1]
    o_ref = rest[-1]
    whi_k, kv_k = wr[0], wr[1:9]
    whi_v, kv_v = wr[9], wr[10:18]
    xq = wr[18:24]

    h_blk = h_ref[...]
    x_blk = x_ref[...]
    g_all = g_ref[...]
    hj = g2_ref[...]
    hjdot = lambda w: _dot(hj, w)
    xj = g_all[:, HID // 2:HID // 2 + 3]
    ligj = g_all[:, HID // 2 + 3:HID // 2 + 4]
    se = se_ref[...]
    sm = se[:, 0:NG]
    ew = se[:, NG:NG + 1]
    rel = _rep(x_blk, K) - xj
    masks = _edge_masks(lig_ref[...], ligj)

    hik = _rep(_dot(h_blk, whi_k[...]), K)
    k_e = _edge_kv_mlp(sm, masks, hjdot, hik, [r[...] for r in kv_k])
    hiv = _rep(_dot(h_blk, whi_v[...]), K)
    v16 = _edge_kv_mlp(sm, masks, hjdot, hiv, [r[...] for r in kv_v]) * ew

    q = _mlp2(h_blk, *[r[...] for r in xq])
    s_mat, _ = _head_mats()
    s16 = _dot(_rep(q, K) * k_e, s_mat) * INV_SQRT_HD
    al = _softmax_k(s16, BRF)
    w_e = jnp.sum(al * v16, axis=-1, keepdims=True) * (1.0 / NH)
    dx = jnp.sum((w_e * rel).reshape(BRF, K, 3), axis=1)
    o_ref[...] = x_blk + dx


def _full_spec(w):
    nd = w.ndim
    return pl.BlockSpec(w.shape, (lambda b, _nd=nd: (0,) * _nd))


def _run_fused(body, node_ins, edge_ins, wlist, outs):
    in_specs = (
        [pl.BlockSpec((BRF, a.shape[1]), lambda b: (b, 0)) for a in node_ins]
        + [pl.BlockSpec((EBF, a.shape[1]), lambda b: (b, 0)) for a in edge_ins]
        + [_full_spec(w) for w in wlist]
    )
    return pl.pallas_call(
        body,
        grid=(NBF,),
        in_specs=in_specs,
        out_specs=[pl.BlockSpec((br, w), lambda b: (b, 0)) for br, _, w in outs],
        out_shape=[jax.ShapeDtypeStruct((tr, w), jnp.float32)
                   for _, tr, w in outs],
    )(*node_ins, *edge_ins, *wlist)



def _pack_bf16(hm):
    hb = hm.astype(jnp.bfloat16)
    u16 = lax.bitcast_convert_type(hb, jnp.uint16).astype(jnp.uint32)
    word = u16[:, :HID // 2] | (u16[:, HID // 2:] << 16)
    return lax.bitcast_convert_type(word, jnp.float32)


def _prep_plain(p):
    return [p['w1'], p['b1'][None, :], p['g'][None, :], p['be'][None, :],
            p['w2'], p['b2'][None, :]]


def _prep_kv(p):
    w1 = p['w1']
    whi = w1[4 + 4 * NG:4 + 4 * NG + HID]
    kv = [w1[0:4], w1[4:4 + 4 * NG], w1[4 + 4 * NG + HID:],
          p['b1'][None, :], p['g'][None, :], p['be'][None, :],
          p['w2'], p['b2'][None, :]]
    return whi, kv


def kernel(h, x, mask_ligand, batch, params):
    pad_n = N_PAD - N_NODES
    hp = jnp.pad(h, ((0, pad_n), (0, 0)))
    xp = jnp.pad(x, ((0, pad_n), (0, 0)))
    ligp = jnp.pad(mask_ligand.astype(jnp.float32), (0, pad_n))[:, None]
    bp = jnp.pad(batch.astype(jnp.int32), (0, pad_n), constant_values=-1)
    bpf = bp.astype(jnp.float32)

    starts = jnp.searchsorted(batch, jnp.arange(N_GRAPHS, dtype=batch.dtype),
                              side='left').astype(jnp.int32)
    g0 = jnp.clip(bp[::BR], 0, N_GRAPHS - 1)
    cs_arr = jnp.minimum((starts[g0] // 8) * 8, N_PAD - W).astype(jnp.int32)

    src2d = _knn(xp, bpf, cs_arr)
    src = jnp.transpose(src2d).reshape(-1)

    table = jnp.concatenate(
        [_pack_bf16(hp), xp, ligp,
         jnp.zeros((N_PAD, TD - HID // 2 - 4), jnp.float32)], axis=1)
    g_rows = _sc_gather(table, src)

    off_row = jnp.asarray(np.linspace(0.0, R_MAX, NG, dtype=np.float32))[None, :]

    lp = params['layer_0']
    ep_w = _prep_plain(params['edge_pred'])
    whi_k, kv_k = _prep_kv(lp['x2h_0']['hk'])
    whi_v, kv_v = _prep_kv(lp['x2h_0']['hv'])
    hq_w = _prep_plain(lp['x2h_0']['hq'])
    no = lp['x2h_0']['node_out']
    no_w = [no['w1'][0:HID], no['w1'][HID:], no['b1'][None, :],
            no['g'][None, :], no['be'][None, :], no['w2'], no['b2'][None, :]]

    wlist1 = ep_w + [whi_k] + kv_k + [whi_v] + kv_v + hq_w + no_w
    h1p, se = _run_fused(_x2h_body, [hp, xp, ligp], [g_rows],
                         [off_row] + wlist1,
                         [(BRF, N_PAD, HID), (EBF, E_PAD, SE_W)])

    g2_rows = _sc_gather(h1p, src)

    whi_xk, kv_xk = _prep_kv(lp['h2x_0']['xk'])
    whi_xv, kv_xv = _prep_kv(lp['h2x_0']['xv'])
    xq_w = _prep_plain(lp['h2x_0']['xq'])
    wlist2 = [whi_xk] + kv_xk + [whi_xv] + kv_xv + xq_w
    xnp, = _run_fused(_h2x_body, [h1p, xp, ligp], [g_rows, g2_rows, se],
                      wlist2, [(BRF, N_PAD, 3)])

    return h1p[:N_NODES], xnp[:N_NODES]

# --- scband reference (transcript-rebuilt; emitter-appended) ---
"""Pipeline reference for scband-uni-transformer-o2-two-update-general-87548613362086 (READ-ONLY COPY).

The authoritative reference and input builder live on the scoring server;
editing this copy changes nothing except your own understanding.
"""

import jax, jax.numpy as jnp
import numpy as np

N_NODES = 10000
HID = 128
NH = 16
K = 32
NG = 20
R_MAX = 10.0
N_GRAPHS = 16
EDGE_FEAT_DIM = 4
KV_DIM = 2 * HID + EDGE_FEAT_DIM + 4 * NG
HEAD_DIM = HID // NH

OFFSET = jnp.linspace(0.0, R_MAX, NG)
COEFF = -0.5 / (float(R_MAX) / (NG - 1)) ** 2


def _mlp_params(key, in_dim, hidden, out_dim):
    k1, k2 = jax.random.split(key)
    s1 = 1.0 / np.sqrt(in_dim)
    s2 = 1.0 / np.sqrt(hidden)
    return {
        'w1': jax.random.uniform(k1, (in_dim, hidden), jnp.float32, -s1, s1),
        'b1': jnp.zeros((hidden,), jnp.float32),
        'g': jnp.ones((hidden,), jnp.float32),
        'be': jnp.zeros((hidden,), jnp.float32),
        'w2': jax.random.uniform(k2, (hidden, out_dim), jnp.float32, -s2, s2),
        'b2': jnp.zeros((out_dim,), jnp.float32),
    }


def _mlp(p, x):
    y = x @ p['w1'] + p['b1']
    mu = jnp.mean(y, axis=-1, keepdims=True)
    var = jnp.var(y, axis=-1, keepdims=True)
    y = (y - mu) / jnp.sqrt(var + 1e-5) * p['g'] + p['be']
    y = jax.nn.relu(y)
    return y @ p['w2'] + p['b2']


def _gaussian_smearing(dist):
    return jnp.exp(COEFF * (dist - OFFSET[None, :]) ** 2)


def _outer_product(a, b):
    return (a[:, :, None] * b[:, None, :]).reshape(a.shape[0], -1)


def _scatter_softmax(s, dst, n):
    smax = jax.ops.segment_max(s, dst, num_segments=n)
    smax = jnp.where(jnp.isfinite(smax), smax, 0.0)
    e = jnp.exp(s - smax[dst])
    denom = jax.ops.segment_sum(e, dst, num_segments=n)
    return e / (denom[dst] + 1e-16)


def _knn_edges(x, batch, k):
    xs = jax.lax.stop_gradient(x)
    n = xs.shape[0]
    sq = jnp.sum(xs * xs, axis=-1)
    d2 = sq[:, None] + sq[None, :] - 2.0 * (xs @ xs.T)
    invalid = (batch[:, None] != batch[None, :]) | jnp.eye(n, dtype=bool)
    d2 = jnp.where(invalid, jnp.inf, d2)
    _, idx = jax.lax.top_k(-d2, k)
    dst = jnp.repeat(jnp.arange(n), k)
    src = idx.reshape(-1)
    return src, dst


def _x2h_layer(p, h, r_feat, edge_feat, src, dst, e_w, n):
    hi = h[dst]
    hj = h[src]
    kv = jnp.concatenate([edge_feat, r_feat, hi, hj], axis=-1)
    k = _mlp(p['hk'], kv).reshape(-1, NH, HEAD_DIM)
    v = _mlp(p['hv'], kv)
    v = v * e_w
    v = v.reshape(-1, NH, HEAD_DIM)
    q = _mlp(p['hq'], h).reshape(-1, NH, HEAD_DIM)
    scores = jnp.sum(q[dst] * k / np.sqrt(HEAD_DIM), axis=-1)
    alpha = _scatter_softmax(scores, dst, n)
    m = alpha[..., None] * v
    out = jax.ops.segment_sum(m, dst, num_segments=n).reshape(n, HID)
    out = _mlp(p['node_out'], jnp.concatenate([out, h], axis=-1))
    return out + h


def _h2x_layer(p, h, rel_x, r_feat, edge_feat, src, dst, e_w, n):
    hi = h[dst]
    hj = h[src]
    kv = jnp.concatenate([edge_feat, r_feat, hi, hj], axis=-1)
    k = _mlp(p['xk'], kv).reshape(-1, NH, HEAD_DIM)
    v = _mlp(p['xv'], kv)
    v = v * e_w
    v = v[:, :, None] * rel_x[:, None, :]
    q = _mlp(p['xq'], h).reshape(-1, NH, HEAD_DIM)
    scores = jnp.sum(q[dst] * k / np.sqrt(HEAD_DIM), axis=-1)
    alpha = _scatter_softmax(scores, dst, n)
    m = alpha[..., None] * v
    out = jax.ops.segment_sum(m, dst, num_segments=n)
    return jnp.mean(out, axis=1)


def _forward(params, h, x, mask_ligand, batch):
    n = h.shape[0]
    src, dst = _knn_edges(x, batch, K)
    lig = mask_ligand.astype(jnp.int32)
    et_idx = (1 - lig[src]) * 2 + (1 - lig[dst])
    edge_type = jax.nn.one_hot(et_idx, 4, dtype=jnp.float32)
    dist0 = jnp.linalg.norm(x[dst] - x[src], axis=-1, keepdims=True)
    e_w = jax.nn.sigmoid(_mlp(params['edge_pred'], _gaussian_smearing(dist0)))
    lp = params['layer_0']
    rel_x = x[dst] - x[src]
    dist = jnp.linalg.norm(rel_x, axis=-1, keepdims=True)
    r_feat = _outer_product(edge_type, _gaussian_smearing(dist))
    h = _x2h_layer(lp['x2h_0'], h, r_feat, edge_type, src, dst, e_w, n)
    x2h_out = h
    r_feat = _outer_product(edge_type, _gaussian_smearing(dist))
    delta_x = _h2x_layer(lp['h2x_0'], x2h_out, rel_x, r_feat, edge_type, src, dst, e_w, n)
    x = x + delta_x
    return x2h_out, x


def setup_inputs(seed: int = 0):
    key = jax.random.key(seed)
    ks = jax.random.split(key, 12)
    h = jax.random.normal(ks[0], (N_NODES, HID), jnp.float32)
    x = jax.random.normal(ks[1], (N_NODES, 3), jnp.float32) * 3.0
    mask_ligand = jax.random.randint(ks[2], (N_NODES,), 0, 2)
    batch = jnp.sort(jax.random.randint(ks[3], (N_NODES,), 0, N_GRAPHS))
    params = {
        'edge_pred': _mlp_params(ks[4], NG, HID, 1),
        'layer_0': {
            'x2h_0': {
                'hk': _mlp_params(ks[5], KV_DIM, HID, HID),
                'hv': _mlp_params(ks[6], KV_DIM, HID, HID),
                'hq': _mlp_params(ks[7], HID, HID, HID),
                'node_out': _mlp_params(ks[8], 2 * HID, HID, HID),
            },
            'h2x_0': {
                'xk': _mlp_params(ks[9], KV_DIM, HID, HID),
                'xv': _mlp_params(ks[10], KV_DIM, HID, NH),
                'xq': _mlp_params(ks[11], HID, HID, HID),
            },
        },
    }
    return {'h': h, 'x': x, 'mask_ligand': mask_ligand, 'batch': batch, 'params': params}


def reference(h, x, mask_ligand, batch, params):
    return _forward(params, h, x, mask_ligand, batch)

if __name__ == "__main__":
    import jax
    _d = setup_inputs()
    print(jax.jit(kernel)(*tuple(_d.values())))

</pallas_src>

<mosaic_0001>
#map = affine_map<(d0, d1) -> (0, 0)>
#map1 = affine_map<(d0, d1) -> (0)>
module attributes {stable_mosaic.version = 14 : i64} {
  func.func @gk(%arg0: i32, %arg1: i32, %arg2: memref<10240x128xf32, #tpu.memory_space<hbm>>, %arg3: memref<327680xi32, #tpu.memory_space<hbm>>, %arg4: memref<327680x128xf32, #tpu.memory_space<hbm>>, %arg5: memref<2x128xi32, #tpu.memory_space<vmem>>, %arg6: memref<2x128x128xf32, #tpu.memory_space<vmem>>, %arg7: memref<!tpu.dma_semaphore, #tpu.memory_space<semaphore_mem>>, %arg8: memref<!tpu.dma_semaphore, #tpu.memory_space<semaphore_mem>>, %arg9: memref<!tpu.dma_semaphore, #tpu.memory_space<semaphore_mem>>, %arg10: memref<!tpu.dma_semaphore, #tpu.memory_space<semaphore_mem>>) attributes {dimension_semantics = [#tpu.dimension_semantics<core_parallel>, #tpu.dimension_semantics<subcore_parallel>], iteration_bounds = array<i64: 2, 16>, scalar_prefetch = 0 : i64, scratch_operands = 6 : i64, tpu.core_type = #tpu.core_type<sc_vector_subcore>, window_params = [{transform_indices = #map}, {transform_indices = #map1}, {transform_indices = #map}]} {
    %mul3A = arith.constant 2 : i32
    %mul3A_0 = arith.muli %arg1, %mul3A : i32
    %add3A = arith.addi %mul3A_0, %arg0 : i32
    %mul3A_1 = arith.constant 10240 : i32
    %mul3A_2 = arith.muli %add3A, %mul3A_1 : i32
    %add3A_3 = arith.constant 0 : i32
    %add3A_4 = arith.addi %mul3A_2, %add3A_3 : i32
    %run_scoped3A = arith.constant 0 : i32
    "tpu.region"() ({
      %run_scoped3A_119 = tpu.sem_alloc : memref<!tpu.dma_semaphore, #tpu.memory_space<semaphore_mem>>
      %dma_start3A_120 = arith.constant 0 : i32
      %dma_start3A_121 = tpu.memref_slice %arg5[%run_scoped3A, %dma_start3A_120] : memref<2x128xi32, #tpu.memory_space<vmem>> -> memref<1x128xi32, #tpu.memory_space<vmem>>
      %dma_start3A_122 = tpu.memref_squeeze %dma_start3A_121 : memref<1x128xi32, #tpu.memory_space<vmem>> -> memref<128xi32, #tpu.memory_space<vmem>>
      %dma_start3A_123 = tpu.memref_slice %arg3[%add3A_4] : memref<327680xi32, #tpu.memory_space<hbm>> -> memref<128xi32, #tpu.memory_space<hbm>>
      %dma_start3A_124 = arith.constant 0 : i32
      %dma_start3A_125 = tpu.memref_slice %arg5[%run_scoped3A, %dma_start3A_124] : memref<2x128xi32, #tpu.memory_space<vmem>> -> memref<1x128xi32, #tpu.memory_space<vmem>>
      %dma_start3A_126 = tpu.memref_squeeze %dma_start3A_125 : memref<1x128xi32, #tpu.memory_space<vmem>> -> memref<128xi32, #tpu.memory_space<vmem>>
      %dma_start3A_127 = tpu.memref_slice %arg3[%add3A_4] : memref<327680xi32, #tpu.memory_space<hbm>> -> memref<128xi32, #tpu.memory_space<hbm>>
      tpu.enqueue_dma source(%dma_start3A_127 : memref<128xi32, #tpu.memory_space<hbm>>) target(%dma_start3A_126 : memref<128xi32, #tpu.memory_space<vmem>>) target_semaphore(%run_scoped3A_119 : memref<!tpu.dma_semaphore, #tpu.memory_space<semaphore_mem>>)
      %dma_wait3A_128 = arith.constant 0 : i32
      %dma_wait3A_129 = tpu.memref_slice %arg5[%run_scoped3A, %dma_wait3A_128] : memref<2x128xi32, #tpu.memory_space<vmem>> -> memref<1x128xi32, #tpu.memory_space<vmem>>
      %dma_wait3A_130 = tpu.memref_squeeze %dma_wait3A_129 : memref<1x128xi32, #tpu.memory_space<vmem>> -> memref<128xi32, #tpu.memory_space<vmem>>
      %dma_wait3A_131 = tpu.memref_slice %arg3[%add3A_4] : memref<327680xi32, #tpu.memory_space<hbm>> -> memref<128xi32, #tpu.memory_space<hbm>>
      %dma_wait3A_132 = arith.constant 0 : i32
      %dma_wait3A_133 = tpu.memref_slice %arg5[%run_scoped3A, %dma_wait3A_132] : memref<2x128xi32, #tpu.memory_space<vmem>> -> memref<1x128xi32, #tpu.memory_space<vmem>>
      %dma_wait3A_134 = tpu.memref_squeeze %dma_wait3A_133 : memref<1x128xi32, #tpu.memory_space<vmem>> -> memref<128xi32, #tpu.memory_space<vmem>>
      %dma_wait3A_135 = tpu.memref_slice %arg3[%add3A_4] : memref<327680xi32, #tpu.memory_space<hbm>> -> memref<128xi32, #tpu.memory_space<hbm>>
      tpu.wait_dma2 semaphore(%run_scoped3A_119 : memref<!tpu.dma_semaphore, #tpu.memory_space<semaphore_mem>>) src(%dma_wait3A_135 : memref<128xi32, #tpu.memory_space<hbm>>) dst(%dma_wait3A_134 : memref<128xi32, #tpu.memory_space<vmem>>)
      tpu.yield
    }) : () -> ()
    %dma_start3A = arith.constant 0 : i32
    %dma_start3A_5 = arith.constant 0 : i32
    %dma_start3A_6 = arith.constant 0 : i32
    %dma_start3A_7 = arith.constant 0 : i32
    %dma_start3A_8 = tpu.memref_slice %arg6[%dma_start3A_5, %dma_start3A_6, %dma_start3A_7] : memref<2x128x128xf32, #tpu.memory_space<vmem>> -> memref<1x128x128xf32, #tpu.memory_space<vmem>>
    %dma_start3A_9 = tpu.memref_squeeze %dma_start3A_8 : memref<1x128x128xf32, #tpu.memory_space<vmem>> -> memref<128x128xf32, #tpu.memory_space<vmem>>
    %dma_start3A_10 = arith.constant 0 : i32
    %dma_start3A_11 = tpu.memref_slice %arg5[%dma_start3A, %dma_start3A_10] : memref<2x128xi32, #tpu.memory_space<vmem>> -> memref<1x128xi32, #tpu.memory_space<vmem>>
    %dma_start3A_12 = tpu.memref_squeeze %dma_start3A_11 : memref<1x128xi32, #tpu.memory_space<vmem>> -> memref<128xi32, #tpu.memory_space<vmem>>
    %dma_start3A_13 = arith.constant 0 : i32
    %dma_start3A_14 = arith.constant 0 : i32
    %dma_start3A_15 = tpu.memref_slice %arg2[%dma_start3A_13, %dma_start3A_14] : memref<10240x128xf32, #tpu.memory_space<hbm>> -> memref<10240x128xf32, #tpu.memory_space<hbm>>
    tpu.enqueue_indirect_dma source(%dma_start3A_15 : memref<10240x128xf32, #tpu.memory_space<hbm>>) target(%dma_start3A_9 : memref<128x128xf32, #tpu.memory_space<vmem>>) offsets(%dma_start3A_12 : memref<128xi32, #tpu.memory_space<vmem>>) semaphore(%arg7 : memref<!tpu.dma_semaphore, #tpu.memory_space<semaphore_mem>>)
    %add3A_16 = arith.constant 128 : i32
    %add3A_17 = arith.addi %mul3A_2, %add3A_16 : i32
    %run_scoped3A_18 = arith.constant 1 : i32
    "tpu.region"() ({
      %run_scoped3A_119 = tpu.sem_alloc : memref<!tpu.dma_semaphore, #tpu.memory_space<semaphore_mem>>
      %dma_start3A_120 = arith.constant 0 : i32
      %dma_start3A_121 = tpu.memref_slice %arg5[%run_scoped3A_18, %dma_start3A_120] : memref<2x128xi32, #tpu.memory_space<vmem>> -> memref<1x128xi32, #tpu.memory_space<vmem>>
      %dma_start3A_122 = tpu.memref_squeeze %dma_start3A_121 : memref<1x128xi32, #tpu.memory_space<vmem>> -> memref<128xi32, #tpu.memory_space<vmem>>
      %dma_start3A_123 = tpu.memref_slice %arg3[%add3A_17] : memref<327680xi32, #tpu.memory_space<hbm>> -> memref<128xi32, #tpu.memory_space<hbm>>
      %dma_start3A_124 = arith.constant 0 : i32
      %dma_start3A_125 = tpu.memref_slice %arg5[%run_scoped3A_18, %dma_start3A_124] : memref<2x128xi32, #tpu.memory_space<vmem>> -> memref<1x128xi32, #tpu.memory_space<vmem>>
      %dma_start3A_126 = tpu.memref_squeeze %dma_start3A_125 : memref<1x128xi32, #tpu.memory_space<vmem>> -> memref<128xi32, #tpu.memory_space<vmem>>
      %dma_start3A_127 = tpu.memref_slice %arg3[%add3A_17] : memref<327680xi32, #tpu.memory_space<hbm>> -> memref<128xi32, #tpu.memory_space<hbm>>
      tpu.enqueue_dma source(%dma_start3A_127 : memref<128xi32, #tpu.memory_space<hbm>>) target(%dma_start3A_126 : memref<128xi32, #tpu.memory_space<vmem>>) target_semaphore(%run_scoped3A_119 : memref<!tpu.dma_semaphore, #tpu.memory_space<semaphore_mem>>)
      %dma_wait3A_128 = arith.constant 0 : i32
      %dma_wait3A_129 = tpu.memref_slice %arg5[%run_scoped3A_18, %dma_wait3A_128] : memref<2x128xi32, #tpu.memory_space<vmem>> -> memref<1x128xi32, #tpu.memory_space<vmem>>
      %dma_wait3A_130 = tpu.memref_squeeze %dma_wait3A_129 : memref<1x128xi32, #tpu.memory_space<vmem>> -> memref<128xi32, #tpu.memory_space<vmem>>
      %dma_wait3A_131 = tpu.memref_slice %arg3[%add3A_17] : memref<327680xi32, #tpu.memory_space<hbm>> -> memref<128xi32, #tpu.memory_space<hbm>>
      %dma_wait3A_132 = arith.constant 0 : i32
      %dma_wait3A_133 = tpu.memref_slice %arg5[%run_scoped3A_18, %dma_wait3A_132] : memref<2x128xi32, #tpu.memory_space<vmem>> -> memref<1x128xi32, #tpu.memory_space<vmem>>
      %dma_wait3A_134 = tpu.memref_squeeze %dma_wait3A_133 : memref<1x128xi32, #tpu.memory_space<vmem>> -> memref<128xi32, #tpu.memory_space<vmem>>
      %dma_wait3A_135 = tpu.memref_slice %arg3[%add3A_17] : memref<327680xi32, #tpu.memory_space<hbm>> -> memref<128xi32, #tpu.memory_space<hbm>>
      tpu.wait_dma2 semaphore(%run_scoped3A_119 : memref<!tpu.dma_semaphore, #tpu.memory_space<semaphore_mem>>) src(%dma_wait3A_135 : memref<128xi32, #tpu.memory_space<hbm>>) dst(%dma_wait3A_134 : memref<128xi32, #tpu.memory_space<vmem>>)
      tpu.yield
    }) : () -> ()
    %dma_start3A_19 = arith.constant 1 : i32
    %dma_start3A_20 = arith.constant 1 : i32
    %dma_start3A_21 = arith.constant 0 : i32
    %dma_start3A_22 = arith.constant 0 : i32
    %dma_start3A_23 = tpu.memref_slice %arg6[%dma_start3A_20, %dma_start3A_21, %dma_start3A_22] : memref<2x128x128xf32, #tpu.memory_space<vmem>> -> memref<1x128x128xf32, #tpu.memory_space<vmem>>
    %dma_start3A_24 = tpu.memref_squeeze %dma_start3A_23 : memref<1x128x128xf32, #tpu.memory_space<vmem>> -> memref<128x128xf32, #tpu.memory_space<vmem>>
    %dma_start3A_25 = arith.constant 0 : i32
    %dma_start3A_26 = tpu.memref_slice %arg5[%dma_start3A_19, %dma_start3A_25] : memref<2x128xi32, #tpu.memory_space<vmem>> -> memref<1x128xi32, #tpu.memory_space<vmem>>
    %dma_start3A_27 = tpu.memref_squeeze %dma_start3A_26 : memref<1x128xi32, #tpu.memory_space<vmem>> -> memref<128xi32, #tpu.memory_space<vmem>>
    %dma_start3A_28 = arith.constant 0 : i32
    %dma_start3A_29 = arith.constant 0 : i32
    %dma_start3A_30 = tpu.memref_slice %arg2[%dma_start3A_28, %dma_start3A_29] : memref<10240x128xf32, #tpu.memory_space<hbm>> -> memref<10240x128xf32, #tpu.memory_space<hbm>>
    tpu.enqueue_indirect_dma source(%dma_start3A_30 : memref<10240x128xf32, #tpu.memory_space<hbm>>) target(%dma_start3A_24 : memref<128x128xf32, #tpu.memory_space<vmem>>) offsets(%dma_start3A_27 : memref<128xi32, #tpu.memory_space<vmem>>) semaphore(%arg8 : memref<!tpu.dma_semaphore, #tpu.memory_space<semaphore_mem>>)
    %scan3A = arith.constant 0 : i32
    %scan3A_31 = arith.constant 0 : i32
    %scan3A_32 = arith.constant 39 : i32
    %scan3A_33 = arith.addi %scan3A_31, %scan3A_32 : i32
    %scan3A_34 = arith.constant 1 : i32
    scf.for %scan3A_119 = %scan3A_31 to %scan3A_33 step %scan3A_34  : i32 {
      %mul3A_120 = arith.constant 2 : i32
      %mul3A_121 = arith.muli %scan3A_119, %mul3A_120 : i32
      %add3A_122 = arith.constant 0 : i32
      %add3A_123 = arith.addi %mul3A_121, %add3A_122 : i32
      %dma_wait3A_124 = arith.constant 0 : i32
      %dma_wait3A_125 = arith.constant 0 : i32
      %dma_wait3A_126 = arith.constant 0 : i32
      %dma_wait3A_127 = arith.constant 0 : i32
      %dma_wait3A_128 = tpu.memref_slice %arg6[%dma_wait3A_125, %dma_wait3A_126, %dma_wait3A_127] : memref<2x128x128xf32, #tpu.memory_space<vmem>> -> memref<1x128x128xf32, #tpu.memory_space<vmem>>
      %dma_wait3A_129 = tpu.memref_squeeze %dma_wait3A_128 : memref<1x128x128xf32, #tpu.memory_space<vmem>> -> memref<128x128xf32, #tpu.memory_space<vmem>>
      %dma_wait3A_130 = arith.constant 0 : i32
      %dma_wait3A_131 = tpu.memref_slice %arg5[%dma_wait3A_124, %dma_wait3A_130] : memref<2x128xi32, #tpu.memory_space<vmem>> -> memref<1x128xi32, #tpu.memory_space<vmem>>
      %dma_wait3A_132 = tpu.memref_squeeze %dma_wait3A_131 : memref<1x128xi32, #tpu.memory_space<vmem>> -> memref<128xi32, #tpu.memory_space<vmem>>
      %dma_wait3A_133 = arith.constant 0 : i32
      %dma_wait3A_134 = arith.constant 0 : i32
      %dma_wait3A_135 = tpu.memref_slice %arg2[%dma_wait3A_133, %dma_wait3A_134] : memref<10240x128xf32, #tpu.memory_space<hbm>> -> memref<10240x128xf32, #tpu.memory_space<hbm>>
      tpu.wait_indirect_dma semaphore(%arg7 : memref<!tpu.dma_semaphore, #tpu.memory_space<semaphore_mem>>) src(%dma_wait3A_135 : memref<10240x128xf32, #tpu.memory_space<hbm>>) dst(%dma_wait3A_129 : memref<128x128xf32, #tpu.memory_space<vmem>>)
      %mul3A_136 = arith.constant 128 : i32
      %mul3A_137 = arith.muli %add3A_123, %mul3A_136 : i32
      %add3A_138 = arith.addi %mul3A_2, %mul3A_137 : i32
      %dma_start3A_139 = arith.constant 0 : i32
      %dma_start3A_140 = arith.constant 0 : i32
      %dma_start3A_141 = arith.constant 0 : i32
      %dma_start3A_142 = tpu.memref_slice %arg6[%dma_start3A_139, %dma_start3A_140, %dma_start3A_141] : memref<2x128x128xf32, #tpu.memory_space<vmem>> -> memref<1x128x128xf32, #tpu.memory_space<vmem>>
      %dma_start3A_143 = tpu.memref_squeeze %dma_start3A_142 : memref<1x128x128xf32, #tpu.memory_space<vmem>> -> memref<128x128xf32, #tpu.memory_space<vmem>>
      %dma_start3A_144 = arith.constant 0 : i32
      %dma_start3A_145 = tpu.memref_slice %arg4[%add3A_138, %dma_start3A_144] : memref<327680x128xf32, #tpu.memory_space<hbm>> -> memref<128x128xf32, #tpu.memory_space<hbm>>
      %dma_start3A_146 = arith.constant 0 : i32
      %dma_start3A_147 = tpu.memref_slice %arg4[%add3A_138, %dma_start3A_146] : memref<327680x128xf32, #tpu.memory_space<hbm>> -> memref<128x128xf32, #tpu.memory_space<hbm>>
      %dma_start3A_148 = arith.constant 0 : i32
      %dma_start3A_149 = arith.constant 0 : i32
      %dma_start3A_150 = tpu.memref_slice %arg6[%dma_start3A_139, %dma_start3A_148, %dma_start3A_149] : memref<2x128x128xf32, #tpu.memory_space<vmem>> -> memref<1x128x128xf32, #tpu.memory_space<vmem>>
      %dma_start3A_151 = tpu.memref_squeeze %dma_start3A_150 : memref<1x128x128xf32, #tpu.memory_space<vmem>> -> memref<128x128xf32, #tpu.memory_space<vmem>>
      tpu.enqueue_dma source(%dma_start3A_151 : memref<128x128xf32, #tpu.memory_space<vmem>>) target(%dma_start3A_147 : memref<128x128xf32, #tpu.memory_space<hbm>>) target_semaphore(%arg9 : memref<!tpu.dma_semaphore, #tpu.memory_space<semaphore_mem>>)
      %mul3A_152 = arith.constant 128 : i32
      %mul3A_153 = arith.muli %add3A_123, %mul3A_152 : i32
      %add3A_154 = arith.addi %mul3A_2, %mul3A_153 : i32
      %dma_wait3A_155 = arith.constant 0 : i32
      %dma_wait3A_156 = arith.constant 0 : i32
      %dma_wait3A_157 = arith.constant 0 : i32
      %dma_wait3A_158 = tpu.memref_slice %arg6[%dma_wait3A_155, %dma_wait3A_156, %dma_wait3A_157] : memref<2x128x128xf32, #tpu.memory_space<vmem>> -> memref<1x128x128xf32, #tpu.memory_space<vmem>>
      %dma_wait3A_159 = tpu.memref_squeeze %dma_wait3A_158 : memref<1x128x128xf32, #tpu.memory_space<vmem>> -> memref<128x128xf32, #tpu.memory_space<vmem>>
      %dma_wait3A_160 = arith.constant 0 : i32
      %dma_wait3A_161 = tpu.memref_slice %arg4[%add3A_154, %dma_wait3A_160] : memref<327680x128xf32, #tpu.memory_space<hbm>> -> memref<128x128xf32, #tpu.memory_space<hbm>>
      %dma_wait3A_162 = arith.constant 0 : i32
      %dma_wait3A_163 = tpu.memref_slice %arg4[%add3A_154, %dma_wait3A_162] : memref<327680x128xf32, #tpu.memory_space<hbm>> -> memref<128x128xf32, #tpu.memory_space<hbm>>
      %dma_wait3A_164 = arith.constant 0 : i32
      %dma_wait3A_165 = arith.constant 0 : i32
      %dma_wait3A_166 = tpu.memref_slice %arg6[%dma_wait3A_155, %dma_wait3A_164, %dma_wait3A_165] : memref<2x128x128xf32, #tpu.memory_space<vmem>> -> memref<1x128x128xf32, #tpu.memory_space<vmem>>
      %dma_wait3A_167 = tpu.memref_squeeze %dma_wait3A_166 : memref<1x128x128xf32, #tpu.memory_space<vmem>> -> memref<128x128xf32, #tpu.memory_space<vmem>>
      tpu.wait_dma2 semaphore(%arg9 : memref<!tpu.dma_semaphore, #tpu.memory_space<semaphore_mem>>) src(%dma_wait3A_167 : memref<128x128xf32, #tpu.memory_space<vmem>>) dst(%dma_wait3A_163 : memref<128x128xf32, #tpu.memory_space<hbm>>)
      %add3A_168 = arith.constant 2 : i32
      %add3A_169 = arith.addi %add3A_123, %add3A_168 : i32
      %mul3A_170 = arith.constant 128 : i32
      %mul3A_171 = arith.muli %add3A_169, %mul3A_170 : i32
      %add3A_172 = arith.addi %mul3A_2, %mul3A_171 : i32
      %run_scoped3A_173 = arith.constant 0 : i32
      "tpu.region"() ({
        %run_scoped3A_252 = tpu.sem_alloc : memref<!tpu.dma_semaphore, #tpu.memory_space<semaphore_mem>>
        %dma_start3A_253 = arith.constant 0 : i32
        %dma_start3A_254 = tpu.memref_slice %arg5[%run_scoped3A_173, %dma_start3A_253] : memref<2x128xi32, #tpu.memory_space<vmem>> -> memref<1x128xi32, #tpu.memory_space<vmem>>
        %dma_start3A_255 = tpu.memref_squeeze %dma_start3A_254 : memref<1x128xi32, #tpu.memory_space<vmem>> -> memref<128xi32, #tpu.memory_space<vmem>>
        %dma_start3A_256 = tpu.memref_slice %arg3[%add3A_172] : memref<327680xi32, #tpu.memory_space<hbm>> -> memref<128xi32, #tpu.memory_space<hbm>>
        %dma_start3A_257 = arith.constant 0 : i32
        %dma_start3A_258 = tpu.memref_slice %arg5[%run_scoped3A_173, %dma_start3A_257] : memref<2x128xi32, #tpu.memory_space<vmem>> -> memref<1x128xi32, #tpu.memory_space<vmem>>
        %dma_start3A_259 = tpu.memref_squeeze %dma_start3A_258 : memref<1x128xi32, #tpu.memory_space<vmem>> -> memref<128xi32, #tpu.memory_space<vmem>>
        %dma_start3A_260 = tpu.memref_slice %arg3[%add3A_172] : memref<327680xi32, #tpu.memory_space<hbm>> -> memref<128xi32, #tpu.memory_space<hbm>>
        tpu.enqueue_dma source(%dma_start3A_260 : memref<128xi32, #tpu.memory_space<hbm>>) target(%dma_start3A_259 : memref<128xi32, #tpu.memory_space<vmem>>) target_semaphore(%run_scoped3A_252 : memref<!tpu.dma_semaphore, #tpu.memory_space<semaphore_mem>>)
        %dma_wait3A_261 = arith.constant 0 : i32
        %dma_wait3A_262 = tpu.memref_slice %arg5[%run_scoped3A_173, %dma_wait3A_261] : memref<2x128xi32, #tpu.memory_space<vmem>> -> memref<1x128xi32, #tpu.memory_space<vmem>>
        %dma_wait3A_263 = tpu.memref_squeeze %dma_wait3A_262 : memref<1x128xi32, #tpu.memory_space<vmem>> -> memref<128xi32, #tpu.memory_space<vmem>>
        %dma_wait3A_264 = tpu.memref_slice %arg3[%add3A_172] : memref<327680xi32, #tpu.memory_space<hbm>> -> memref<128xi32, #tpu.memory_space<hbm>>
        %dma_wait3A_265 = arith.constant 0 : i32
        %dma_wait3A_266 = tpu.memref_slice %arg5[%run_scoped3A_173, %dma_wait3A_265] : memref<2x128xi32, #tpu.memory_space<vmem>> -> memref<1x128xi32, #tpu.memory_space<vmem>>
        %dma_wait3A_267 = tpu.memref_squeeze %dma_wait3A_266 : memref<1x128xi32, #tpu.memory_space<vmem>> -> memref<128xi32, #tpu.memory_space<vmem>>
        %dma_wait3A_268 = tpu.memref_slice %arg3[%add3A_172] : memref<327680xi32, #tpu.memory_space<hbm>> -> memref<128xi32, #tpu.memory_space<hbm>>
        tpu.wait_dma2 semaphore(%run_scoped3A_252 : memref<!tpu.dma_semaphore, #tpu.memory_space<semaphore_mem>>) src(%dma_wait3A_268 : memref<128xi32, #tpu.memory_space<hbm>>) dst(%dma_wait3A_267 : memref<128xi32, #tpu.memory_space<vmem>>)
        tpu.yield
      }) : () -> ()
      %dma_start3A_174 = arith.constant 0 : i32
      %dma_start3A_175 = arith.constant 0 : i32
      %dma_start3A_176 = arith.constant 0 : i32
      %dma_start3A_177 = arith.constant 0 : i32
      %dma_start3A_178 = tpu.memref_slice %arg6[%dma_start3A_175, %dma_start3A_176, %dma_start3A_177] : memref<2x128x128xf32, #tpu.memory_space<vmem>> -> memref<1x128x128xf32, #tpu.memory_space<vmem>>
      %dma_start3A_179 = tpu.memref_squeeze %dma_start3A_178 : memref<1x128x128xf32, #tpu.memory_space<vmem>> -> memref<128x128xf32, #tpu.memory_space<vmem>>
      %dma_start3A_180 = arith.constant 0 : i32
      %dma_start3A_181 = tpu.memref_slice %arg5[%dma_start3A_174, %dma_start3A_180] : memref<2x128xi32, #tpu.memory_space<vmem>> -> memref<1x128xi32, #tpu.memory_space<vmem>>
      %dma_start3A_182 = tpu.memref_squeeze %dma_start3A_181 : memref<1x128xi32, #tpu.memory_space<vmem>> -> memref<128xi32, #tpu.memory_space<vmem>>
      %dma_start3A_183 = arith.constant 0 : i32
      %dma_start3A_184 = arith.constant 0 : i32
      %dma_start3A_185 = tpu.memref_slice %arg2[%dma_start3A_183, %dma_start3A_184] : memref<10240x128xf32, #tpu.memory_space<hbm>> -> memref<10240x128xf32, #tpu.memory_space<hbm>>
      tpu.enqueue_indirect_dma source(%dma_start3A_185 : memref<10240x128xf32, #tpu.memory_space<hbm>>) target(%dma_start3A_179 : memref<128x128xf32, #tpu.memory_space<vmem>>) offsets(%dma_start3A_182 : memref<128xi32, #tpu.memory_space<vmem>>) semaphore(%arg7 : memref<!tpu.dma_semaphore, #tpu.memory_space<semaphore_mem>>)
      %mul3A_186 = arith.constant 2 : i32
      %mul3A_187 = arith.muli %scan3A_119, %mul3A_186 : i32
      %add3A_188 = arith.constant 1 : i32
      %add3A_189 = arith.addi %mul3A_187, %add3A_188 : i32
      %dma_wait3A_190 = arith.constant 1 : i32
      %dma_wait3A_191 = arith.constant 1 : i32
      %dma_wait3A_192 = arith.constant 0 : i32
      %dma_wait3A_193 = arith.constant 0 : i32
      %dma_wait3A_194 = tpu.memref_slice %arg6[%dma_wait3A_191, %dma_wait3A_192, %dma_wait3A_193] : memref<2x128x128xf32, #tpu.memory_space<vmem>> -> memref<1x128x128xf32, #tpu.memory_space<vmem>>
      %dma_wait3A_195 = tpu.memref_squeeze %dma_wait3A_194 : memref<1x128x128xf32, #tpu.memory_space<vmem>> -> memref<128x128xf32, #tpu.memory_space<vmem>>
      %dma_wait3A_196 = arith.constant 0 : i32
      %dma_wait3A_197 = tpu.memref_slice %arg5[%dma_wait3A_190, %dma_wait3A_196] : memref<2x128xi32, #tpu.memory_space<vmem>> -> memref<1x128xi32, #tpu.memory_space<vmem>>
      %dma_wait3A_198 = tpu.memref_squeeze %dma_wait3A_197 : memref<1x128xi32, #tpu.memory_space<vmem>> -> memref<128xi32, #tpu.memory_space<vmem>>
      %dma_wait3A_199 = arith.constant 0 : i32
      %dma_wait3A_200 = arith.constant 0 : i32
      %dma_wait3A_201 = tpu.memref_slice %arg2[%dma_wait3A_199, %dma_wait3A_200] : memref<10240x128xf32, #tpu.memory_space<hbm>> -> memref<10240x128xf32, #tpu.memory_space<hbm>>
      tpu.wait_indirect_dma semaphore(%arg8 : memref<!tpu.dma_semaphore, #tpu.memory_space<semaphore_mem>>) src(%dma_wait3A_201 : memref<10240x128xf32, #tpu.memory_space<hbm>>) dst(%dma_wait3A_195 : memref<128x128xf32, #tpu.memory_space<vmem>>)
      %mul3A_202 = arith.constant 128 : i32
      %mul3A_203 = arith.muli %add3A_189, %mul3A_202 : i32
      %add3A_204 = arith.addi %mul3A_2, %mul3A_203 : i32
      %dma_start3A_205 = arith.constant 1 : i32
      %dma_start3A_206 = arith.constant 0 : i32
      %dma_start3A_207 = arith.constant 0 : i32
      %dma_start3A_208 = tpu.memref_slice %arg6[%dma_start3A_205, %dma_start3A_206, %dma_start3A_207] : memref<2x128x128xf32, #tpu.memory_space<vmem>> -> memref<1x128x128xf32, #tpu.memory_space<vmem>>
      %dma_start3A_209 = tpu.memref_squeeze %dma_start3A_208 : memref<1x128x128xf32, #tpu.memory_space<vmem>> -> memref<128x128xf32, #tpu.memory_space<vmem>>
      %dma_start3A_210 = arith.constant 0 : i32
      %dma_start3A_211 = tpu.memref_slice %arg4[%add3A_204, %dma_start3A_210] : memref<327680x128xf32, #tpu.memory_space<hbm>> -> memref<128x128xf32, #tpu.memory_space<hbm>>
      %dma_start3A_212 = arith.constant 0 : i32
      %dma_start3A_213 = tpu.memref_slice %arg4[%add3A_204, %dma_start3A_212] : memref<327680x128xf32, #tpu.memory_space<hbm>> -> memref<128x128xf32, #tpu.memory_space<hbm>>
      %dma_start3A_214 = arith.constant 0 : i32
      %dma_start3A_215 = arith.constant 0 : i32
      %dma_start3A_216 = tpu.memref_slice %arg6[%dma_start3A_205, %dma_start3A_214, %dma_start3A_215] : memref<2x128x128xf32, #tpu.memory_space<vmem>> -> memref<1x128x128xf32, #tpu.memory_space<vmem>>
      %dma_start3A_217 = tpu.memref_squeeze %dma_start3A_216 : memref<1x128x128xf32, #tpu.memory_space<vmem>> -> memref<128x128xf32, #tpu.memory_space<vmem>>
      tpu.enqueue_dma source(%dma_start3A_217 : memref<128x128xf32, #tpu.memory_space<vmem>>) target(%dma_start3A_213 : memref<128x128xf32, #tpu.memory_space<hbm>>) target_semaphore(%arg10 : memref<!tpu.dma_semaphore, #tpu.memory_space<semaphore_mem>>)
      %mul3A_218 = arith.constant 128 : i32
      %mul3A_219 = arith.muli %add3A_189, %mul3A_218 : i32
      %add3A_220 = arith.addi %mul3A_2, %mul3A_219 : i32
      %dma_wait3A_221 = arith.constant 1 : i32
      %dma_wait3A_222 = arith.constant 0 : i32
      %dma_wait3A_223 = arith.constant 0 : i32
      %dma_wait3A_224 = tpu.memref_slice %arg6[%dma_wait3A_221, %dma_wait3A_222, %dma_wait3A_223] : memref<2x128x128xf32, #tpu.memory_space<vmem>> -> memref<1x128x128xf32, #tpu.memory_space<vmem>>
      %dma_wait3A_225 = tpu.memref_squeeze %dma_wait3A_224 : memref<1x128x128xf32, #tpu.memory_space<vmem>> -> memref<128x128xf32, #tpu.memory_space<vmem>>
      %dma_wait3A_226 = arith.constant 0 : i32
      %dma_wait3A_227 = tpu.memref_slice %arg4[%add3A_220, %dma_wait3A_226] : memref<327680x128xf32, #tpu.memory_space<hbm>> -> memref<128x128xf32, #tpu.memory_space<hbm>>
      %dma_wait3A_228 = arith.constant 0 : i32
      %dma_wait3A_229 = tpu.memref_slice %arg4[%add3A_220, %dma_wait3A_228] : memref<327680x128xf32, #tpu.memory_space<hbm>> -> memref<128x128xf32, #tpu.memory_space<hbm>>
      %dma_wait3A_230 = arith.constant 0 : i32
      %dma_wait3A_231 = arith.constant 0 : i32
      %dma_wait3A_232 = tpu.memref_slice %arg6[%dma_wait3A_221, %dma_wait3A_230, %dma_wait3A_231] : memref<2x128x128xf32, #tpu.memory_space<vmem>> -> memref<1x128x128xf32, #tpu.memory_space<vmem>>
      %dma_wait3A_233 = tpu.memref_squeeze %dma_wait3A_232 : memref<1x128x128xf32, #tpu.memory_space<vmem>> -> memref<128x128xf32, #tpu.memory_space<vmem>>
      tpu.wait_dma2 semaphore(%arg10 : memref<!tpu.dma_semaphore, #tpu.memory_space<semaphore_mem>>) src(%dma_wait3A_233 : memref<128x128xf32, #tpu.memory_space<vmem>>) dst(%dma_wait3A_229 : memref<128x128xf32, #tpu.memory_space<hbm>>)
      %add3A_234 = arith.constant 2 : i32
      %add3A_235 = arith.addi %add3A_189, %add3A_234 : i32
      %mul3A_236 = arith.constant 128 : i32
      %mul3A_237 = arith.muli %add3A_235, %mul3A_236 : i32
      %add3A_238 = arith.addi %mul3A_2, %mul3A_237 : i32
      %run_scoped3A_239 = arith.constant 1 : i32
      "tpu.region"() ({
        %run_scoped3A_252 = tpu.sem_alloc : memref<!tpu.dma_semaphore, #tpu.memory_space<semaphore_mem>>
        %dma_start3A_253 = arith.constant 0 : i32
        %dma_start3A_254 = tpu.memref_slice %arg5[%run_scoped3A_239, %dma_start3A_253] : memref<2x128xi32, #tpu.memory_space<vmem>> -> memref<1x128xi32, #tpu.memory_space<vmem>>
        %dma_start3A_255 = tpu.memref_squeeze %dma_start3A_254 : memref<1x128xi32, #tpu.memory_space<vmem>> -> memref<128xi32, #tpu.memory_space<vmem>>
        %dma_start3A_256 = tpu.memref_slice %arg3[%add3A_238] : memref<327680xi32, #tpu.memory_space<hbm>> -> memref<128xi32, #tpu.memory_space<hbm>>
        %dma_start3A_257 = arith.constant 0 : i32
        %dma_start3A_258 = tpu.memref_slice %arg5[%run_scoped3A_239, %dma_start3A_257] : memref<2x128xi32, #tpu.memory_space<vmem>> -> memref<1x128xi32, #tpu.memory_space<vmem>>
        %dma_start3A_259 = tpu.memref_squeeze %dma_start3A_258 : memref<1x128xi32, #tpu.memory_space<vmem>> -> memref<128xi32, #tpu.memory_space<vmem>>
        %dma_start3A_260 = tpu.memref_slice %arg3[%add3A_238] : memref<327680xi32, #tpu.memory_space<hbm>> -> memref<128xi32, #tpu.memory_space<hbm>>
        tpu.enqueue_dma source(%dma_start3A_260 : memref<128xi32, #tpu.memory_space<hbm>>) target(%dma_start3A_259 : memref<128xi32, #tpu.memory_space<vmem>>) target_semaphore(%run_scoped3A_252 : memref<!tpu.dma_semaphore, #tpu.memory_space<semaphore_mem>>)
        %dma_wait3A_261 = arith.constant 0 : i32
        %dma_wait3A_262 = tpu.memref_slice %arg5[%run_scoped3A_239, %dma_wait3A_261] : memref<2x128xi32, #tpu.memory_space<vmem>> -> memref<1x128xi32, #tpu.memory_space<vmem>>
        %dma_wait3A_263 = tpu.memref_squeeze %dma_wait3A_262 : memref<1x128xi32, #tpu.memory_space<vmem>> -> memref<128xi32, #tpu.memory_space<vmem>>
        %dma_wait3A_264 = tpu.memref_slice %arg3[%add3A_238] : memref<327680xi32, #tpu.memory_space<hbm>> -> memref<128xi32, #tpu.memory_space<hbm>>
        %dma_wait3A_265 = arith.constant 0 : i32
        %dma_wait3A_266 = tpu.memref_slice %arg5[%run_scoped3A_239, %dma_wait3A_265] : memref<2x128xi32, #tpu.memory_space<vmem>> -> memref<1x128xi32, #tpu.memory_space<vmem>>
        %dma_wait3A_267 = tpu.memref_squeeze %dma_wait3A_266 : memref<1x128xi32, #tpu.memory_space<vmem>> -> memref<128xi32, #tpu.memory_space<vmem>>
        %dma_wait3A_268 = tpu.memref_slice %arg3[%add3A_238] : memref<327680xi32, #tpu.memory_space<hbm>> -> memref<128xi32, #tpu.memory_space<hbm>>
        tpu.wait_dma2 semaphore(%run_scoped3A_252 : memref<!tpu.dma_semaphore, #tpu.memory_space<semaphore_mem>>) src(%dma_wait3A_268 : memref<128xi32, #tpu.memory_space<hbm>>) dst(%dma_wait3A_267 : memref<128xi32, #tpu.memory_space<vmem>>)
        tpu.yield
      }) : () -> ()
      %dma_start3A_240 = arith.constant 1 : i32
      %dma_start3A_241 = arith.constant 1 : i32
      %dma_start3A_242 = arith.constant 0 : i32
      %dma_start3A_243 = arith.constant 0 : i32
      %dma_start3A_244 = tpu.memref_slice %arg6[%dma_start3A_241, %dma_start3A_242, %dma_start3A_243] : memref<2x128x128xf32, #tpu.memory_space<vmem>> -> memref<1x128x128xf32, #tpu.memory_space<vmem>>
      %dma_start3A_245 = tpu.memref_squeeze %dma_start3A_244 : memref<1x128x128xf32, #tpu.memory_space<vmem>> -> memref<128x128xf32, #tpu.memory_space<vmem>>
      %dma_start3A_246 = arith.constant 0 : i32
      %dma_start3A_247 = tpu.memref_slice %arg5[%dma_start3A_240, %dma_start3A_246] : memref<2x128xi32, #tpu.memory_space<vmem>> -> memref<1x128xi32, #tpu.memory_space<vmem>>
      %dma_start3A_248 = tpu.memref_squeeze %dma_start3A_247 : memref<1x128xi32, #tpu.memory_space<vmem>> -> memref<128xi32, #tpu.memory_space<vmem>>
      %dma_start3A_249 = arith.constant 0 : i32
      %dma_start3A_250 = arith.constant 0 : i32
      %dma_start3A_251 = tpu.memref_slice %arg2[%dma_start3A_249, %dma_start3A_250] : memref<10240x128xf32, #tpu.memory_space<hbm>> -> memref<10240x128xf32, #tpu.memory_space<hbm>>
      tpu.enqueue_indirect_dma source(%dma_start3A_251 : memref<10240x128xf32, #tpu.memory_space<hbm>>) target(%dma_start3A_245 : memref<128x128xf32, #tpu.memory_space<vmem>>) offsets(%dma_start3A_248 : memref<128xi32, #tpu.memory_space<vmem>>) semaphore(%arg8 : memref<!tpu.dma_semaphore, #tpu.memory_space<semaphore_mem>>)
    }
    %scan3A_35 = arith.constant 39 : i32
    %dma_wait3A = arith.constant 0 : i32
    %dma_wait3A_36 = arith.constant 0 : i32
    %dma_wait3A_37 = arith.constant 0 : i32
    %dma_wait3A_38 = arith.constant 0 : i32
    %dma_wait3A_39 = tpu.memref_slice %arg6[%dma_wait3A_36, %dma_wait3A_37, %dma_wait3A_38] : memref<2x128x128xf32, #tpu.memory_space<vmem>> -> memref<1x128x128xf32, #tpu.memory_space<vmem>>
    %dma_wait3A_40 = tpu.memref_squeeze %dma_wait3A_39 : memref<1x128x128xf32, #tpu.memory_space<vmem>> -> memref<128x128xf32, #tpu.memory_space<vmem>>
    %dma_wait3A_41 = arith.constant 0 : i32
    %dma_wait3A_42 = tpu.memref_slice %arg5[%dma_wait3A, %dma_wait3A_41] : memref<2x128xi32, #tpu.memory_space<vmem>> -> memref<1x128xi32, #tpu.memory_space<vmem>>
    %dma_wait3A_43 = tpu.memref_squeeze %dma_wait3A_42 : memref<1x128xi32, #tpu.memory_space<vmem>> -> memref<128xi32, #tpu.memory_space<vmem>>
    %dma_wait3A_44 = arith.constant 0 : i32
    %dma_wait3A_45 = arith.constant 0 : i32
    %dma_wait3A_46 = tpu.memref_slice %arg2[%dma_wait3A_44, %dma_wait3A_45] : memref<10240x128xf32, #tpu.memory_space<hbm>> -> memref<10240x128xf32, #tpu.memory_space<hbm>>
    tpu.wait_indirect_dma semaphore(%arg7 : memref<!tpu.dma_semaphore, #tpu.memory_space<semaphore_mem>>) src(%dma_wait3A_46 : memref<10240x128xf32, #tpu.memory_space<hbm>>) dst(%dma_wait3A_40 : memref<128x128xf32, #tpu.memory_space<vmem>>)
    %add3A_47 = arith.constant 9984 : i32
    %add3A_48 = arith.addi %mul3A_2, %add3A_47 : i32
    %dma_start3A_49 = arith.constant 0 : i32
    %dma_start3A_50 = arith.constant 0 : i32
    %dma_start3A_51 = arith.constant 0 : i32
    %dma_start3A_52 = tpu.memref_slice %arg6[%dma_start3A_49, %dma_start3A_50, %dma_start3A_51] : memref<2x128x128xf32, #tpu.memory_space<vmem>> -> memref<1x128x128xf32, #tpu.memory_space<vmem>>
    %dma_start3A_53 = tpu.memref_squeeze %dma_start3A_52 : memref<1x128x128xf32, #tpu.memory_space<vmem>> -> memref<128x128xf32, #tpu.memory_space<vmem>>
    %dma_start3A_54 = arith.constant 0 : i32
    %dma_start3A_55 = tpu.memref_slice %arg4[%add3A_48, %dma_start3A_54] : memref<327680x128xf32, #tpu.memory_space<hbm>> -> memref<128x128xf32, #tpu.memory_space<hbm>>
    %dma_start3A_56 = arith.constant 0 : i32
    %dma_start3A_57 = tpu.memref_slice %arg4[%add3A_48, %dma_start3A_56] : memref<327680x128xf32, #tpu.memory_space<hbm>> -> memref<128x128xf32, #tpu.memory_space<hbm>>
    %dma_start3A_58 = arith.constant 0 : i32
    %dma_start3A_59 = arith.constant 0 : i32
    %dma_start3A_60 = tpu.memref_slice %arg6[%dma_start3A_49, %dma_start3A_58, %dma_start3A_59] : memref<2x128x128xf32, #tpu.memory_space<vmem>> -> memref<1x128x128xf32, #tpu.memory_space<vmem>>
    %dma_start3A_61 = tpu.memref_squeeze %dma_start3A_60 : memref<1x128x128xf32, #tpu.memory_space<vmem>> -> memref<128x128xf32, #tpu.memory_space<vmem>>
    tpu.enqueue_dma source(%dma_start3A_61 : memref<128x128xf32, #tpu.memory_space<vmem>>) target(%dma_start3A_57 : memref<128x128xf32, #tpu.memory_space<hbm>>) target_semaphore(%arg9 : memref<!tpu.dma_semaphore, #tpu.memory_space<semaphore_mem>>)
    %add3A_62 = arith.constant 9984 : i32
    %add3A_63 = arith.addi %mul3A_2, %add3A_62 : i32
    %dma_wait3A_64 = arith.constant 0 : i32
    %dma_wait3A_65 = arith.constant 0 : i32
    %dma_wait3A_66 = arith.constant 0 : i32
    %dma_wait3A_67 = tpu.memref_slice %arg6[%dma_wait3A_64, %dma_wait3A_65, %dma_wait3A_66] : memref<2x128x128xf32, #tpu.memory_space<vmem>> -> memref<1x128x128xf32, #tpu.memory_space<vmem>>
    %dma_wait3A_68 = tpu.memref_squeeze %dma_wait3A_67 : memref<1x128x128xf32, #tpu.memory_space<vmem>> -> memref<128x128xf32, #tpu.memory_space<vmem>>
    %dma_wait3A_69 = arith.constant 0 : i32
    %dma_wait3A_70 = tpu.memref_slice %arg4[%add3A_63, %dma_wait3A_69] : memref<327680x128xf32, #tpu.memory_space<hbm>> -> memref<128x128xf32, #tpu.memory_space<hbm>>
    %dma_wait3A_71 = arith.constant 0 : i32
    %dma_wait3A_72 = tpu.memref_slice %arg4[%add3A_63, %dma_wait3A_71] : memref<327680x128xf32, #tpu.memory_space<hbm>> -> memref<128x128xf32, #tpu.memory_space<hbm>>
    %dma_wait3A_73 = arith.constant 0 : i32
    %dma_wait3A_74 = arith.constant 0 : i32
    %dma_wait3A_75 = tpu.memref_slice %arg6[%dma_wait3A_64, %dma_wait3A_73, %dma_wait3A_74] : memref<2x128x128xf32, #tpu.memory_space<vmem>> -> memref<1x128x128xf32, #tpu.memory_space<vmem>>
    %dma_wait3A_76 = tpu.memref_squeeze %dma_wait3A_75 : memref<1x128x128xf32, #tpu.memory_space<vmem>> -> memref<128x128xf32, #tpu.memory_space<vmem>>
    tpu.wait_dma2 semaphore(%arg9 : memref<!tpu.dma_semaphore, #tpu.memory_space<semaphore_mem>>) src(%dma_wait3A_76 : memref<128x128xf32, #tpu.memory_space<vmem>>) dst(%dma_wait3A_72 : memref<128x128xf32, #tpu.memory_space<hbm>>)
    %dma_wait3A_77 = arith.constant 1 : i32
    %dma_wait3A_78 = arith.constant 1 : i32
    %dma_wait3A_79 = arith.constant 0 : i32
    %dma_wait3A_80 = arith.constant 0 : i32
    %dma_wait3A_81 = tpu.memref_slice %arg6[%dma_wait3A_78, %dma_wait3A_79, %dma_wait3A_80] : memref<2x128x128xf32, #tpu.memory_space<vmem>> -> memref<1x128x128xf32, #tpu.memory_space<vmem>>
    %dma_wait3A_82 = tpu.memref_squeeze %dma_wait3A_81 : memref<1x128x128xf32, #tpu.memory_space<vmem>> -> memref<128x128xf32, #tpu.memory_space<vmem>>
    %dma_wait3A_83 = arith.constant 0 : i32
    %dma_wait3A_84 = tpu.memref_slice %arg5[%dma_wait3A_77, %dma_wait3A_83] : memref<2x128xi32, #tpu.memory_space<vmem>> -> memref<1x128xi32, #tpu.memory_space<vmem>>
    %dma_wait3A_85 = tpu.memref_squeeze %dma_wait3A_84 : memref<1x128xi32, #tpu.memory_space<vmem>> -> memref<128xi32, #tpu.memory_space<vmem>>
    %dma_wait3A_86 = arith.constant 0 : i32
    %dma_wait3A_87 = arith.constant 0 : i32
    %dma_wait3A_88 = tpu.memref_slice %arg2[%dma_wait3A_86, %dma_wait3A_87] : memref<10240x128xf32, #tpu.memory_space<hbm>> -> memref<10240x128xf32, #tpu.memory_space<hbm>>
    tpu.wait_indirect_dma semaphore(%arg8 : memref<!tpu.dma_semaphore, #tpu.memory_space<semaphore_mem>>) src(%dma_wait3A_88 : memref<10240x128xf32, #tpu.memory_space<hbm>>) dst(%dma_wait3A_82 : memref<128x128xf32, #tpu.memory_space<vmem>>)
    %add3A_89 = arith.constant 10112 : i32
    %add3A_90 = arith.addi %mul3A_2, %add3A_89 : i32
    %dma_start3A_91 = arith.constant 1 : i32
    %dma_start3A_92 = arith.constant 0 : i32
    %dma_start3A_93 = arith.constant 0 : i32
    %dma_start3A_94 = tpu.memref_slice %arg6[%dma_start3A_91, %dma_start3A_92, %dma_start3A_93] : memref<2x128x128xf32, #tpu.memory_space<vmem>> -> memref<1x128x128xf32, #tpu.memory_space<vmem>>
    %dma_start3A_95 = tpu.memref_squeeze %dma_start3A_94 : memref<1x128x128xf32, #tpu.memory_space<vmem>> -> memref<128x128xf32, #tpu.memory_space<vmem>>
    %dma_start3A_96 = arith.constant 0 : i32
    %dma_start3A_97 = tpu.memref_slice %arg4[%add3A_90, %dma_start3A_96] : memref<327680x128xf32, #tpu.memory_space<hbm>> -> memref<128x128xf32, #tpu.memory_space<hbm>>
    %dma_start3A_98 = arith.constant 0 : i32
    %dma_start3A_99 = tpu.memref_slice %arg4[%add3A_90, %dma_start3A_98] : memref<327680x128xf32, #tpu.memory_space<hbm>> -> memref<128x128xf32, #tpu.memory_space<hbm>>
    %dma_start3A_100 = arith.constant 0 : i32
    %dma_start3A_101 = arith.constant 0 : i32
    %dma_start3A_102 = tpu.memref_slice %arg6[%dma_start3A_91, %dma_start3A_100, %dma_start3A_101] : memref<2x128x128xf32, #tpu.memory_space<vmem>> -> memref<1x128x128xf32, #tpu.memory_space<vmem>>
    %dma_start3A_103 = tpu.memref_squeeze %dma_start3A_102 : memref<1x128x128xf32, #tpu.memory_space<vmem>> -> memref<128x128xf32, #tpu.memory_space<vmem>>
    tpu.enqueue_dma source(%dma_start3A_103 : memref<128x128xf32, #tpu.memory_space<vmem>>) target(%dma_start3A_99 : memref<128x128xf32, #tpu.memory_space<hbm>>) target_semaphore(%arg10 : memref<!tpu.dma_semaphore, #tpu.memory_space<semaphore_mem>>)
    %add3A_104 = arith.constant 10112 : i32
    %add3A_105 = arith.addi %mul3A_2, %add3A_104 : i32
    %dma_wait3A_106 = arith.constant 1 : i32
    %dma_wait3A_107 = arith.constant 0 : i32
    %dma_wait3A_108 = arith.constant 0 : i32
    %dma_wait3A_109 = tpu.memref_slice %arg6[%dma_wait3A_106, %dma_wait3A_107, %dma_wait3A_108] : memref<2x128x128xf32, #tpu.memory_space<vmem>> -> memref<1x128x128xf32, #tpu.memory_space<vmem>>
    %dma_wait3A_110 = tpu.memref_squeeze %dma_wait3A_109 : memref<1x128x128xf32, #tpu.memory_space<vmem>> -> memref<128x128xf32, #tpu.memory_space<vmem>>
    %dma_wait3A_111 = arith.constant 0 : i32
    %dma_wait3A_112 = tpu.memref_slice %arg4[%add3A_105, %dma_wait3A_111] : memref<327680x128xf32, #tpu.memory_space<hbm>> -> memref<128x128xf32, #tpu.memory_space<hbm>>
    %dma_wait3A_113 = arith.constant 0 : i32
    %dma_wait3A_114 = tpu.memref_slice %arg4[%add3A_105, %dma_wait3A_113] : memref<327680x128xf32, #tpu.memory_space<hbm>> -> memref<128x128xf32, #tpu.memory_space<hbm>>
    %dma_wait3A_115 = arith.constant 0 : i32
    %dma_wait3A_116 = arith.constant 0 : i32
    %dma_wait3A_117 = tpu.memref_slice %arg6[%dma_wait3A_106, %dma_wait3A_115, %dma_wait3A_116] : memref<2x128x128xf32, #tpu.memory_space<vmem>> -> memref<1x128x128xf32, #tpu.memory_space<vmem>>
    %dma_wait3A_118 = tpu.memref_squeeze %dma_wait3A_117 : memref<1x128x128xf32, #tpu.memory_space<vmem>> -> memref<128x128xf32, #tpu.memory_space<vmem>>
    tpu.wait_dma2 semaphore(%arg10 : memref<!tpu.dma_semaphore, #tpu.memory_space<semaphore_mem>>) src(%dma_wait3A_118 : memref<128x128xf32, #tpu.memory_space<vmem>>) dst(%dma_wait3A_114 : memref<128x128xf32, #tpu.memory_space<hbm>>)
    return
  }
}

#map = affine_map<(d0, d1) -> (0, 0)>
#map1 = affine_map<(d0, d1) -> (0)>
module attributes {stable_mosaic.version = 14 : i64} {
  func.func @gk(%arg0: i32, %arg1: i32, %arg2: memref<10240x128xf32, #tpu.memory_space<hbm>>, %arg3: memref<327680xi32, #tpu.memory_space<hbm>>, %arg4: memref<327680x128xf32, #tpu.memory_space<hbm>>, %arg5: memref<2x128xi32, #tpu.memory_space<vmem>>, %arg6: memref<2x128x128xf32, #tpu.memory_space<vmem>>, %arg7: memref<!tpu.dma_semaphore, #tpu.memory_space<semaphore_mem>>, %arg8: memref<!tpu.dma_semaphore, #tpu.memory_space<semaphore_mem>>, %arg9: memref<!tpu.dma_semaphore, #tpu.memory_space<semaphore_mem>>, %arg10: memref<!tpu.dma_semaphore, #tpu.memory_space<semaphore_mem>>) attributes {dimension_semantics = [#tpu.dimension_semantics<core_parallel>, #tpu.dimension_semantics<subcore_parallel>], iteration_bounds = array<i64: 2, 16>, scalar_prefetch = 0 : i64, scratch_operands = 6 : i64, tpu.core_type = #tpu.core_type<sc_vector_subcore>, window_params = [{transform_indices = #map}, {transform_indices = #map1}, {transform_indices = #map}]} {
    %mul3A = arith.constant 2 : i32
    %mul3A_0 = arith.muli %arg1, %mul3A : i32
    %add3A = arith.addi %mul3A_0, %arg0 : i32
    %mul3A_1 = arith.constant 10240 : i32
    %mul3A_2 = arith.muli %add3A, %mul3A_1 : i32
    %add3A_3 = arith.constant 0 : i32
    %add3A_4 = arith.addi %mul3A_2, %add3A_3 : i32
    %run_scoped3A = arith.constant 0 : i32
    "tpu.region"() ({
      %run_scoped3A_119 = tpu.sem_alloc : memref<!tpu.dma_semaphore, #tpu.memory_space<semaphore_mem>>
      %dma_start3A_120 = arith.constant 0 : i32
      %dma_start3A_121 = tpu.memref_slice %arg5[%run_scoped3A, %dma_start3A_120] : memref<2x128xi32, #tpu.memory_space<vmem>> -> memref<1x128xi32, #tpu.memory_space<vmem>>
      %dma_start3A_122 = tpu.memref_squeeze %dma_start3A_121 : memref<1x128xi32, #tpu.memory_space<vmem>> -> memref<128xi32, #tpu.memory_space<vmem>>
      %dma_start3A_123 = tpu.memref_slice %arg3[%add3A_4] : memref<327680xi32, #tpu.memory_space<hbm>> -> memref<128xi32, #tpu.memory_space<hbm>>
      %dma_start3A_124 = arith.constant 0 : i32
      %dma_start3A_125 = tpu.memref_slice %arg5[%run_scoped3A, %dma_start3A_124] : memref<2x128xi32, #tpu.memory_space<vmem>> -> memref<1x128xi32, #tpu.memory_space<vmem>>
      %dma_start3A_126 = tpu.memref_squeeze %dma_start3A_125 : memref<1x128xi32, #tpu.memory_space<vmem>> -> memref<128xi32, #tpu.memory_space<vmem>>
      %dma_start3A_127 = tpu.memref_slice %arg3[%add3A_4] : memref<327680xi32, #tpu.memory_space<hbm>> -> memref<128xi32, #tpu.memory_space<hbm>>
      tpu.enqueue_dma source(%dma_start3A_127 : memref<128xi32, #tpu.memory_space<hbm>>) target(%dma_start3A_126 : memref<128xi32, #tpu.memory_space<vmem>>) target_semaphore(%run_scoped3A_119 : memref<!tpu.dma_semaphore, #tpu.memory_space<semaphore_mem>>)
      %dma_wait3A_128 = arith.constant 0 : i32
      %dma_wait3A_129 = tpu.memref_slice %arg5[%run_scoped3A, %dma_wait3A_128] : memref<2x128xi32, #tpu.memory_space<vmem>> -> memref<1x128xi32, #tpu.memory_space<vmem>>
      %dma_wait3A_130 = tpu.memref_squeeze %dma_wait3A_129 : memref<1x128xi32, #tpu.memory_space<vmem>> -> memref<128xi32, #tpu.memory_space<vmem>>
      %dma_wait3A_131 = tpu.memref_slice %arg3[%add3A_4] : memref<327680xi32, #tpu.memory_space<hbm>> -> memref<128xi32, #tpu.memory_space<hbm>>
      %dma_wait3A_132 = arith.constant 0 : i32
      %dma_wait3A_133 = tpu.memref_slice %arg5[%run_scoped3A, %dma_wait3A_132] : memref<2x128xi32, #tpu.memory_space<vmem>> -> memref<1x128xi32, #tpu.memory_space<vmem>>
      %dma_wait3A_134 = tpu.memref_squeeze %dma_wait3A_133 : memref<1x128xi32, #tpu.memory_space<vmem>> -> memref<128xi32, #tpu.memory_space<vmem>>
      %dma_wait3A_135 = tpu.memref_slice %arg3[%add3A_4] : memref<327680xi32, #tpu.memory_space<hbm>> -> memref<128xi32, #tpu.memory_space<hbm>>
      tpu.wait_dma2 semaphore(%run_scoped3A_119 : memref<!tpu.dma_semaphore, #tpu.memory_space<semaphore_mem>>) src(%dma_wait3A_135 : memref<128xi32, #tpu.memory_space<hbm>>) dst(%dma_wait3A_134 : memref<128xi32, #tpu.memory_space<vmem>>)
      tpu.yield
    }) : () -> ()
    %dma_start3A = arith.constant 0 : i32
    %dma_start3A_5 = arith.constant 0 : i32
    %dma_start3A_6 = arith.constant 0 : i32
    %dma_start3A_7 = arith.constant 0 : i32
    %dma_start3A_8 = tpu.memref_slice %arg6[%dma_start3A_5, %dma_start3A_6, %dma_start3A_7] : memref<2x128x128xf32, #tpu.memory_space<vmem>> -> memref<1x128x128xf32, #tpu.memory_space<vmem>>
    %dma_start3A_9 = tpu.memref_squeeze %dma_start3A_8 : memref<1x128x128xf32, #tpu.memory_space<vmem>> -> memref<128x128xf32, #tpu.memory_space<vmem>>
    %dma_start3A_10 = arith.constant 0 : i32
    %dma_start3A_11 = tpu.memref_slice %arg5[%dma_start3A, %dma_start3A_10] : memref<2x128xi32, #tpu.memory_space<vmem>> -> memref<1x128xi32, #tpu.memory_space<vmem>>
    %dma_start3A_12 = tpu.memref_squeeze %dma_start3A_11 : memref<1x128xi32, #tpu.memory_space<vmem>> -> memref<128xi32, #tpu.memory_space<vmem>>
    %dma_start3A_13 = arith.constant 0 : i32
    %dma_start3A_14 = arith.constant 0 : i32
    %dma_start3A_15 = tpu.memref_slice %arg2[%dma_start3A_13, %dma_start3A_14] : memref<10240x128xf32, #tpu.memory_space<hbm>> -> memref<10240x128xf32, #tpu.memory_space<hbm>>
    tpu.enqueue_indirect_dma source(%dma_start3A_15 : memref<10240x128xf32, #tpu.memory_space<hbm>>) target(%dma_start3A_9 : memref<128x128xf32, #tpu.memory_space<vmem>>) offsets(%dma_start3A_12 : memref<128xi32, #tpu.memory_space<vmem>>) semaphore(%arg7 : memref<!tpu.dma_semaphore, #tpu.memory_space<semaphore_mem>>)
    %add3A_16 = arith.constant 128 : i32
    %add3A_17 = arith.addi %mul3A_2, %add3A_16 : i32
    %run_scoped3A_18 = arith.constant 1 : i32
    "tpu.region"() ({
      %run_scoped3A_119 = tpu.sem_alloc : memref<!tpu.dma_semaphore, #tpu.memory_space<semaphore_mem>>
      %dma_start3A_120 = arith.constant 0 : i32
      %dma_start3A_121 = tpu.memref_slice %arg5[%run_scoped3A_18, %dma_start3A_120] : memref<2x128xi32, #tpu.memory_space<vmem>> -> memref<1x128xi32, #tpu.memory_space<vmem>>
      %dma_start3A_122 = tpu.memref_squeeze %dma_start3A_121 : memref<1x128xi32, #tpu.memory_space<vmem>> -> memref<128xi32, #tpu.memory_space<vmem>>
      %dma_start3A_123 = tpu.memref_slice %arg3[%add3A_17] : memref<327680xi32, #tpu.memory_space<hbm>> -> memref<128xi32, #tpu.memory_space<hbm>>
      %dma_start3A_124 = arith.constant 0 : i32
      %dma_start3A_125 = tpu.memref_slice %arg5[%run_scoped3A_18, %dma_start3A_124] : memref<2x128xi32, #tpu.memory_space<vmem>> -> memref<1x128xi32, #tpu.memory_space<vmem>>
      %dma_start3A_126 = tpu.memref_squeeze %dma_start3A_125 : memref<1x128xi32, #tpu.memory_space<vmem>> -> memref<128xi32, #tpu.memory_space<vmem>>
      %dma_start3A_127 = tpu.memref_slice %arg3[%add3A_17] : memref<327680xi32, #tpu.memory_space<hbm>> -> memref<128xi32, #tpu.memory_space<hbm>>
      tpu.enqueue_dma source(%dma_start3A_127 : memref<128xi32, #tpu.memory_space<hbm>>) target(%dma_start3A_126 : memref<128xi32, #tpu.memory_space<vmem>>) target_semaphore(%run_scoped3A_119 : memref<!tpu.dma_semaphore, #tpu.memory_space<semaphore_mem>>)
      %dma_wait3A_128 = arith.constant 0 : i32
      %dma_wait3A_129 = tpu.memref_slice %arg5[%run_scoped3A_18, %dma_wait3A_128] : memref<2x128xi32, #tpu.memory_space<vmem>> -> memref<1x128xi32, #tpu.memory_space<vmem>>
      %dma_wait3A_130 = tpu.memref_squeeze %dma_wait3A_129 : memref<1x128xi32, #tpu.memory_space<vmem>> -> memref<128xi32, #tpu.memory_space<vmem>>
      %dma_wait3A_131 = tpu.memref_slice %arg3[%add3A_17] : memref<327680xi32, #tpu.memory_space<hbm>> -> memref<128xi32, #tpu.memory_space<hbm>>
      %dma_wait3A_132 = arith.constant 0 : i32
      %dma_wait3A_133 = tpu.memref_slice %arg5[%run_scoped3A_18, %dma_wait3A_132] : memref<2x128xi32, #tpu.memory_space<vmem>> -> memref<1x128xi32, #tpu.memory_space<vmem>>
      %dma_wait3A_134 = tpu.memref_squeeze %dma_wait3A_133 : memref<1x128xi32, #tpu.memory_space<vmem>> -> memref<128xi32, #tpu.memory_space<vmem>>
      %dma_wait3A_135 = tpu.memref_slice %arg3[%add3A_17] : memref<327680xi32, #tpu.memory_space<hbm>> -> memref<128xi32, #tpu.memory_space<hbm>>
      tpu.wait_dma2 semaphore(%run_scoped3A_119 : memref<!tpu.dma_semaphore, #tpu.memory_space<semaphore_mem>>) src(%dma_wait3A_135 : memref<128xi32, #tpu.memory_space<hbm>>) dst(%dma_wait3A_134 : memref<128xi32, #tpu.memory_space<vmem>>)
      tpu.yield
    }) : () -> ()
    %dma_start3A_19 = arith.constant 1 : i32
    %dma_start3A_20 = arith.constant 1 : i32
    %dma_start3A_21 = arith.constant 0 : i32
    %dma_start3A_22 = arith.constant 0 : i32
    %dma_start3A_23 = tpu.memref_slice %arg6[%dma_start3A_20, %dma_start3A_21, %dma_start3A_22] : memref<2x128x128xf32, #tpu.memory_space<vmem>> -> memref<1x128x128xf32, #tpu.memory_space<vmem>>
    %dma_start3A_24 = tpu.memref_squeeze %dma_start3A_23 : memref<1x128x128xf32, #tpu.memory_space<vmem>> -> memref<128x128xf32, #tpu.memory_space<vmem>>
    %dma_start3A_25 = arith.constant 0 : i32
    %dma_start3A_26 = tpu.memref_slice %arg5[%dma_start3A_19, %dma_start3A_25] : memref<2x128xi32, #tpu.memory_space<vmem>> -> memref<1x128xi32, #tpu.memory_space<vmem>>
    %dma_start3A_27 = tpu.memref_squeeze %dma_start3A_26 : memref<1x128xi32, #tpu.memory_space<vmem>> -> memref<128xi32, #tpu.memory_space<vmem>>
    %dma_start3A_28 = arith.constant 0 : i32
    %dma_start3A_29 = arith.constant 0 : i32
    %dma_start3A_30 = tpu.memref_slice %arg2[%dma_start3A_28, %dma_start3A_29] : memref<10240x128xf32, #tpu.memory_space<hbm>> -> memref<10240x128xf32, #tpu.memory_space<hbm>>
    tpu.enqueue_indirect_dma source(%dma_start3A_30 : memref<10240x128xf32, #tpu.memory_space<hbm>>) target(%dma_start3A_24 : memref<128x128xf32, #tpu.memory_space<vmem>>) offsets(%dma_start3A_27 : memref<128xi32, #tpu.memory_space<vmem>>) semaphore(%arg8 : memref<!tpu.dma_semaphore, #tpu.memory_space<semaphore_mem>>)
    %scan3A = arith.constant 0 : i32
    %scan3A_31 = arith.constant 0 : i32
    %scan3A_32 = arith.constant 39 : i32
    %scan3A_33 = arith.addi %scan3A_31, %scan3A_32 : i32
    %scan3A_34 = arith.constant 1 : i32
    scf.for %scan3A_119 = %scan3A_31 to %scan3A_33 step %scan3A_34  : i32 {
      %mul3A_120 = arith.constant 2 : i32
      %mul3A_121 = arith.muli %scan3A_119, %mul3A_120 : i32
      %add3A_122 = arith.constant 0 : i32
      %add3A_123 = arith.addi %mul3A_121, %add3A_122 : i32
      %dma_wait3A_124 = arith.constant 0 : i32
      %dma_wait3A_125 = arith.constant 0 : i32
      %dma_wait3A_126 = arith.constant 0 : i32
      %dma_wait3A_127 = arith.constant 0 : i32
      %dma_wait3A_128 = tpu.memref_slice %arg6[%dma_wait3A_125, %dma_wait3A_126, %dma_wait3A_127] : memref<2x128x128xf32, #tpu.memory_space<vmem>> -> memref<1x128x128xf32, #tpu.memory_space<vmem>>
      %dma_wait3A_129 = tpu.memref_squeeze %dma_wait3A_128 : memref<1x128x128xf32, #tpu.memory_space<vmem>> -> memref<128x128xf32, #tpu.memory_space<vmem>>
      %dma_wait3A_130 = arith.constant 0 : i32
      %dma_wait3A_131 = tpu.memref_slice %arg5[%dma_wait3A_124, %dma_wait3A_130] : memref<2x128xi32, #tpu.memory_space<vmem>> -> memref<1x128xi32, #tpu.memory_space<vmem>>
      %dma_wait3A_132 = tpu.memref_squeeze %dma_wait3A_131 : memref<1x128xi32, #tpu.memory_space<vmem>> -> memref<128xi32, #tpu.memory_space<vmem>>
      %dma_wait3A_133 = arith.constant 0 : i32
      %dma_wait3A_134 = arith.constant 0 : i32
      %dma_wait3A_135 = tpu.memref_slice %arg2[%dma_wait3A_133, %dma_wait3A_134] : memref<10240x128xf32, #tpu.memory_space<hbm>> -> memref<10240x128xf32, #tpu.memory_space<hbm>>
      tpu.wait_indirect_dma semaphore(%arg7 : memref<!tpu.dma_semaphore, #tpu.memory_space<semaphore_mem>>) src(%dma_wait3A_135 : memref<10240x128xf32, #tpu.memory_space<hbm>>) dst(%dma_wait3A_129 : memref<128x128xf32, #tpu.memory_space<vmem>>)
      %mul3A_136 = arith.constant 128 : i32
      %mul3A_137 = arith.muli %add3A_123, %mul3A_136 : i32
      %add3A_138 = arith.addi %mul3A_2, %mul3A_137 : i32
      %dma_start3A_139 = arith.constant 0 : i32
      %dma_start3A_140 = arith.constant 0 : i32
      %dma_start3A_141 = arith.constant 0 : i32
      %dma_start3A_142 = tpu.memref_slice %arg6[%dma_start3A_139, %dma_start3A_140, %dma_start3A_141] : memref<2x128x128xf32, #tpu.memory_space<vmem>> -> memref<1x128x128xf32, #tpu.memory_space<vmem>>
      %dma_start3A_143 = tpu.memref_squeeze %dma_start3A_142 : memref<1x128x128xf32, #tpu.memory_space<vmem>> -> memref<128x128xf32, #tpu.memory_space<vmem>>
      %dma_start3A_144 = arith.constant 0 : i32
      %dma_start3A_145 = tpu.memref_slice %arg4[%add3A_138, %dma_start3A_144] : memref<327680x128xf32, #tpu.memory_space<hbm>> -> memref<128x128xf32, #tpu.memory_space<hbm>>
      %dma_start3A_146 = arith.constant 0 : i32
      %dma_start3A_147 = tpu.memref_slice %arg4[%add3A_138, %dma_start3A_146] : memref<327680x128xf32, #tpu.memory_space<hbm>> -> memref<128x128xf32, #tpu.memory_space<hbm>>
      %dma_start3A_148 = arith.constant 0 : i32
      %dma_start3A_149 = arith.constant 0 : i32
      %dma_start3A_150 = tpu.memref_slice %arg6[%dma_start3A_139, %dma_start3A_148, %dma_start3A_149] : memref<2x128x128xf32, #tpu.memory_space<vmem>> -> memref<1x128x128xf32, #tpu.memory_space<vmem>>
      %dma_start3A_151 = tpu.memref_squeeze %dma_start3A_150 : memref<1x128x128xf32, #tpu.memory_space<vmem>> -> memref<128x128xf32, #tpu.memory_space<vmem>>
      tpu.enqueue_dma source(%dma_start3A_151 : memref<128x128xf32, #tpu.memory_space<vmem>>) target(%dma_start3A_147 : memref<128x128xf32, #tpu.memory_space<hbm>>) target_semaphore(%arg9 : memref<!tpu.dma_semaphore, #tpu.memory_space<semaphore_mem>>)
      %mul3A_152 = arith.constant 128 : i32
      %mul3A_153 = arith.muli %add3A_123, %mul3A_152 : i32
      %add3A_154 = arith.addi %mul3A_2, %mul3A_153 : i32
      %dma_wait3A_155 = arith.constant 0 : i32
      %dma_wait3A_156 = arith.constant 0 : i32
      %dma_wait3A_157 = arith.constant 0 : i32
      %dma_wait3A_158 = tpu.memref_slice %arg6[%dma_wait3A_155, %dma_wait3A_156, %dma_wait3A_157] : memref<2x128x128xf32, #tpu.memory_space<vmem>> -> memref<1x128x128xf32, #tpu.memory_space<vmem>>
      %dma_wait3A_159 = tpu.memref_squeeze %dma_wait3A_158 : memref<1x128x128xf32, #tpu.memory_space<vmem>> -> memref<128x128xf32, #tpu.memory_space<vmem>>
      %dma_wait3A_160 = arith.constant 0 : i32
      %dma_wait3A_161 = tpu.memref_slice %arg4[%add3A_154, %dma_wait3A_160] : memref<327680x128xf32, #tpu.memory_space<hbm>> -> memref<128x128xf32, #tpu.memory_space<hbm>>
      %dma_wait3A_162 = arith.constant 0 : i32
      %dma_wait3A_163 = tpu.memref_slice %arg4[%add3A_154, %dma_wait3A_162] : memref<327680x128xf32, #tpu.memory_space<hbm>> -> memref<128x128xf32, #tpu.memory_space<hbm>>
      %dma_wait3A_164 = arith.constant 0 : i32
      %dma_wait3A_165 = arith.constant 0 : i32
      %dma_wait3A_166 = tpu.memref_slice %arg6[%dma_wait3A_155, %dma_wait3A_164, %dma_wait3A_165] : memref<2x128x128xf32, #tpu.memory_space<vmem>> -> memref<1x128x128xf32, #tpu.memory_space<vmem>>
      %dma_wait3A_167 = tpu.memref_squeeze %dma_wait3A_166 : memref<1x128x128xf32, #tpu.memory_space<vmem>> -> memref<128x128xf32, #tpu.memory_space<vmem>>
      tpu.wait_dma2 semaphore(%arg9 : memref<!tpu.dma_semaphore, #tpu.memory_space<semaphore_mem>>) src(%dma_wait3A_167 : memref<128x128xf32, #tpu.memory_space<vmem>>) dst(%dma_wait3A_163 : memref<128x128xf32, #tpu.memory_space<hbm>>)
      %add3A_168 = arith.constant 2 : i32
      %add3A_169 = arith.addi %add3A_123, %add3A_168 : i32
      %mul3A_170 = arith.constant 128 : i32
      %mul3A_171 = arith.muli %add3A_169, %mul3A_170 : i32
      %add3A_172 = arith.addi %mul3A_2, %mul3A_171 : i32
      %run_scoped3A_173 = arith.constant 0 : i32
      "tpu.region"() ({
        %run_scoped3A_252 = tpu.sem_alloc : memref<!tpu.dma_semaphore, #tpu.memory_space<semaphore_mem>>
        %dma_start3A_253 = arith.constant 0 : i32
        %dma_start3A_254 = tpu.memref_slice %arg5[%run_scoped3A_173, %dma_start3A_253] : memref<2x128xi32, #tpu.memory_space<vmem>> -> memref<1x128xi32, #tpu.memory_space<vmem>>
        %dma_start3A_255 = tpu.memref_squeeze %dma_start3A_254 : memref<1x128xi32, #tpu.memory_space<vmem>> -> memref<128xi32, #tpu.memory_space<vmem>>
        %dma_start3A_256 = tpu.memref_slice %arg3[%add3A_172] : memref<327680xi32, #tpu.memory_space<hbm>> -> memref<128xi32, #tpu.memory_space<hbm>>
        %dma_start3A_257 = arith.constant 0 : i32
        %dma_start3A_258 = tpu.memref_slice %arg5[%run_scoped3A_173, %dma_start3A_257] : memref<2x128xi32, #tpu.memory_space<vmem>> -> memref<1x128xi32, #tpu.memory_space<vmem>>
        %dma_start3A_259 = tpu.memref_squeeze %dma_start3A_258 : memref<1x128xi32, #tpu.memory_space<vmem>> -> memref<128xi32, #tpu.memory_space<vmem>>
        %dma_start3A_260 = tpu.memref_slice %arg3[%add3A_172] : memref<327680xi32, #tpu.memory_space<hbm>> -> memref<128xi32, #tpu.memory_space<hbm>>
        tpu.enqueue_dma source(%dma_start3A_260 : memref<128xi32, #tpu.memory_space<hbm>>) target(%dma_start3A_259 : memref<128xi32, #tpu.memory_space<vmem>>) target_semaphore(%run_scoped3A_252 : memref<!tpu.dma_semaphore, #tpu.memory_space<semaphore_mem>>)
        %dma_wait3A_261 = arith.constant 0 : i32
        %dma_wait3A_262 = tpu.memref_slice %arg5[%run_scoped3A_173, %dma_wait3A_261] : memref<2x128xi32, #tpu.memory_space<vmem>> -> memref<1x128xi32, #tpu.memory_space<vmem>>
        %dma_wait3A_263 = tpu.memref_squeeze %dma_wait3A_262 : memref<1x128xi32, #tpu.memory_space<vmem>> -> memref<128xi32, #tpu.memory_space<vmem>>
        %dma_wait3A_264 = tpu.memref_slice %arg3[%add3A_172] : memref<327680xi32, #tpu.memory_space<hbm>> -> memref<128xi32, #tpu.memory_space<hbm>>
        %dma_wait3A_265 = arith.constant 0 : i32
        %dma_wait3A_266 = tpu.memref_slice %arg5[%run_scoped3A_173, %dma_wait3A_265] : memref<2x128xi32, #tpu.memory_space<vmem>> -> memref<1x128xi32, #tpu.memory_space<vmem>>
        %dma_wait3A_267 = tpu.memref_squeeze %dma_wait3A_266 : memref<1x128xi32, #tpu.memory_space<vmem>> -> memref<128xi32, #tpu.memory_space<vmem>>
        %dma_wait3A_268 = tpu.memref_slice %arg3[%add3A_172] : memref<327680xi32, #tpu.memory_space<hbm>> -> memref<128xi32, #tpu.memory_space<hbm>>
        tpu.wait_dma2 semaphore(%run_scoped3A_252 : memref<!tpu.dma_semaphore, #tpu.memory_space<semaphore_mem>>) src(%dma_wait3A_268 : memref<128xi32, #tpu.memory_space<hbm>>) dst(%dma_wait3A_267 : memref<128xi32, #tpu.memory_space<vmem>>)
        tpu.yield
      }) : () -> ()
      %dma_start3A_174 = arith.constant 0 : i32
      %dma_start3A_175 = arith.constant 0 : i32
      %dma_start3A_176 = arith.constant 0 : i32
      %dma_start3A_177 = arith.constant 0 : i32
      %dma_start3A_178 = tpu.memref_slice %arg6[%dma_start3A_175, %dma_start3A_176, %dma_start3A_177] : memref<2x128x128xf32, #tpu.memory_space<vmem>> -> memref<1x128x128xf32, #tpu.memory_space<vmem>>
      %dma_start3A_179 = tpu.memref_squeeze %dma_start3A_178 : memref<1x128x128xf32, #tpu.memory_space<vmem>> -> memref<128x128xf32, #tpu.memory_space<vmem>>
      %dma_start3A_180 = arith.constant 0 : i32
      %dma_start3A_181 = tpu.memref_slice %arg5[%dma_start3A_174, %dma_start3A_180] : memref<2x128xi32, #tpu.memory_space<vmem>> -> memref<1x128xi32, #tpu.memory_space<vmem>>
      %dma_start3A_182 = tpu.memref_squeeze %dma_start3A_181 : memref<1x128xi32, #tpu.memory_space<vmem>> -> memref<128xi32, #tpu.memory_space<vmem>>
      %dma_start3A_183 = arith.constant 0 : i32
      %dma_start3A_184 = arith.constant 0 : i32
      %dma_start3A_185 = tpu.memref_slice %arg2[%dma_start3A_183, %dma_start3A_184] : memref<10240x128xf32, #tpu.memory_space<hbm>> -> memref<10240x128xf32, #tpu.memory_space<hbm>>
      tpu.enqueue_indirect_dma source(%dma_start3A_185 : memref<10240x128xf32, #tpu.memory_space<hbm>>) target(%dma_start3A_179 : memref<128x128xf32, #tpu.memory_space<vmem>>) offsets(%dma_start3A_182 : memref<128xi32, #tpu.memory_space<vmem>>) semaphore(%arg7 : memref<!tpu.dma_semaphore, #tpu.memory_space<semaphore_mem>>)
      %mul3A_186 = arith.constant 2 : i32
      %mul3A_187 = arith.muli %scan3A_119, %mul3A_186 : i32
      %add3A_188 = arith.constant 1 : i32
      %add3A_189 = arith.addi %mul3A_187, %add3A_188 : i32
      %dma_wait3A_190 = arith.constant 1 : i32
      %dma_wait3A_191 = arith.constant 1 : i32
      %dma_wait3A_192 = arith.constant 0 : i32
      %dma_wait3A_193 = arith.constant 0 : i32
      %dma_wait3A_194 = tpu.memref_slice %arg6[%dma_wait3A_191, %dma_wait3A_192, %dma_wait3A_193] : memref<2x128x128xf32, #tpu.memory_space<vmem>> -> memref<1x128x128xf32, #tpu.memory_space<vmem>>
      %dma_wait3A_195 = tpu.memref_squeeze %dma_wait3A_194 : memref<1x128x128xf32, #tpu.memory_space<vmem>> -> memref<128x128xf32, #tpu.memory_space<vmem>>
      %dma_wait3A_196 = arith.constant 0 : i32
      %dma_wait3A_197 = tpu.memref_slice %arg5[%dma_wait3A_190, %dma_wait3A_196] : memref<2x128xi32, #tpu.memory_space<vmem>> -> memref<1x128xi32, #tpu.memory_space<vmem>>
      %dma_wait3A_198 = tpu.memref_squeeze %dma_wait3A_197 : memref<1x128xi32, #tpu.memory_space<vmem>> -> memref<128xi32, #tpu.memory_space<vmem>>
      %dma_wait3A_199 = arith.constant 0 : i32
      %dma_wait3A_200 = arith.constant 0 : i32
      %dma_wait3A_201 = tpu.memref_slice %arg2[%dma_wait3A_199, %dma_wait3A_200] : memref<10240x128xf32, #tpu.memory_space<hbm>> -> memref<10240x128xf32, #tpu.memory_space<hbm>>
      tpu.wait_indirect_dma semaphore(%arg8 : memref<!tpu.dma_semaphore, #tpu.memory_space<semaphore_mem>>) src(%dma_wait3A_201 : memref<10240x128xf32, #tpu.memory_space<hbm>>) dst(%dma_wait3A_195 : memref<128x128xf32, #tpu.memory_space<vmem>>)
      %mul3A_202 = arith.constant 128 : i32
      %mul3A_203 = arith.muli %add3A_189, %mul3A_202 : i32
      %add3A_204 = arith.addi %mul3A_2, %mul3A_203 : i32
      %dma_start3A_205 = arith.constant 1 : i32
      %dma_start3A_206 = arith.constant 0 : i32
      %dma_start3A_207 = arith.constant 0 : i32
      %dma_start3A_208 = tpu.memref_slice %arg6[%dma_start3A_205, %dma_start3A_206, %dma_start3A_207] : memref<2x128x128xf32, #tpu.memory_space<vmem>> -> memref<1x128x128xf32, #tpu.memory_space<vmem>>
      %dma_start3A_209 = tpu.memref_squeeze %dma_start3A_208 : memref<1x128x128xf32, #tpu.memory_space<vmem>> -> memref<128x128xf32, #tpu.memory_space<vmem>>
      %dma_start3A_210 = arith.constant 0 : i32
      %dma_start3A_211 = tpu.memref_slice %arg4[%add3A_204, %dma_start3A_210] : memref<327680x128xf32, #tpu.memory_space<hbm>> -> memref<128x128xf32, #tpu.memory_space<hbm>>
      %dma_start3A_212 = arith.constant 0 : i32
      %dma_start3A_213 = tpu.memref_slice %arg4[%add3A_204, %dma_start3A_212] : memref<327680x128xf32, #tpu.memory_space<hbm>> -> memref<128x128xf32, #tpu.memory_space<hbm>>
      %dma_start3A_214 = arith.constant 0 : i32
      %dma_start3A_215 = arith.constant 0 : i32
      %dma_start3A_216 = tpu.memref_slice %arg6[%dma_start3A_205, %dma_start3A_214, %dma_start3A_215] : memref<2x128x128xf32, #tpu.memory_space<vmem>> -> memref<1x128x128xf32, #tpu.memory_space<vmem>>
      %dma_start3A_217 = tpu.memref_squeeze %dma_start3A_216 : memref<1x128x128xf32, #tpu.memory_space<vmem>> -> memref<128x128xf32, #tpu.memory_space<vmem>>
      tpu.enqueue_dma source(%dma_start3A_217 : memref<128x128xf32, #tpu.memory_space<vmem>>) target(%dma_start3A_213 : memref<128x128xf32, #tpu.memory_space<hbm>>) target_semaphore(%arg10 : memref<!tpu.dma_semaphore, #tpu.memory_space<semaphore_mem>>)
      %mul3A_218 = arith.constant 128 : i32
      %mul3A_219 = arith.muli %add3A_189, %mul3A_218 : i32
      %add3A_220 = arith.addi %mul3A_2, %mul3A_219 : i32
      %dma_wait3A_221 = arith.constant 1 : i32
      %dma_wait3A_222 = arith.constant 0 : i32
      %dma_wait3A_223 = arith.constant 0 : i32
      %dma_wait3A_224 = tpu.memref_slice %arg6[%dma_wait3A_221, %dma_wait3A_222, %dma_wait3A_223] : memref<2x128x128xf32, #tpu.memory_space<vmem>> -> memref<1x128x128xf32, #tpu.memory_space<vmem>>
      %dma_wait3A_225 = tpu.memref_squeeze %dma_wait3A_224 : memref<1x128x128xf32, #tpu.memory_space<vmem>> -> memref<128x128xf32, #tpu.memory_space<vmem>>
      %dma_wait3A_226 = arith.constant 0 : i32
      %dma_wait3A_227 = tpu.memref_slice %arg4[%add3A_220, %dma_wait3A_226] : memref<327680x128xf32, #tpu.memory_space<hbm>> -> memref<128x128xf32, #tpu.memory_space<hbm>>
      %dma_wait3A_228 = arith.constant 0 : i32
      %dma_wait3A_229 = tpu.memref_slice %arg4[%add3A_220, %dma_wait3A_228] : memref<327680x128xf32, #tpu.memory_space<hbm>> -> memref<128x128xf32, #tpu.memory_space<hbm>>
      %dma_wait3A_230 = arith.constant 0 : i32
      %dma_wait3A_231 = arith.constant 0 : i32
      %dma_wait3A_232 = tpu.memref_slice %arg6[%dma_wait3A_221, %dma_wait3A_230, %dma_wait3A_231] : memref<2x128x128xf32, #tpu.memory_space<vmem>> -> memref<1x128x128xf32, #tpu.memory_space<vmem>>
      %dma_wait3A_233 = tpu.memref_squeeze %dma_wait3A_232 : memref<1x128x128xf32, #tpu.memory_space<vmem>> -> memref<128x128xf32, #tpu.memory_space<vmem>>
      tpu.wait_dma2 semaphore(%arg10 : memref<!tpu.dma_semaphore, #tpu.memory_space<semaphore_mem>>) src(%dma_wait3A_233 : memref<128x128xf32, #tpu.memory_space<vmem>>) dst(%dma_wait3A_229 : memref<128x128xf32, #tpu.memory_space<hbm>>)
      %add3A_234 = arith.constant 2 : i32
      %add3A_235 = arith.addi %add3A_189, %add3A_234 : i32
      %mul3A_236 = arith.constant 128 : i32
      %mul3A_237 = arith.muli %add3A_235, %mul3A_236 : i32
      %add3A_238 = arith.addi %mul3A_2, %mul3A_237 : i32
      %run_scoped3A_239 = arith.constant 1 : i32
      "tpu.region"() ({
        %run_scoped3A_252 = tpu.sem_alloc : memref<!tpu.dma_semaphore, #tpu.memory_space<semaphore_mem>>
        %dma_start3A_253 = arith.constant 0 : i32
        %dma_start3A_254 = tpu.memref_slice %arg5[%run_scoped3A_239, %dma_start3A_253] : memref<2x128xi32, #tpu.memory_space<vmem>> -> memref<1x128xi32, #tpu.memory_space<vmem>>
        %dma_start3A_255 = tpu.memref_squeeze %dma_start3A_254 : memref<1x128xi32, #tpu.memory_space<vmem>> -> memref<128xi32, #tpu.memory_space<vmem>>
        %dma_start3A_256 = tpu.memref_slice %arg3[%add3A_238] : memref<327680xi32, #tpu.memory_space<hbm>> -> memref<128xi32, #tpu.memory_space<hbm>>
        %dma_start3A_257 = arith.constant 0 : i32
        %dma_start3A_258 = tpu.memref_slice %arg5[%run_scoped3A_239, %dma_start3A_257] : memref<2x128xi32, #tpu.memory_space<vmem>> -> memref<1x128xi32, #tpu.memory_space<vmem>>
        %dma_start3A_259 = tpu.memref_squeeze %dma_start3A_258 : memref<1x128xi32, #tpu.memory_space<vmem>> -> memref<128xi32, #tpu.memory_space<vmem>>
        %dma_start3A_260 = tpu.memref_slice %arg3[%add3A_238] : memref<327680xi32, #tpu.memory_space<hbm>> -> memref<128xi32, #tpu.memory_space<hbm>>
        tpu.enqueue_dma source(%dma_start3A_260 : memref<128xi32, #tpu.memory_space<hbm>>) target(%dma_start3A_259 : memref<128xi32, #tpu.memory_space<vmem>>) target_semaphore(%run_scoped3A_252 : memref<!tpu.dma_semaphore, #tpu.memory_space<semaphore_mem>>)
        %dma_wait3A_261 = arith.constant 0 : i32
        %dma_wait3A_262 = tpu.memref_slice %arg5[%run_scoped3A_239, %dma_wait3A_261] : memref<2x128xi32, #tpu.memory_space<vmem>> -> memref<1x128xi32, #tpu.memory_space<vmem>>
        %dma_wait3A_263 = tpu.memref_squeeze %dma_wait3A_262 : memref<1x128xi32, #tpu.memory_space<vmem>> -> memref<128xi32, #tpu.memory_space<vmem>>
        %dma_wait3A_264 = tpu.memref_slice %arg3[%add3A_238] : memref<327680xi32, #tpu.memory_space<hbm>> -> memref<128xi32, #tpu.memory_space<hbm>>
        %dma_wait3A_265 = arith.constant 0 : i32
        %dma_wait3A_266 = tpu.memref_slice %arg5[%run_scoped3A_239, %dma_wait3A_265] : memref<2x128xi32, #tpu.memory_space<vmem>> -> memref<1x128xi32, #tpu.memory_space<vmem>>
        %dma_wait3A_267 = tpu.memref_squeeze %dma_wait3A_266 : memref<1x128xi32, #tpu.memory_space<vmem>> -> memref<128xi32, #tpu.memory_space<vmem>>
        %dma_wait3A_268 = tpu.memref_slice %arg3[%add3A_238] : memref<327680xi32, #tpu.memory_space<hbm>> -> memref<128xi32, #tpu.memory_space<hbm>>
        tpu.wait_dma2 semaphore(%run_scoped3A_252 : memref<!tpu.dma_semaphore, #tpu.memory_space<semaphore_mem>>) src(%dma_wait3A_268 : memref<128xi32, #tpu.memory_space<hbm>>) dst(%dma_wait3A_267 : memref<128xi32, #tpu.memory_space<vmem>>)
        tpu.yield
      }) : () -> ()
      %dma_start3A_240 = arith.constant 1 : i32
      %dma_start3A_241 = arith.constant 1 : i32
      %dma_start3A_242 = arith.constant 0 : i32
      %dma_start3A_243 = arith.constant 0 : i32
      %dma_start3A_244 = tpu.memref_slice %arg6[%dma_start3A_241, %dma_start3A_242, %dma_start3A_243] : memref<2x128x128xf32, #tpu.memory_space<vmem>> -> memref<1x128x128xf32, #tpu.memory_space<vmem>>
      %dma_start3A_245 = tpu.memref_squeeze %dma_start3A_244 : memref<1x128x128xf32, #tpu.memory_space<vmem>> -> memref<128x128xf32, #tpu.memory_space<vmem>>
      %dma_start3A_246 = arith.constant 0 : i32
      %dma_start3A_247 = tpu.memref_slice %arg5[%dma_start3A_240, %dma_start3A_246] : memref<2x128xi32, #tpu.memory_space<vmem>> -> memref<1x128xi32, #tpu.memory_space<vmem>>
      %dma_start3A_248 = tpu.memref_squeeze %dma_start3A_247 : memref<1x128xi32, #tpu.memory_space<vmem>> -> memref<128xi32, #tpu.memory_space<vmem>>
      %dma_start3A_249 = arith.constant 0 : i32
      %dma_start3A_250 = arith.constant 0 : i32
      %dma_start3A_251 = tpu.memref_slice %arg2[%dma_start3A_249, %dma_start3A_250] : memref<10240x128xf32, #tpu.memory_space<hbm>> -> memref<10240x128xf32, #tpu.memory_space<hbm>>
      tpu.enqueue_indirect_dma source(%dma_start3A_251 : memref<10240x128xf32, #tpu.memory_space<hbm>>) target(%dma_start3A_245 : memref<128x128xf32, #tpu.memory_space<vmem>>) offsets(%dma_start3A_248 : memref<128xi32, #tpu.memory_space<vmem>>) semaphore(%arg8 : memref<!tpu.dma_semaphore, #tpu.memory_space<semaphore_mem>>)
    }
    %scan3A_35 = arith.constant 39 : i32
    %dma_wait3A = arith.constant 0 : i32
    %dma_wait3A_36 = arith.constant 0 : i32
    %dma_wait3A_37 = arith.constant 0 : i32
    %dma_wait3A_38 = arith.constant 0 : i32
    %dma_wait3A_39 = tpu.memref_slice %arg6[%dma_wait3A_36, %dma_wait3A_37, %dma_wait3A_38] : memref<2x128x128xf32, #tpu.memory_space<vmem>> -> memref<1x128x128xf32, #tpu.memory_space<vmem>>
    %dma_wait3A_40 = tpu.memref_squeeze %dma_wait3A_39 : memref<1x128x128xf32, #tpu.memory_space<vmem>> -> memref<128x128xf32, #tpu.memory_space<vmem>>
    %dma_wait3A_41 = arith.constant 0 : i32
    %dma_wait3A_42 = tpu.memref_slice %arg5[%dma_wait3A, %dma_wait3A_41] : memref<2x128xi32, #tpu.memory_space<vmem>> -> memref<1x128xi32, #tpu.memory_space<vmem>>
    %dma_wait3A_43 = tpu.memref_squeeze %dma_wait3A_42 : memref<1x128xi32, #tpu.memory_space<vmem>> -> memref<128xi32, #tpu.memory_space<vmem>>
    %dma_wait3A_44 = arith.constant 0 : i32
    %dma_wait3A_45 = arith.constant 0 : i32
    %dma_wait3A_46 = tpu.memref_slice %arg2[%dma_wait3A_44, %dma_wait3A_45] : memref<10240x128xf32, #tpu.memory_space<hbm>> -> memref<10240x128xf32, #tpu.memory_space<hbm>>
    tpu.wait_indirect_dma semaphore(%arg7 : memref<!tpu.dma_semaphore, #tpu.memory_space<semaphore_mem>>) src(%dma_wait3A_46 : memref<10240x128xf32, #tpu.memory_space<hbm>>) dst(%dma_wait3A_40 : memref<128x128xf32, #tpu.memory_space<vmem>>)
    %add3A_47 = arith.constant 9984 : i32
    %add3A_48 = arith.addi %mul3A_2, %add3A_47 : i32
    %dma_start3A_49 = arith.constant 0 : i32
    %dma_start3A_50 = arith.constant 0 : i32
    %dma_start3A_51 = arith.constant 0 : i32
    %dma_start3A_52 = tpu.memref_slice %arg6[%dma_start3A_49, %dma_start3A_50, %dma_start3A_51] : memref<2x128x128xf32, #tpu.memory_space<vmem>> -> memref<1x128x128xf32, #tpu.memory_space<vmem>>
    %dma_start3A_53 = tpu.memref_squeeze %dma_start3A_52 : memref<1x128x128xf32, #tpu.memory_space<vmem>> -> memref<128x128xf32, #tpu.memory_space<vmem>>
    %dma_start3A_54 = arith.constant 0 : i32
    %dma_start3A_55 = tpu.memref_slice %arg4[%add3A_48, %dma_start3A_54] : memref<327680x128xf32, #tpu.memory_space<hbm>> -> memref<128x128xf32, #tpu.memory_space<hbm>>
    %dma_start3A_56 = arith.constant 0 : i32
    %dma_start3A_57 = tpu.memref_slice %arg4[%add3A_48, %dma_start3A_56] : memref<327680x128xf32, #tpu.memory_space<hbm>> -> memref<128x128xf32, #tpu.memory_space<hbm>>
    %dma_start3A_58 = arith.constant 0 : i32
    %dma_start3A_59 = arith.constant 0 : i32
    %dma_start3A_60 = tpu.memref_slice %arg6[%dma_start3A_49, %dma_start3A_58, %dma_start3A_59] : memref<2x128x128xf32, #tpu.memory_space<vmem>> -> memref<1x128x128xf32, #tpu.memory_space<vmem>>
    %dma_start3A_61 = tpu.memref_squeeze %dma_start3A_60 : memref<1x128x128xf32, #tpu.memory_space<vmem>> -> memref<128x128xf32, #tpu.memory_space<vmem>>
    tpu.enqueue_dma source(%dma_start3A_61 : memref<128x128xf32, #tpu.memory_space<vmem>>) target(%dma_start3A_57 : memref<128x128xf32, #tpu.memory_space<hbm>>) target_semaphore(%arg9 : memref<!tpu.dma_semaphore, #tpu.memory_space<semaphore_mem>>)
    %add3A_62 = arith.constant 9984 : i32
    %add3A_63 = arith.addi %mul3A_2, %add3A_62 : i32
    %dma_wait3A_64 = arith.constant 0 : i32
    %dma_wait3A_65 = arith.constant 0 : i32
    %dma_wait3A_66 = arith.constant 0 : i32
    %dma_wait3A_67 = tpu.memref_slice %arg6[%dma_wait3A_64, %dma_wait3A_65, %dma_wait3A_66] : memref<2x128x128xf32, #tpu.memory_space<vmem>> -> memref<1x128x128xf32, #tpu.memory_space<vmem>>
    %dma_wait3A_68 = tpu.memref_squeeze %dma_wait3A_67 : memref<1x128x128xf32, #tpu.memory_space<vmem>> -> memref<128x128xf32, #tpu.memory_space<vmem>>
    %dma_wait3A_69 = arith.constant 0 : i32
    %dma_wait3A_70 = tpu.memref_slice %arg4[%add3A_63, %dma_wait3A_69] : memref<327680x128xf32, #tpu.memory_space<hbm>> -> memref<128x128xf32, #tpu.memory_space<hbm>>
    %dma_wait3A_71 = arith.constant 0 : i32
    %dma_wait3A_72 = tpu.memref_slice %arg4[%add3A_63, %dma_wait3A_71] : memref<327680x128xf32, #tpu.memory_space<hbm>> -> memref<128x128xf32, #tpu.memory_space<hbm>>
    %dma_wait3A_73 = arith.constant 0 : i32
    %dma_wait3A_74 = arith.constant 0 : i32
    %dma_wait3A_75 = tpu.memref_slice %arg6[%dma_wait3A_64, %dma_wait3A_73, %dma_wait3A_74] : memref<2x128x128xf32, #tpu.memory_space<vmem>> -> memref<1x128x128xf32, #tpu.memory_space<vmem>>
    %dma_wait3A_76 = tpu.memref_squeeze %dma_wait3A_75 : memref<1x128x128xf32, #tpu.memory_space<vmem>> -> memref<128x128xf32, #tpu.memory_space<vmem>>
    tpu.wait_dma2 semaphore(%arg9 : memref<!tpu.dma_semaphore, #tpu.memory_space<semaphore_mem>>) src(%dma_wait3A_76 : memref<128x128xf32, #tpu.memory_space<vmem>>) dst(%dma_wait3A_72 : memref<128x128xf32, #tpu.memory_space<hbm>>)
    %dma_wait3A_77 = arith.constant 1 : i32
    %dma_wait3A_78 = arith.constant 1 : i32
    %dma_wait3A_79 = arith.constant 0 : i32
    %dma_wait3A_80 = arith.constant 0 : i32
    %dma_wait3A_81 = tpu.memref_slice %arg6[%dma_wait3A_78, %dma_wait3A_79, %dma_wait3A_80] : memref<2x128x128xf32, #tpu.memory_space<vmem>> -> memref<1x128x128xf32, #tpu.memory_space<vmem>>
    %dma_wait3A_82 = tpu.memref_squeeze %dma_wait3A_81 : memref<1x128x128xf32, #tpu.memory_space<vmem>> -> memref<128x128xf32, #tpu.memory_space<vmem>>
    %dma_wait3A_83 = arith.constant 0 : i32
    %dma_wait3A_84 = tpu.memref_slice %arg5[%dma_wait3A_77, %dma_wait3A_83] : memref<2x128xi32, #tpu.memory_space<vmem>> -> memref<1x128xi32, #tpu.memory_space<vmem>>
    %dma_wait3A_85 = tpu.memref_squeeze %dma_wait3A_84 : memref<1x128xi32, #tpu.memory_space<vmem>> -> memref<128xi32, #tpu.memory_space<vmem>>
    %dma_wait3A_86 = arith.constant 0 : i32
    %dma_wait3A_87 = arith.constant 0 : i32
    %dma_wait3A_88 = tpu.memref_slice %arg2[%dma_wait3A_86, %dma_wait3A_87] : memref<10240x128xf32, #tpu.memory_space<hbm>> -> memref<10240x128xf32, #tpu.memory_space<hbm>>
    tpu.wait_indirect_dma semaphore(%arg8 : memref<!tpu.dma_semaphore, #tpu.memory_space<semaphore_mem>>) src(%dma_wait3A_88 : memref<10240x128xf32, #tpu.memory_space<hbm>>) dst(%dma_wait3A_82 : memref<128x128xf32, #tpu.memory_space<vmem>>)
    %add3A_89 = arith.constant 10112 : i32
    %add3A_90 = arith.addi %mul3A_2, %add3A_89 : i32
    %dma_start3A_91 = arith.constant 1 : i32
    %dma_start3A_92 = arith.constant 0 : i32
    %dma_start3A_93 = arith.constant 0 : i32
    %dma_start3A_94 = tpu.memref_slice %arg6[%dma_start3A_91, %dma_start3A_92, %dma_start3A_93] : memref<2x128x128xf32, #tpu.memory_space<vmem>> -> memref<1x128x128xf32, #tpu.memory_space<vmem>>
    %dma_start3A_95 = tpu.memref_squeeze %dma_start3A_94 : memref<1x128x128xf32, #tpu.memory_space<vmem>> -> memref<128x128xf32, #tpu.memory_space<vmem>>
    %dma_start3A_96 = arith.constant 0 : i32
    %dma_start3A_97 = tpu.memref_slice %arg4[%add3A_90, %dma_start3A_96] : memref<327680x128xf32, #tpu.memory_space<hbm>> -> memref<128x128xf32, #tpu.memory_space<hbm>>
    %dma_start3A_98 = arith.constant 0 : i32
    %dma_start3A_99 = tpu.memref_slice %arg4[%add3A_90, %dma_start3A_98] : memref<327680x128xf32, #tpu.memory_space<hbm>> -> memref<128x128xf32, #tpu.memory_space<hbm>>
    %dma_start3A_100 = arith.constant 0 : i32
    %dma_start3A_101 = arith.constant 0 : i32
    %dma_start3A_102 = tpu.memref_slice %arg6[%dma_start3A_91, %dma_start3A_100, %dma_start3A_101] : memref<2x128x128xf32, #tpu.memory_space<vmem>> -> memref<1x128x128xf32, #tpu.memory_space<vmem>>
    %dma_start3A_103 = tpu.memref_squeeze %dma_start3A_102 : memref<1x128x128xf32, #tpu.memory_space<vmem>> -> memref<128x128xf32, #tpu.memory_space<vmem>>
    tpu.enqueue_dma source(%dma_start3A_103 : memref<128x128xf32, #tpu.memory_space<vmem>>) target(%dma_start3A_99 : memref<128x128xf32, #tpu.memory_space<hbm>>) target_semaphore(%arg10 : memref<!tpu.dma_semaphore, #tpu.memory_space<semaphore_mem>>)
    %add3A_104 = arith.constant 10112 : i32
    %add3A_105 = arith.addi %mul3A_2, %add3A_104 : i32
    %dma_wait3A_106 = arith.constant 1 : i32
    %dma_wait3A_107 = arith.constant 0 : i32
    %dma_wait3A_108 = arith.constant 0 : i32
    %dma_wait3A_109 = tpu.memref_slice %arg6[%dma_wait3A_106, %dma_wait3A_107, %dma_wait3A_108] : memref<2x128x128xf32, #tpu.memory_space<vmem>> -> memref<1x128x128xf32, #tpu.memory_space<vmem>>
    %dma_wait3A_110 = tpu.memref_squeeze %dma_wait3A_109 : memref<1x128x128xf32, #tpu.memory_space<vmem>> -> memref<128x128xf32, #tpu.memory_space<vmem>>
    %dma_wait3A_111 = arith.constant 0 : i32
    %dma_wait3A_112 = tpu.memref_slice %arg4[%add3A_105, %dma_wait3A_111] : memref<327680x128xf32, #tpu.memory_space<hbm>> -> memref<128x128xf32, #tpu.memory_space<hbm>>
    %dma_wait3A_113 = arith.constant 0 : i32
    %dma_wait3A_114 = tpu.memref_slice %arg4[%add3A_105, %dma_wait3A_113] : memref<327680x128xf32, #tpu.memory_space<hbm>> -> memref<128x128xf32, #tpu.memory_space<hbm>>
    %dma_wait3A_115 = arith.constant 0 : i32
    %dma_wait3A_116 = arith.constant 0 : i32
    %dma_wait3A_117 = tpu.memref_slice %arg6[%dma_wait3A_106, %dma_wait3A_115, %dma_wait3A_116] : memref<2x128x128xf32, #tpu.memory_space<vmem>> -> memref<1x128x128xf32, #tpu.memory_space<vmem>>
    %dma_wait3A_118 = tpu.memref_squeeze %dma_wait3A_117 : memref<1x128x128xf32, #tpu.memory_space<vmem>> -> memref<128x128xf32, #tpu.memory_space<vmem>>
    tpu.wait_dma2 semaphore(%arg10 : memref<!tpu.dma_semaphore, #tpu.memory_space<semaphore_mem>>) src(%dma_wait3A_118 : memref<128x128xf32, #tpu.memory_space<vmem>>) dst(%dma_wait3A_114 : memref<128x128xf32, #tpu.memory_space<hbm>>)
    return
  }
}

module attributes {stable_mosaic.version = 14 : i64} {
  func.func @_knn_body(%arg0: i32, %arg1: memref<40xi32, #tpu.memory_space<smem>>, %arg2: memref<10240x3xf32, #tpu.memory_space<vmem>>, %arg3: memref<10240x1xf32, #tpu.memory_space<vmem>>, %arg4: memref<3x256xf32, #tpu.memory_space<vmem>>, %arg5: memref<1x256xf32, #tpu.memory_space<vmem>>, %arg6: memref<32x256xi32, #tpu.memory_space<vmem>>) attributes {dimension_semantics = [#tpu.dimension_semantics<arbitrary>], iteration_bounds = array<i64: 40>, scalar_prefetch = 1 : i64, scratch_operands = 0 : i64, tpu.core_type = #tpu.core_type<tc>, window_params = [{pipeline_mode = #tpu.pipeline_mode<synchronous>, transform_indices = @transform_0, window_bounds = array<i64: 10240, 3>}, {pipeline_mode = #tpu.pipeline_mode<synchronous>, transform_indices = @transform_1, window_bounds = array<i64: 10240, 1>}, {transform_indices = @transform_2, window_bounds = array<i64: 3, 256>}, {transform_indices = @transform_3, window_bounds = array<i64: 1, 256>}, {transform_indices = @transform_4, window_bounds = array<i64: 32, 256>}]} {
    %get3A = arith.index_cast %arg0 : i32 to index
    %get3A_0 = memref.load %arg1[%get3A] : memref<40xi32, #tpu.memory_space<smem>>
    %get3A_1 = arith.index_cast %get3A_0 : i32 to index
    %get3A_2 = arith.constant 0 : index
    %get3A_3 = vector.load %arg2[%get3A_1, %get3A_2] : memref<10240x3xf32, #tpu.memory_space<vmem>>, vector<1792x3xf32>
    %get3A_4 = arith.index_cast %get3A_0 : i32 to index
    %get3A_5 = arith.constant 0 : index
    %get3A_6 = vector.load %arg3[%get3A_4, %get3A_5] : memref<10240x1xf32, #tpu.memory_space<vmem>>, vector<1792x1xf32>
    %get3A_7 = arith.constant 0 : index
    %get3A_8 = arith.constant 0 : index
    %get3A_9 = vector.load %arg4[%get3A_7, %get3A_8] : memref<3x256xf32, #tpu.memory_space<vmem>>, vector<3x256xf32>
    %get3A_10 = arith.constant 0 : index
    %get3A_11 = arith.constant 0 : index
    %get3A_12 = vector.load %arg5[%get3A_10, %get3A_11] : memref<1x256xf32, #tpu.memory_space<vmem>>, vector<1x256xf32>
    %broadcast_in_dim3A = arith.constant 0.000000e+00 : f32
    %broadcast_in_dim3A_13 = vector.broadcast %broadcast_in_dim3A : f32 to vector<1792x256xf32>
    %slice3A = vector.extract_strided_slice %get3A_3 {offsets = [0, 0], sizes = [1792, 1], strides = [1, 1]} : vector<1792x3xf32> to vector<1792x1xf32>
    %slice3A_14 = vector.extract_strided_slice %get3A_9 {offsets = [0, 0], sizes = [1, 256], strides = [1, 1]} : vector<3x256xf32> to vector<1x256xf32>
    %sub3A = vector.broadcast %slice3A : vector<1792x1xf32> to vector<1792x256xf32>
    %sub3A_15 = vector.broadcast %slice3A_14 : vector<1x256xf32> to vector<1792x256xf32>
    %sub3A_16 = arith.subf %sub3A, %sub3A_15 : vector<1792x256xf32>
    %mul3A = arith.mulf %sub3A_16, %sub3A_16 : vector<1792x256xf32>
    %add3A = arith.addf %broadcast_in_dim3A_13, %mul3A : vector<1792x256xf32>
    %slice3A_17 = vector.extract_strided_slice %get3A_3 {offsets = [0, 1], sizes = [1792, 1], strides = [1, 1]} : vector<1792x3xf32> to vector<1792x1xf32>
    %slice3A_18 = vector.extract_strided_slice %get3A_9 {offsets = [1, 0], sizes = [1, 256], strides = [1, 1]} : vector<3x256xf32> to vector<1x256xf32>
    %sub3A_19 = vector.broadcast %slice3A_17 : vector<1792x1xf32> to vector<1792x256xf32>
    %sub3A_20 = vector.broadcast %slice3A_18 : vector<1x256xf32> to vector<1792x256xf32>
    %sub3A_21 = arith.subf %sub3A_19, %sub3A_20 : vector<1792x256xf32>
    %mul3A_22 = arith.mulf %sub3A_21, %sub3A_21 : vector<1792x256xf32>
    %add3A_23 = arith.addf %add3A, %mul3A_22 : vector<1792x256xf32>
    %slice3A_24 = vector.extract_strided_slice %get3A_3 {offsets = [0, 2], sizes = [1792, 1], strides = [1, 1]} : vector<1792x3xf32> to vector<1792x1xf32>
    %slice3A_25 = vector.extract_strided_slice %get3A_9 {offsets = [2, 0], sizes = [1, 256], strides = [1, 1]} : vector<3x256xf32> to vector<1x256xf32>
    %sub3A_26 = vector.broadcast %slice3A_24 : vector<1792x1xf32> to vector<1792x256xf32>
    %sub3A_27 = vector.broadcast %slice3A_25 : vector<1x256xf32> to vector<1792x256xf32>
    %sub3A_28 = arith.subf %sub3A_26, %sub3A_27 : vector<1792x256xf32>
    %mul3A_29 = arith.mulf %sub3A_28, %sub3A_28 : vector<1792x256xf32>
    %add3A_30 = arith.addf %add3A_23, %mul3A_29 : vector<1792x256xf32>
    %iota3A = tpu.iota {dimensions = array<i32: 0>} : vector<1792x256xi32>
    %add3A_31 = vector.broadcast %get3A_0 : i32 to vector<1792x256xi32>
    %add3A_32 = arith.addi %add3A_31, %iota3A : vector<1792x256xi32>
    %mul3A_33 = arith.constant 256 : i32
    %mul3A_34 = arith.muli %arg0, %mul3A_33 : i32
    %iota3A_35 = tpu.iota {dimensions = array<i32: 1>} : vector<1792x256xi32>
    %add3A_36 = vector.broadcast %mul3A_34 : i32 to vector<1792x256xi32>
    %add3A_37 = arith.addi %add3A_36, %iota3A_35 : vector<1792x256xi32>
    %ne3A = vector.broadcast %get3A_6 : vector<1792x1xf32> to vector<1792x256xf32>
    %ne3A_38 = vector.broadcast %get3A_12 : vector<1x256xf32> to vector<1792x256xf32>
    %ne3A_39 = arith.cmpf one, %ne3A, %ne3A_38 : vector<1792x256xf32>
    %eq3A = arith.cmpi eq, %add3A_32, %add3A_37 : vector<1792x256xi32>
    %or3A = arith.ori %ne3A_39, %eq3A : vector<1792x256xi1>
    %jit3A = arith.constant 0x7F800000 : f32
    %broadcast_in_dim3A_40 = vector.broadcast %jit3A : f32 to vector<1792x256xf32>
    %select_n3A = arith.select %or3A, %broadcast_in_dim3A_40, %add3A_30 : vector<1792x256xi1>, vector<1792x256xf32>
    %reduce_min3A = arith.constant dense<0x7F800000> : vector<256xf32>
    %reduce_min3A_41 = vector.multi_reduction <minimumf>, %select_n3A, %reduce_min3A [0] : vector<1792x256xf32> to vector<256xf32>
    %broadcast_in_dim3A_42 = vector.shape_cast %reduce_min3A_41 : vector<256xf32> to vector<1x256xf32>
    %eq3A_43 = vector.broadcast %broadcast_in_dim3A_42 : vector<1x256xf32> to vector<1792x256xf32>
    %eq3A_44 = arith.cmpf oeq, %select_n3A, %eq3A_43 : vector<1792x256xf32>
    %jit3A_45 = arith.constant 1792 : i32
    %broadcast_in_dim3A_46 = vector.broadcast %jit3A_45 : i32 to vector<1792x256xi32>
    %select_n3A_47 = arith.select %eq3A_44, %iota3A, %broadcast_in_dim3A_46 : vector<1792x256xi1>, vector<1792x256xi32>
    %reduce_min3A_48 = arith.constant dense<2147483647> : vector<256xi32>
    %reduce_min3A_49 = vector.multi_reduction <minsi>, %select_n3A_47, %reduce_min3A_48 [0] : vector<1792x256xi32> to vector<256xi32>
    %broadcast_in_dim3A_50 = vector.shape_cast %reduce_min3A_49 : vector<256xi32> to vector<1x256xi32>
    %add3A_51 = vector.broadcast %get3A_0 : i32 to vector<1x256xi32>
    %add3A_52 = arith.addi %add3A_51, %broadcast_in_dim3A_50 : vector<1x256xi32>
    %swap3A = arith.constant 0 : index
    %swap3A_53 = arith.constant 0 : index
    %swap3A_54 = vector.load %arg6[%swap3A, %swap3A_53] : memref<32x256xi32, #tpu.memory_space<vmem>>, vector<1x256xi32>
    tpu.vector_store %arg6[%swap3A, %swap3A_53], %add3A_52 {strides = array<i32>} : memref<32x256xi32, #tpu.memory_space<vmem>>, vector<1x256xi32>,
    %eq3A_55 = vector.broadcast %broadcast_in_dim3A_50 : vector<1x256xi32> to vector<1792x256xi32>
    %eq3A_56 = arith.cmpi eq, %iota3A, %eq3A_55 : vector<1792x256xi32>
    %jit3A_57 = arith.constant 0x7F800000 : f32
    %broadcast_in_dim3A_58 = vector.broadcast %jit3A_57 : f32 to vector<1792x256xf32>
    %select_n3A_59 = arith.select %eq3A_56, %broadcast_in_dim3A_58, %select_n3A : vector<1792x256xi1>, vector<1792x256xf32>
    %reduce_min3A_60 = arith.constant dense<0x7F800000> : vector<256xf32>
    %reduce_min3A_61 = vector.multi_reduction <minimumf>, %select_n3A_59, %reduce_min3A_60 [0] : vector<1792x256xf32> to vector<256xf32>
    %broadcast_in_dim3A_62 = vector.shape_cast %reduce_min3A_61 : vector<256xf32> to vector<1x256xf32>
    %eq3A_63 = vector.broadcast %broadcast_in_dim3A_62 : vector<1x256xf32> to vector<1792x256xf32>
    %eq3A_64 = arith.cmpf oeq, %select_n3A_59, %eq3A_63 : vector<1792x256xf32>
    %jit3A_65 = arith.constant 1792 : i32
    %broadcast_in_dim3A_66 = vector.broadcast %jit3A_65 : i32 to vector<1792x256xi32>
    %select_n3A_67 = arith.select %eq3A_64, %iota3A, %broadcast_in_dim3A_66 : vector<1792x256xi1>, vector<1792x256xi32>
    %reduce_min3A_68 = arith.constant dense<2147483647> : vector<256xi32>
    %reduce_min3A_69 = vector.multi_reduction <minsi>, %select_n3A_67, %reduce_min3A_68 [0] : vector<1792x256xi32> to vector<256xi32>
    %broadcast_in_dim3A_70 = vector.shape_cast %reduce_min3A_69 : vector<256xi32> to vector<1x256xi32>
    %add3A_71 = vector.broadcast %get3A_0 : i32 to vector<1x256xi32>
    %add3A_72 = arith.addi %add3A_71, %broadcast_in_dim3A_70 : vector<1x256xi32>
    %swap3A_73 = arith.constant 1 : index
    %swap3A_74 = arith.constant 0 : index
    %swap3A_75 = vector.load %arg6[%swap3A_73, %swap3A_74] : memref<32x256xi32, #tpu.memory_space<vmem>>, vector<1x256xi32>
    tpu.vector_store %arg6[%swap3A_73, %swap3A_74], %add3A_72 {strides = array<i32>} : memref<32x256xi32, #tpu.memory_space<vmem>>, vector<1x256xi32>,
    %eq3A_76 = vector.broadcast %broadcast_in_dim3A_70 : vector<1x256xi32> to vector<1792x256xi32>
    %eq3A_77 = arith.cmpi eq, %iota3A, %eq3A_76 : vector<1792x256xi32>
    %jit3A_78 = arith.constant 0x7F800000 : f32
    %broadcast_in_dim3A_79 = vector.broadcast %jit3A_78 : f32 to vector<1792x256xf32>
    %select_n3A_80 = arith.select %eq3A_77, %broadcast_in_dim3A_79, %select_n3A_59 : vector<1792x256xi1>, vector<1792x256xf32>
    %reduce_min3A_81 = arith.constant dense<0x7F800000> : vector<256xf32>
    %reduce_min3A_82 = vector.multi_reduction <minimumf>, %select_n3A_80, %reduce_min3A_81 [0] : vector<1792x256xf32> to vector<256xf32>
    %broadcast_in_dim3A_83 = vector.shape_cast %reduce_min3A_82 : vector<256xf32> to vector<1x256xf32>
    %eq3A_84 = vector.broadcast %broadcast_in_dim3A_83 : vector<1x256xf32> to vector<1792x256xf32>
    %eq3A_85 = arith.cmpf oeq, %select_n3A_80, %eq3A_84 : vector<1792x256xf32>
    %jit3A_86 = arith.constant 1792 : i32
    %broadcast_in_dim3A_87 = vector.broadcast %jit3A_86 : i32 to vector<1792x256xi32>
    %select_n3A_88 = arith.select %eq3A_85, %iota3A, %broadcast_in_dim3A_87 : vector<1792x256xi1>, vector<1792x256xi32>
    %reduce_min3A_89 = arith.constant dense<2147483647> : vector<256xi32>
    %reduce_min3A_90 = vector.multi_reduction <minsi>, %select_n3A_88, %reduce_min3A_89 [0] : vector<1792x256xi32> to vector<256xi32>
    %broadcast_in_dim3A_91 = vector.shape_cast %reduce_min3A_90 : vector<256xi32> to vector<1x256xi32>
    %add3A_92 = vector.broadcast %get3A_0 : i32 to vector<1x256xi32>
    %add3A_93 = arith.addi %add3A_92, %broadcast_in_dim3A_91 : vector<1x256xi32>
    %swap3A_94 = arith.constant 2 : index
    %swap3A_95 = arith.constant 0 : index
    %swap3A_96 = vector.load %arg6[%swap3A_94, %swap3A_95] : memref<32x256xi32, #tpu.memory_space<vmem>>, vector<1x256xi32>
    tpu.vector_store %arg6[%swap3A_94, %swap3A_95], %add3A_93 {strides = array<i32>} : memref<32x256xi32, #tpu.memory_space<vmem>>, vector<1x256xi32>,
    %eq3A_97 = vector.broadcast %broadcast_in_dim3A_91 : vector<1x256xi32> to vector<1792x256xi32>
    %eq3A_98 = arith.cmpi eq, %iota3A, %eq3A_97 : vector<1792x256xi32>
    %jit3A_99 = arith.constant 0x7F800000 : f32
    %broadcast_in_dim3A_100 = vector.broadcast %jit3A_99 : f32 to vector<1792x256xf32>
    %select_n3A_101 = arith.select %eq3A_98, %broadcast_in_dim3A_100, %select_n3A_80 : vector<1792x256xi1>, vector<1792x256xf32>
    %reduce_min3A_102 = arith.constant dense<0x7F800000> : vector<256xf32>
    %reduce_min3A_103 = vector.multi_reduction <minimumf>, %select_n3A_101, %reduce_min3A_102 [0] : vector<1792x256xf32> to vector<256xf32>
    %broadcast_in_dim3A_104 = vector.shape_cast %reduce_min3A_103 : vector<256xf32> to vector<1x256xf32>
    %eq3A_105 = vector.broadcast %broadcast_in_dim3A_104 : vector<1x256xf32> to vector<1792x256xf32>
    %eq3A_106 = arith.cmpf oeq, %select_n3A_101, %eq3A_105 : vector<1792x256xf32>
    %jit3A_107 = arith.constant 1792 : i32
    %broadcast_in_dim3A_108 = vector.broadcast %jit3A_107 : i32 to vector<1792x256xi32>
    %select_n3A_109 = arith.select %eq3A_106, %iota3A, %broadcast_in_dim3A_108 : vector<1792x256xi1>, vector<1792x256xi32>
    %reduce_min3A_110 = arith.constant dense<2147483647> : vector<256xi32>
    %reduce_min3A_111 = vector.multi_reduction <minsi>, %select_n3A_109, %reduce_min3A_110 [0] : vector<1792x256xi32> to vector<256xi32>
    %broadcast_in_dim3A_112 = vector.shape_cast %reduce_min3A_111 : vector<256xi32> to vector<1x256xi32>
    %add3A_113 = vector.broadcast %get3A_0 : i32 to vector<1x256xi32>
    %add3A_114 = arith.addi %add3A_113, %broadcast_in_dim3A_112 : vector<1x256xi32>
    %swap3A_115 = arith.constant 3 : index
    %swap3A_116 = arith.constant 0 : index
    %swap3A_117 = vector.load %arg6[%swap3A_115, %swap3A_116] : memref<32x256xi32, #tpu.memory_space<vmem>>, vector<1x256xi32>
    tpu.vector_store %arg6[%swap3A_115, %swap3A_116], %add3A_114 {strides = array<i32>} : memref<32x256xi32, #tpu.memory_space<vmem>>, vector<1x256xi32>,
    %eq3A_118 = vector.broadcast %broadcast_in_dim3A_112 : vector<1x256xi32> to vector<1792x256xi32>
    %eq3A_119 = arith.cmpi eq, %iota3A, %eq3A_118 : vector<1792x256xi32>
    %jit3A_120 = arith.constant 0x7F800000 : f32
    %broadcast_in_dim3A_121 = vector.broadcast %jit3A_120 : f32 to vector<1792x256xf32>
    %select_n3A_122 = arith.select %eq3A_119, %broadcast_in_dim3A_121, %select_n3A_101 : vector<1792x256xi1>, vector<1792x256xf32>
    %reduce_min3A_123 = arith.constant dense<0x7F800000> : vector<256xf32>
    %reduce_min3A_124 = vector.multi_reduction <minimumf>, %select_n3A_122, %reduce_min3A_123 [0] : vector<1792x256xf32> to vector<256xf32>
    %broadcast_in_dim3A_125 = vector.shape_cast %reduce_min3A_124 : vector<256xf32> to vector<1x256xf32>
    %eq3A_126 = vector.broadcast %broadcast_in_dim3A_125 : vector<1x256xf32> to vector<1792x256xf32>
    %eq3A_127 = arith.cmpf oeq, %select_n3A_122, %eq3A_126 : vector<1792x256xf32>
    %jit3A_128 = arith.constant 1792 : i32
    %broadcast_in_dim3A_129 = vector.broadcast %jit3A_128 : i32 to vector<1792x256xi32>
    %select_n3A_130 = arith.select %eq3A_127, %iota3A, %broadcast_in_dim3A_129 : vector<1792x256xi1>, vector<1792x256xi32>
    %reduce_min3A_131 = arith.constant dense<2147483647> : vector<256xi32>
    %reduce_min3A_132 = vector.multi_reduction <minsi>, %select_n3A_130, %reduce_min3A_131 [0] : vector<1792x256xi32> to vector<256xi32>
    %broadcast_in_dim3A_133 = vector.shape_cast %reduce_min3A_132 : vector<256xi32> to vector<1x256xi32>
    %add3A_134 = vector.broadcast %get3A_0 : i32 to vector<1x256xi32>
    %add3A_135 = arith.addi %add3A_134, %broadcast_in_dim3A_133 : vector<1x256xi32>
    %swap3A_136 = arith.constant 4 : index
    %swap3A_137 = arith.constant 0 : index
    %swap3A_138 = vector.load %arg6[%swap3A_136, %swap3A_137] : memref<32x256xi32, #tpu.memory_space<vmem>>, vector<1x256xi32>
    tpu.vector_store %arg6[%swap3A_136, %swap3A_137], %add3A_135 {strides = array<i32>} : memref<32x256xi32, #tpu.memory_space<vmem>>, vector<1x256xi32>,
    %eq3A_139 = vector.broadcast %broadcast_in_dim3A_133 : vector<1x256xi32> to vector<1792x256xi32>
    %eq3A_140 = arith.cmpi eq, %iota3A, %eq3A_139 : vector<1792x256xi32>
    %jit3A_141 = arith.constant 0x7F800000 : f32
    %broadcast_in_dim3A_142 = vector.broadcast %jit3A_141 : f32 to vector<1792x256xf32>
    %select_n3A_143 = arith.select %eq3A_140, %broadcast_in_dim3A_142, %select_n3A_122 : vector<1792x256xi1>, vector<1792x256xf32>
    %reduce_min3A_144 = arith.constant dense<0x7F800000> : vector<256xf32>
    %reduce_min3A_145 = vector.multi_reduction <minimumf>, %select_n3A_143, %reduce_min3A_144 [0] : vector<1792x256xf32> to vector<256xf32>
    %broadcast_in_dim3A_146 = vector.shape_cast %reduce_min3A_145 : vector<256xf32> to vector<1x256xf32>
    %eq3A_147 = vector.broadcast %broadcast_in_dim3A_146 : vector<1x256xf32> to vector<1792x256xf32>
    %eq3A_148 = arith.cmpf oeq, %select_n3A_143, %eq3A_147 : vector<1792x256xf32>
    %jit3A_149 = arith.constant 1792 : i32
    %broadcast_in_dim3A_150 = vector.broadcast %jit3A_149 : i32 to vector<1792x256xi32>
    %select_n3A_151 = arith.select %eq3A_148, %iota3A, %broadcast_in_dim3A_150 : vector<1792x256xi1>, vector<1792x256xi32>
    %reduce_min3A_152 = arith.constant dense<2147483647> : vector<256xi32>
    %reduce_min3A_153 = vector.multi_reduction <minsi>, %select_n3A_151, %reduce_min3A_152 [0] : vector<1792x256xi32> to vector<256xi32>
    %broadcast_in_dim3A_154 = vector.shape_cast %reduce_min3A_153 : vector<256xi32> to vector<1x256xi32>
    %add3A_155 = vector.broadcast %get3A_0 : i32 to vector<1x256xi32>
    %add3A_156 = arith.addi %add3A_155, %broadcast_in_dim3A_154 : vector<1x256xi32>
    %swap3A_157 = arith.constant 5 : index
    %swap3A_158 = arith.constant 0 : index
    %swap3A_159 = vector.load %arg6[%swap3A_157, %swap3A_158] : memref<32x256xi32, #tpu.memory_space<vmem>>, vector<1x256xi32>
    tpu.vector_store %arg6[%swap3A_157, %swap3A_158], %add3A_156 {strides = array<i32>} : memref<32x256xi32, #tpu.memory_space<vmem>>, vector<1x256xi32>,
    %eq3A_160 = vector.broadcast %broadcast_in_dim3A_154 : vector<1x256xi32> to vector<1792x256xi32>
    %eq3A_161 = arith.cmpi eq, %iota3A, %eq3A_160 : vector<1792x256xi32>
    %jit3A_162 = arith.constant 0x7F800000 : f32
    %broadcast_in_dim3A_163 = vector.broadcast %jit3A_162 : f32 to vector<1792x256xf32>
    %select_n3A_164 = arith.select %eq3A_161, %broadcast_in_dim3A_163, %select_n3A_143 : vector<1792x256xi1>, vector<1792x256xf32>
    %reduce_min3A_165 = arith.constant dense<0x7F800000> : vector<256xf32>
    %reduce_min3A_166 = vector.multi_reduction <minimumf>, %select_n3A_164, %reduce_min3A_165 [0] : vector<1792x256xf32> to vector<256xf32>
    %broadcast_in_dim3A_167 = vector.shape_cast %reduce_min3A_166 : vector<256xf32> to vector<1x256xf32>
    %eq3A_168 = vector.broadcast %broadcast_in_dim3A_167 : vector<1x256xf32> to vector<1792x256xf32>
    %eq3A_169 = arith.cmpf oeq, %select_n3A_164, %eq3A_168 : vector<1792x256xf32>
    %jit3A_170 = arith.constant 1792 : i32
    %broadcast_in_dim3A_171 = vector.broadcast %jit3A_170 : i32 to vector<1792x256xi32>
    %select_n3A_172 = arith.select %eq3A_169, %iota3A, %broadcast_in_dim3A_171 : vector<1792x256xi1>, vector<1792x256xi32>
    %reduce_min3A_173 = arith.constant dense<2147483647> : vector<256xi32>
    %reduce_min3A_174 = vector.multi_reduction <minsi>, %select_n3A_172, %reduce_min3A_173 [0] : vector<1792x256xi32> to vector<256xi32>
    %broadcast_in_dim3A_175 = vector.shape_cast %reduce_min3A_174 : vector<256xi32> to vector<1x256xi32>
    %add3A_176 = vector.broadcast %get3A_0 : i32 to vector<1x256xi32>
    %add3A_177 = arith.addi %add3A_176, %broadcast_in_dim3A_175 : vector<1x256xi32>
    %swap3A_178 = arith.constant 6 : index
    %swap3A_179 = arith.constant 0 : index
    %swap3A_180 = vector.load %arg6[%swap3A_178, %swap3A_179] : memref<32x256xi32, #tpu.memory_space<vmem>>, vector<1x256xi32>
    tpu.vector_store %arg6[%swap3A_178, %swap3A_179], %add3A_177 {strides = array<i32>} : memref<32x256xi32, #tpu.memory_space<vmem>>, vector<1x256xi32>,
    %eq3A_181 = vector.broadcast %broadcast_in_dim3A_175 : vector<1x256xi32> to vector<1792x256xi32>
    %eq3A_182 = arith.cmpi eq, %iota3A, %eq3A_181 : vector<1792x256xi32>
    %jit3A_183 = arith.constant 0x7F800000 : f32
    %broadcast_in_dim3A_184 = vector.broadcast %jit3A_183 : f32 to vector<1792x256xf32>
    %select_n3A_185 = arith.select %eq3A_182, %broadcast_in_dim3A_184, %select_n3A_164 : vector<1792x256xi1>, vector<1792x256xf32>
    %reduce_min3A_186 = arith.constant dense<0x7F800000> : vector<256xf32>
    %reduce_min3A_187 = vector.multi_reduction <minimumf>, %select_n3A_185, %reduce_min3A_186 [0] : vector<1792x256xf32> to vector<256xf32>
    %broadcast_in_dim3A_188 = vector.shape_cast %reduce_min3A_187 : vector<256xf32> to vector<1x256xf32>
    %eq3A_189 = vector.broadcast %broadcast_in_dim3A_188 : vector<1x256xf32> to vector<1792x256xf32>
    %eq3A_190 = arith.cmpf oeq, %select_n3A_185, %eq3A_189 : vector<1792x256xf32>
    %jit3A_191 = arith.constant 1792 : i32
    %broadcast_in_dim3A_192 = vector.broadcast %jit3A_191 : i32 to vector<1792x256xi32>
    %select_n3A_193 = arith.select %eq3A_190, %iota3A, %broadcast_in_dim3A_192 : vector<1792x256xi1>, vector<1792x256xi32>
    %reduce_min3A_194 = arith.constant dense<2147483647> : vector<256xi32>
    %reduce_min3A_195 = vector.multi_reduction <minsi>, %select_n3A_193, %reduce_min3A_194 [0] : vector<1792x256xi32> to vector<256xi32>
    %broadcast_in_dim3A_196 = vector.shape_cast %reduce_min3A_195 : vector<256xi32> to vector<1x256xi32>
    %add3A_197 = vector.broadcast %get3A_0 : i32 to vector<1x256xi32>
    %add3A_198 = arith.addi %add3A_197, %broadcast_in_dim3A_196 : vector<1x256xi32>
    %swap3A_199 = arith.constant 7 : index
    %swap3A_200 = arith.constant 0 : index
    %swap3A_201 = vector.load %arg6[%swap3A_199, %swap3A_200] : memref<32x256xi32, #tpu.memory_space<vmem>>, vector<1x256xi32>
    tpu.vector_store %arg6[%swap3A_199, %swap3A_200], %add3A_198 {strides = array<i32>} : memref<32x256xi32, #tpu.memory_space<vmem>>, vector<1x256xi32>,
    %eq3A_202 = vector.broadcast %broadcast_in_dim3A_196 : vector<1x256xi32> to vector<1792x256xi32>
    %eq3A_203 = arith.cmpi eq, %iota3A, %eq3A_202 : vector<1792x256xi32>
    %jit3A_204 = arith.constant 0x7F800000 : f32
    %broadcast_in_dim3A_205 = vector.broadcast %jit3A_204 : f32 to vector<1792x256xf32>
    %select_n3A_206 = arith.select %eq3A_203, %broadcast_in_dim3A_205, %select_n3A_185 : vector<1792x256xi1>, vector<1792x256xf32>
    %reduce_min3A_207 = arith.constant dense<0x7F800000> : vector<256xf32>
    %reduce_min3A_208 = vector.multi_reduction <minimumf>, %select_n3A_206, %reduce_min3A_207 [0] : vector<1792x256xf32> to vector<256xf32>
    %broadcast_in_dim3A_209 = vector.shape_cast %reduce_min3A_208 : vector<256xf32> to vector<1x256xf32>
    %eq3A_210 = vector.broadcast %broadcast_in_dim3A_209 : vector<1x256xf32> to vector<1792x256xf32>
    %eq3A_211 = arith.cmpf oeq, %select_n3A_206, %eq3A_210 : vector<1792x256xf32>
    %jit3A_212 = arith.constant 1792 : i32
    %broadcast_in_dim3A_213 = vector.broadcast %jit3A_212 : i32 to vector<1792x256xi32>
    %select_n3A_214 = arith.select %eq3A_211, %iota3A, %broadcast_in_dim3A_213 : vector<1792x256xi1>, vector<1792x256xi32>
    %reduce_min3A_215 = arith.constant dense<2147483647> : vector<256xi32>
    %reduce_min3A_216 = vector.multi_reduction <minsi>, %select_n3A_214, %reduce_min3A_215 [0] : vector<1792x256xi32> to vector<256xi32>
    %broadcast_in_dim3A_217 = vector.shape_cast %reduce_min3A_216 : vector<256xi32> to vector<1x256xi32>
    %add3A_218 = vector.broadcast %get3A_0 : i32 to vector<1x256xi32>
    %add3A_219 = arith.addi %add3A_218, %broadcast_in_dim3A_217 : vector<1x256xi32>
    %swap3A_220 = arith.constant 8 : index
    %swap3A_221 = arith.constant 0 : index
    %swap3A_222 = vector.load %arg6[%swap3A_220, %swap3A_221] : memref<32x256xi32, #tpu.memory_space<vmem>>, vector<1x256xi32>
    tpu.vector_store %arg6[%swap3A_220, %swap3A_221], %add3A_219 {strides = array<i32>} : memref<32x256xi32, #tpu.memory_space<vmem>>, vector<1x256xi32>,
    %eq3A_223 = vector.broadcast %broadcast_in_dim3A_217 : vector<1x256xi32> to vector<1792x256xi32>
    %eq3A_224 = arith.cmpi eq, %iota3A, %eq3A_223 : vector<1792x256xi32>
    %jit3A_225 = arith.constant 0x7F800000 : f32
    %broadcast_in_dim3A_226 = vector.broadcast %jit3A_225 : f32 to vector<1792x256xf32>
    %select_n3A_227 = arith.select %eq3A_224, %broadcast_in_dim3A_226, %select_n3A_206 : vector<1792x256xi1>, vector<1792x256xf32>
    %reduce_min3A_228 = arith.constant dense<0x7F800000> : vector<256xf32>
    %reduce_min3A_229 = vector.multi_reduction <minimumf>, %select_n3A_227, %reduce_min3A_228 [0] : vector<1792x256xf32> to vector<256xf32>
    %broadcast_in_dim3A_230 = vector.shape_cast %reduce_min3A_229 : vector<256xf32> to vector<1x256xf32>
    %eq3A_231 = vector.broadcast %broadcast_in_dim3A_230 : vector<1x256xf32> to vector<1792x256xf32>
    %eq3A_232 = arith.cmpf oeq, %select_n3A_227, %eq3A_231 : vector<1792x256xf32>
    %jit3A_233 = arith.constant 1792 : i32
    %broadcast_in_dim3A_234 = vector.broadcast %jit3A_233 : i32 to vector<1792x256xi32>
    %select_n3A_235 = arith.select %eq3A_232, %iota3A, %broadcast_in_dim3A_234 : vector<1792x256xi1>, vector<1792x256xi32>
    %reduce_min3A_236 = arith.constant dense<2147483647> : vector<256xi32>
    %reduce_min3A_237 = vector.multi_reduction <minsi>, %select_n3A_235, %reduce_min3A_236 [0] : vector<1792x256xi32> to vector<256xi32>
    %broadcast_in_dim3A_238 = vector.shape_cast %reduce_min3A_237 : vector<256xi32> to vector<1x256xi32>
    %add3A_239 = vector.broadcast %get3A_0 : i32 to vector<1x256xi32>
    %add3A_240 = arith.addi %add3A_239, %broadcast_in_dim3A_238 : vector<1x256xi32>
    %swap3A_241 = arith.constant 9 : index
    %swap3A_242 = arith.constant 0 : index
    %swap3A_243 = vector.load %arg6[%swap3A_241, %swap3A_242] : memref<32x256xi32, #tpu.memory_space<vmem>>, vector<1x256xi32>
    tpu.vector_store %arg6[%swap3A_241, %swap3A_242], %add3A_240 {strides = array<i32>} : memref<32x256xi32, #tpu.memory_space<vmem>>, vector<1x256xi32>,
    %eq3A_244 = vector.broadcast %broadcast_in_dim3A_238 : vector<1x256xi32> to vector<1792x256xi32>
    %eq3A_245 = arith.cmpi eq, %iota3A, %eq3A_244 : vector<1792x256xi32>
    %jit3A_246 = arith.constant 0x7F800000 : f32
    %broadcast_in_dim3A_247 = vector.broadcast %jit3A_246 : f32 to vector<1792x256xf32>
    %select_n3A_248 = arith.select %eq3A_245, %broadcast_in_dim3A_247, %select_n3A_227 : vector<1792x256xi1>, vector<1792x256xf32>
    %reduce_min3A_249 = arith.constant dense<0x7F800000> : vector<256xf32>
    %reduce_min3A_250 = vector.multi_reduction <minimumf>, %select_n3A_248, %reduce_min3A_249 [0] : vector<1792x256xf32> to vector<256xf32>
    %broadcast_in_dim3A_251 = vector.shape_cast %reduce_min3A_250 : vector<256xf32> to vector<1x256xf32>
    %eq3A_252 = vector.broadcast %broadcast_in_dim3A_251 : vector<1x256xf32> to vector<1792x256xf32>
    %eq3A_253 = arith.cmpf oeq, %select_n3A_248, %eq3A_252 : vector<1792x256xf32>
    %jit3A_254 = arith.constant 1792 : i32
    %broadcast_in_dim3A_255 = vector.broadcast %jit3A_254 : i32 to vector<1792x256xi32>
    %select_n3A_256 = arith.select %eq3A_253, %iota3A, %broadcast_in_dim3A_255 : vector<1792x256xi1>, vector<1792x256xi32>
    %reduce_min3A_257 = arith.constant dense<2147483647> : vector<256xi32>
    %reduce_min3A_258 = vector.multi_reduction <minsi>, %select_n3A_256, %reduce_min3A_257 [0] : vector<1792x256xi32> to vector<256xi32>
    %broadcast_in_dim3A_259 = vector.shape_cast %reduce_min3A_258 : vector<256xi32> to vector<1x256xi32>
    %add3A_260 = vector.broadcast %get3A_0 : i32 to vector<1x256xi32>
    %add3A_261 = arith.addi %add3A_260, %broadcast_in_dim3A_259 : vector<1x256xi32>
    %swap3A_262 = arith.constant 10 : index
    %swap3A_263 = arith.constant 0 : index
    %swap3A_264 = vector.load %arg6[%swap3A_262, %swap3A_263] : memref<32x256xi32, #tpu.memory_space<vmem>>, vector<1x256xi32>
    tpu.vector_store %arg6[%swap3A_262, %swap3A_263], %add3A_261 {strides = array<i32>} : memref<32x256xi32, #tpu.memory_space<vmem>>, vector<1x256xi32>,
    %eq3A_265 = vector.broadcast %broadcast_in_dim3A_259 : vector<1x256xi32> to vector<1792x256xi32>
    %eq3A_266 = arith.cmpi eq, %iota3A, %eq3A_265 : vector<1792x256xi32>
    %jit3A_267 = arith.constant 0x7F800000 : f32
    %broadcast_in_dim3A_268 = vector.broadcast %jit3A_267 : f32 to vector<1792x256xf32>
    %select_n3A_269 = arith.select %eq3A_266, %broadcast_in_dim3A_268, %select_n3A_248 : vector<1792x256xi1>, vector<1792x256xf32>
    %reduce_min3A_270 = arith.constant dense<0x7F800000> : vector<256xf32>
    %reduce_min3A_271 = vector.multi_reduction <minimumf>, %select_n3A_269, %reduce_min3A_270 [0] : vector<1792x256xf32> to vector<256xf32>
    %broadcast_in_dim3A_272 = vector.shape_cast %reduce_min3A_271 : vector<256xf32> to vector<1x256xf32>
    %eq3A_273 = vector.broadcast %broadcast_in_dim3A_272 : vector<1x256xf32> to vector<1792x256xf32>
    %eq3A_274 = arith.cmpf oeq, %select_n3A_269, %eq3A_273 : vector<1792x256xf32>
    %jit3A_275 = arith.constant 1792 : i32
    %broadcast_in_dim3A_276 = vector.broadcast %jit3A_275 : i32 to vector<1792x256xi32>
    %select_n3A_277 = arith.select %eq3A_274, %iota3A, %broadcast_in_dim3A_276 : vector<1792x256xi1>, vector<1792x256xi32>
    %reduce_min3A_278 = arith.constant dense<2147483647> : vector<256xi32>
    %reduce_min3A_279 = vector.multi_reduction <minsi>, %select_n3A_277, %reduce_min3A_278 [0] : vector<1792x256xi32> to vector<256xi32>
    %broadcast_in_dim3A_280 = vector.shape_cast %reduce_min3A_279 : vector<256xi32> to vector<1x256xi32>
    %add3A_281 = vector.broadcast %get3A_0 : i32 to vector<1x256xi32>
    %add3A_282 = arith.addi %add3A_281, %broadcast_in_dim3A_280 : vector<1x256xi32>
    %swap3A_283 = arith.constant 11 : index
    %swap3A_284 = arith.constant 0 : index
    %swap3A_285 = vector.load %arg6[%swap3A_283, %swap3A_284] : memref<32x256xi32, #tpu.memory_space<vmem>>, vector<1x256xi32>
    tpu.vector_store %arg6[%swap3A_283, %swap3A_284], %add3A_282 {strides = array<i32>} : memref<32x256xi32, #tpu.memory_space<vmem>>, vector<1x256xi32>,
    %eq3A_286 = vector.broadcast %broadcast_in_dim3A_280 : vector<1x256xi32> to vector<1792x256xi32>
    %eq3A_287 = arith.cmpi eq, %iota3A, %eq3A_286 : vector<1792x256xi32>
    %jit3A_288 = arith.constant 0x7F800000 : f32
    %broadcast_in_dim3A_289 = vector.broadcast %jit3A_288 : f32 to vector<1792x256xf32>
    %select_n3A_290 = arith.select %eq3A_287, %broadcast_in_dim3A_289, %select_n3A_269 : vector<1792x256xi1>, vector<1792x256xf32>
    %reduce_min3A_291 = arith.constant dense<0x7F800000> : vector<256xf32>
    %reduce_min3A_292 = vector.multi_reduction <minimumf>, %select_n3A_290, %reduce_min3A_291 [0] : vector<1792x256xf32> to vector<256xf32>
    %broadcast_in_dim3A_293 = vector.shape_cast %reduce_min3A_292 : vector<256xf32> to vector<1x256xf32>
    %eq3A_294 = vector.broadcast %broadcast_in_dim3A_293 : vector<1x256xf32> to vector<1792x256xf32>
    %eq3A_295 = arith.cmpf oeq, %select_n3A_290, %eq3A_294 : vector<1792x256xf32>
    %jit3A_296 = arith.constant 1792 : i32
    %broadcast_in_dim3A_297 = vector.broadcast %jit3A_296 : i32 to vector<1792x256xi32>
    %select_n3A_298 = arith.select %eq3A_295, %iota3A, %broadcast_in_dim3A_297 : vector<1792x256xi1>, vector<1792x256xi32>
    %reduce_min3A_299 = arith.constant dense<2147483647> : vector<256xi32>
    %reduce_min3A_300 = vector.multi_reduction <minsi>, %select_n3A_298, %reduce_min3A_299 [0] : vector<1792x256xi32> to vector<256xi32>
    %broadcast_in_dim3A_301 = vector.shape_cast %reduce_min3A_300 : vector<256xi32> to vector<1x256xi32>
    %add3A_302 = vector.broadcast %get3A_0 : i32 to vector<1x256xi32>
    %add3A_303 = arith.addi %add3A_302, %broadcast_in_dim3A_301 : vector<1x256xi32>
    %swap3A_304 = arith.constant 12 : index
    %swap3A_305 = arith.constant 0 : index
    %swap3A_306 = vector.load %arg6[%swap3A_304, %swap3A_305] : memref<32x256xi32, #tpu.memory_space<vmem>>, vector<1x256xi32>
    tpu.vector_store %arg6[%swap3A_304, %swap3A_305], %add3A_303 {strides = array<i32>} : memref<32x256xi32, #tpu.memory_space<vmem>>, vector<1x256xi32>,
    %eq3A_307 = vector.broadcast %broadcast_in_dim3A_301 : vector<1x256xi32> to vector<1792x256xi32>
    %eq3A_308 = arith.cmpi eq, %iota3A, %eq3A_307 : vector<1792x256xi32>
    %jit3A_309 = arith.constant 0x7F800000 : f32
    %broadcast_in_dim3A_310 = vector.broadcast %jit3A_309 : f32 to vector<1792x256xf32>
    %select_n3A_311 = arith.select %eq3A_308, %broadcast_in_dim3A_310, %select_n3A_290 : vector<1792x256xi1>, vector<1792x256xf32>
    %reduce_min3A_312 = arith.constant dense<0x7F800000> : vector<256xf32>
    %reduce_min3A_313 = vector.multi_reduction <minimumf>, %select_n3A_311, %reduce_min3A_312 [0] : vector<1792x256xf32> to vector<256xf32>
    %broadcast_in_dim3A_314 = vector.shape_cast %reduce_min3A_313 : vector<256xf32> to vector<1x256xf32>
    %eq3A_315 = vector.broadcast %broadcast_in_dim3A_314 : vector<1x256xf32> to vector<1792x256xf32>
    %eq3A_316 = arith.cmpf oeq, %select_n3A_311, %eq3A_315 : vector<1792x256xf32>
    %jit3A_317 = arith.constant 1792 : i32
    %broadcast_in_dim3A_318 = vector.broadcast %jit3A_317 : i32 to vector<1792x256xi32>
    %select_n3A_319 = arith.select %eq3A_316, %iota3A, %broadcast_in_dim3A_318 : vector<1792x256xi1>, vector<1792x256xi32>
    %reduce_min3A_320 = arith.constant dense<2147483647> : vector<256xi32>
    %reduce_min3A_321 = vector.multi_reduction <minsi>, %select_n3A_319, %reduce_min3A_320 [0] : vector<1792x256xi32> to vector<256xi32>
    %broadcast_in_dim3A_322 = vector.shape_cast %reduce_min3A_321 : vector<256xi32> to vector<1x256xi32>
    %add3A_323 = vector.broadcast %get3A_0 : i32 to vector<1x256xi32>
    %add3A_324 = arith.addi %add3A_323, %broadcast_in_dim3A_322 : vector<1x256xi32>
    %swap3A_325 = arith.constant 13 : index
    %swap3A_326 = arith.constant 0 : index
    %swap3A_327 = vector.load %arg6[%swap3A_325, %swap3A_326] : memref<32x256xi32, #tpu.memory_space<vmem>>, vector<1x256xi32>
    tpu.vector_store %arg6[%swap3A_325, %swap3A_326], %add3A_324 {strides = array<i32>} : memref<32x256xi32, #tpu.memory_space<vmem>>, vector<1x256xi32>,
    %eq3A_328 = vector.broadcast %broadcast_in_dim3A_322 : vector<1x256xi32> to vector<1792x256xi32>
    %eq3A_329 = arith.cmpi eq, %iota3A, %eq3A_328 : vector<1792x256xi32>
    %jit3A_330 = arith.constant 0x7F800000 : f32
    %broadcast_in_dim3A_331 = vector.broadcast %jit3A_330 : f32 to vector<1792x256xf32>
    %select_n3A_332 = arith.select %eq3A_329, %broadcast_in_dim3A_331, %select_n3A_311 : vector<1792x256xi1>, vector<1792x256xf32>
    %reduce_min3A_333 = arith.constant dense<0x7F800000> : vector<256xf32>
    %reduce_min3A_334 = vector.multi_reduction <minimumf>, %select_n3A_332, %reduce_min3A_333 [0] : vector<1792x256xf32> to vector<256xf32>
    %broadcast_in_dim3A_335 = vector.shape_cast %reduce_min3A_334 : vector<256xf32> to vector<1x256xf32>
    %eq3A_336 = vector.broadcast %broadcast_in_dim3A_335 : vector<1x256xf32> to vector<1792x256xf32>
    %eq3A_337 = arith.cmpf oeq, %select_n3A_332, %eq3A_336 : vector<1792x256xf32>
    %jit3A_338 = arith.constant 1792 : i32
    %broadcast_in_dim3A_339 = vector.broadcast %jit3A_338 : i32 to vector<1792x256xi32>
    %select_n3A_340 = arith.select %eq3A_337, %iota3A, %broadcast_in_dim3A_339 : vector<1792x256xi1>, vector<1792x256xi32>
    %reduce_min3A_341 = arith.constant dense<2147483647> : vector<256xi32>
    %reduce_min3A_342 = vector.multi_reduction <minsi>, %select_n3A_340, %reduce_min3A_341 [0] : vector<1792x256xi32> to vector<256xi32>
    %broadcast_in_dim3A_343 = vector.shape_cast %reduce_min3A_342 : vector<256xi32> to vector<1x256xi32>
    %add3A_344 = vector.broadcast %get3A_0 : i32 to vector<1x256xi32>
    %add3A_345 = arith.addi %add3A_344, %broadcast_in_dim3A_343 : vector<1x256xi32>
    %swap3A_346 = arith.constant 14 : index
    %swap3A_347 = arith.constant 0 : index
    %swap3A_348 = vector.load %arg6[%swap3A_346, %swap3A_347] : memref<32x256xi32, #tpu.memory_space<vmem>>, vector<1x256xi32>
    tpu.vector_store %arg6[%swap3A_346, %swap3A_347], %add3A_345 {strides = array<i32>} : memref<32x256xi32, #tpu.memory_space<vmem>>, vector<1x256xi32>,
    %eq3A_349 = vector.broadcast %broadcast_in_dim3A_343 : vector<1x256xi32> to vector<1792x256xi32>
    %eq3A_350 = arith.cmpi eq, %iota3A, %eq3A_349 : vector<1792x256xi32>
    %jit3A_351 = arith.constant 0x7F800000 : f32
    %broadcast_in_dim3A_352 = vector.broadcast %jit3A_351 : f32 to vector<1792x256xf32>
    %select_n3A_353 = arith.select %eq3A_350, %broadcast_in_dim3A_352, %select_n3A_332 : vector<1792x256xi1>, vector<1792x256xf32>
    %reduce_min3A_354 = arith.constant dense<0x7F800000> : vector<256xf32>
    %reduce_min3A_355 = vector.multi_reduction <minimumf>, %select_n3A_353, %reduce_min3A_354 [0] : vector<1792x256xf32> to vector<256xf32>
    %broadcast_in_dim3A_356 = vector.shape_cast %reduce_min3A_355 : vector<256xf32> to vector<1x256xf32>
    %eq3A_357 = vector.broadcast %broadcast_in_dim3A_356 : vector<1x256xf32> to vector<1792x256xf32>
    %eq3A_358 = arith.cmpf oeq, %select_n3A_353, %eq3A_357 : vector<1792x256xf32>
    %jit3A_359 = arith.constant 1792 : i32
    %broadcast_in_dim3A_360 = vector.broadcast %jit3A_359 : i32 to vector<1792x256xi32>
    %select_n3A_361 = arith.select %eq3A_358, %iota3A, %broadcast_in_dim3A_360 : vector<1792x256xi1>, vector<1792x256xi32>
    %reduce_min3A_362 = arith.constant dense<2147483647> : vector<256xi32>
    %reduce_min3A_363 = vector.multi_reduction <minsi>, %select_n3A_361, %reduce_min3A_362 [0] : vector<1792x256xi32> to vector<256xi32>
    %broadcast_in_dim3A_364 = vector.shape_cast %reduce_min3A_363 : vector<256xi32> to vector<1x256xi32>
    %add3A_365 = vector.broadcast %get3A_0 : i32 to vector<1x256xi32>
    %add3A_366 = arith.addi %add3A_365, %broadcast_in_dim3A_364 : vector<1x256xi32>
    %swap3A_367 = arith.constant 15 : index
    %swap3A_368 = arith.constant 0 : index
    %swap3A_369 = vector.load %arg6[%swap3A_367, %swap3A_368] : memref<32x256xi32, #tpu.memory_space<vmem>>, vector<1x256xi32>
    tpu.vector_store %arg6[%swap3A_367, %swap3A_368], %add3A_366 {strides = array<i32>} : memref<32x256xi32, #tpu.memory_space<vmem>>, vector<1x256xi32>,
    %eq3A_370 = vector.broadcast %broadcast_in_dim3A_364 : vector<1x256xi32> to vector<1792x256xi32>
    %eq3A_371 = arith.cmpi eq, %iota3A, %eq3A_370 : vector<1792x256xi32>
    %jit3A_372 = arith.constant 0x7F800000 : f32
    %broadcast_in_dim3A_373 = vector.broadcast %jit3A_372 : f32 to vector<1792x256xf32>
    %select_n3A_374 = arith.select %eq3A_371, %broadcast_in_dim3A_373, %select_n3A_353 : vector<1792x256xi1>, vector<1792x256xf32>
    %reduce_min3A_375 = arith.constant dense<0x7F800000> : vector<256xf32>
    %reduce_min3A_376 = vector.multi_reduction <minimumf>, %select_n3A_374, %reduce_min3A_375 [0] : vector<1792x256xf32> to vector<256xf32>
    %broadcast_in_dim3A_377 = vector.shape_cast %reduce_min3A_376 : vector<256xf32> to vector<1x256xf32>
    %eq3A_378 = vector.broadcast %broadcast_in_dim3A_377 : vector<1x256xf32> to vector<1792x256xf32>
    %eq3A_379 = arith.cmpf oeq, %select_n3A_374, %eq3A_378 : vector<1792x256xf32>
    %jit3A_380 = arith.constant 1792 : i32
    %broadcast_in_dim3A_381 = vector.broadcast %jit3A_380 : i32 to vector<1792x256xi32>
    %select_n3A_382 = arith.select %eq3A_379, %iota3A, %broadcast_in_dim3A_381 : vector<1792x256xi1>, vector<1792x256xi32>
    %reduce_min3A_383 = arith.constant dense<2147483647> : vector<256xi32>
    %reduce_min3A_384 = vector.multi_reduction <minsi>, %select_n3A_382, %reduce_min3A_383 [0] : vector<1792x256xi32> to vector<256xi32>
    %broadcast_in_dim3A_385 = vector.shape_cast %reduce_min3A_384 : vector<256xi32> to vector<1x256xi32>
    %add3A_386 = vector.broadcast %get3A_0 : i32 to vector<1x256xi32>
    %add3A_387 = arith.addi %add3A_386, %broadcast_in_dim3A_385 : vector<1x256xi32>
    %swap3A_388 = arith.constant 16 : index
    %swap3A_389 = arith.constant 0 : index
    %swap3A_390 = vector.load %arg6[%swap3A_388, %swap3A_389] : memref<32x256xi32, #tpu.memory_space<vmem>>, vector<1x256xi32>
    tpu.vector_store %arg6[%swap3A_388, %swap3A_389], %add3A_387 {strides = array<i32>} : memref<32x256xi32, #tpu.memory_space<vmem>>, vector<1x256xi32>,
    %eq3A_391 = vector.broadcast %broadcast_in_dim3A_385 : vector<1x256xi32> to vector<1792x256xi32>
    %eq3A_392 = arith.cmpi eq, %iota3A, %eq3A_391 : vector<1792x256xi32>
    %jit3A_393 = arith.constant 0x7F800000 : f32
    %broadcast_in_dim3A_394 = vector.broadcast %jit3A_393 : f32 to vector<1792x256xf32>
    %select_n3A_395 = arith.select %eq3A_392, %broadcast_in_dim3A_394, %select_n3A_374 : vector<1792x256xi1>, vector<1792x256xf32>
    %reduce_min3A_396 = arith.constant dense<0x7F800000> : vector<256xf32>
    %reduce_min3A_397 = vector.multi_reduction <minimumf>, %select_n3A_395, %reduce_min3A_396 [0] : vector<1792x256xf32> to vector<256xf32>
    %broadcast_in_dim3A_398 = vector.shape_cast %reduce_min3A_397 : vector<256xf32> to vector<1x256xf32>
    %eq3A_399 = vector.broadcast %broadcast_in_dim3A_398 : vector<1x256xf32> to vector<1792x256xf32>
    %eq3A_400 = arith.cmpf oeq, %select_n3A_395, %eq3A_399 : vector<1792x256xf32>
    %jit3A_401 = arith.constant 1792 : i32
    %broadcast_in_dim3A_402 = vector.broadcast %jit3A_401 : i32 to vector<1792x256xi32>
    %select_n3A_403 = arith.select %eq3A_400, %iota3A, %broadcast_in_dim3A_402 : vector<1792x256xi1>, vector<1792x256xi32>
    %reduce_min3A_404 = arith.constant dense<2147483647> : vector<256xi32>
    %reduce_min3A_405 = vector.multi_reduction <minsi>, %select_n3A_403, %reduce_min3A_404 [0] : vector<1792x256xi32> to vector<256xi32>
    %broadcast_in_dim3A_406 = vector.shape_cast %reduce_min3A_405 : vector<256xi32> to vector<1x256xi32>
    %add3A_407 = vector.broadcast %get3A_0 : i32 to vector<1x256xi32>
    %add3A_408 = arith.addi %add3A_407, %broadcast_in_dim3A_406 : vector<1x256xi32>
    %swap3A_409 = arith.constant 17 : index
    %swap3A_410 = arith.constant 0 : index
    %swap3A_411 = vector.load %arg6[%swap3A_409, %swap3A_410] : memref<32x256xi32, #tpu.memory_space<vmem>>, vector<1x256xi32>
    tpu.vector_store %arg6[%swap3A_409, %swap3A_410], %add3A_408 {strides = array<i32>} : memref<32x256xi32, #tpu.memory_space<vmem>>, vector<1x256xi32>,
    %eq3A_412 = vector.broadcast %broadcast_in_dim3A_406 : vector<1x256xi32> to vector<1792x256xi32>
    %eq3A_413 = arith.cmpi eq, %iota3A, %eq3A_412 : vector<1792x256xi32>
    %jit3A_414 = arith.constant 0x7F800000 : f32
    %broadcast_in_dim3A_415 = vector.broadcast %jit3A_414 : f32 to vector<1792x256xf32>
    %select_n3A_416 = arith.select %eq3A_413, %broadcast_in_dim3A_415, %select_n3A_395 : vector<1792x256xi1>, vector<1792x256xf32>
    %reduce_min3A_417 = arith.constant dense<0x7F800000> : vector<256xf32>
    %reduce_min3A_418 = vector.multi_reduction <minimumf>, %select_n3A_416, %reduce_min3A_417 [0] : vector<1792x256xf32> to vector<256xf32>
    %broadcast_in_dim3A_419 = vector.shape_cast %reduce_min3A_418 : vector<256xf32> to vector<1x256xf32>
    %eq3A_420 = vector.broadcast %broadcast_in_dim3A_419 : vector<1x256xf32> to vector<1792x256xf32>
    %eq3A_421 = arith.cmpf oeq, %select_n3A_416, %eq3A_420 : vector<1792x256xf32>
    %jit3A_422 = arith.constant 1792 : i32
    %broadcast_in_dim3A_423 = vector.broadcast %jit3A_422 : i32 to vector<1792x256xi32>
    %select_n3A_424 = arith.select %eq3A_421, %iota3A, %broadcast_in_dim3A_423 : vector<1792x256xi1>, vector<1792x256xi32>
    %reduce_min3A_425 = arith.constant dense<2147483647> : vector<256xi32>
    %reduce_min3A_426 = vector.multi_reduction <minsi>, %select_n3A_424, %reduce_min3A_425 [0] : vector<1792x256xi32> to vector<256xi32>
    %broadcast_in_dim3A_427 = vector.shape_cast %reduce_min3A_426 : vector<256xi32> to vector<1x256xi32>
    %add3A_428 = vector.broadcast %get3A_0 : i32 to vector<1x256xi32>
    %add3A_429 = arith.addi %add3A_428, %broadcast_in_dim3A_427 : vector<1x256xi32>
    %swap3A_430 = arith.constant 18 : index
    %swap3A_431 = arith.constant 0 : index
    %swap3A_432 = vector.load %arg6[%swap3A_430, %swap3A_431] : memref<32x256xi32, #tpu.memory_space<vmem>>, vector<1x256xi32>
    tpu.vector_store %arg6[%swap3A_430, %swap3A_431], %add3A_429 {strides = array<i32>} : memref<32x256xi32, #tpu.memory_space<vmem>>, vector<1x256xi32>,
    %eq3A_433 = vector.broadcast %broadcast_in_dim3A_427 : vector<1x256xi32> to vector<1792x256xi32>
    %eq3A_434 = arith.cmpi eq, %iota3A, %eq3A_433 : vector<1792x256xi32>
    %jit3A_435 = arith.constant 0x7F800000 : f32
    %broadcast_in_dim3A_436 = vector.broadcast %jit3A_435 : f32 to vector<1792x256xf32>
    %select_n3A_437 = arith.select %eq3A_434, %broadcast_in_dim3A_436, %select_n3A_416 : vector<1792x256xi1>, vector<1792x256xf32>
    %reduce_min3A_438 = arith.constant dense<0x7F800000> : vector<256xf32>
    %reduce_min3A_439 = vector.multi_reduction <minimumf>, %select_n3A_437, %reduce_min3A_438 [0] : vector<1792x256xf32> to vector<256xf32>
    %broadcast_in_dim3A_440 = vector.shape_cast %reduce_min3A_439 : vector<256xf32> to vector<1x256xf32>
    %eq3A_441 = vector.broadcast %broadcast_in_dim3A_440 : vector<1x256xf32> to vector<1792x256xf32>
    %eq3A_442 = arith.cmpf oeq, %select_n3A_437, %eq3A_441 : vector<1792x256xf32>
    %jit3A_443 = arith.constant 1792 : i32
    %broadcast_in_dim3A_444 = vector.broadcast %jit3A_443 : i32 to vector<1792x256xi32>
    %select_n3A_445 = arith.select %eq3A_442, %iota3A, %broadcast_in_dim3A_444 : vector<1792x256xi1>, vector<1792x256xi32>
    %reduce_min3A_446 = arith.constant dense<2147483647> : vector<256xi32>
    %reduce_min3A_447 = vector.multi_reduction <minsi>, %select_n3A_445, %reduce_min3A_446 [0] : vector<1792x256xi32> to vector<256xi32>
    %broadcast_in_dim3A_448 = vector.shape_cast %reduce_min3A_447 : vector<256xi32> to vector<1x256xi32>
    %add3A_449 = vector.broadcast %get3A_0 : i32 to vector<1x256xi32>
    %add3A_450 = arith.addi %add3A_449, %broadcast_in_dim3A_448 : vector<1x256xi32>
    %swap3A_451 = arith.constant 19 : index
    %swap3A_452 = arith.constant 0 : index
    %swap3A_453 = vector.load %arg6[%swap3A_451, %swap3A_452] : memref<32x256xi32, #tpu.memory_space<vmem>>, vector<1x256xi32>
    tpu.vector_store %arg6[%swap3A_451, %swap3A_452], %add3A_450 {strides = array<i32>} : memref<32x256xi32, #tpu.memory_space<vmem>>, vector<1x256xi32>,
    %eq3A_454 = vector.broadcast %broadcast_in_dim3A_448 : vector<1x256xi32> to vector<1792x256xi32>
    %eq3A_455 = arith.cmpi eq, %iota3A, %eq3A_454 : vector<1792x256xi32>
    %jit3A_456 = arith.constant 0x7F800000 : f32
    %broadcast_in_dim3A_457 = vector.broadcast %jit3A_456 : f32 to vector<1792x256xf32>
    %select_n3A_458 = arith.select %eq3A_455, %broadcast_in_dim3A_457, %select_n3A_437 : vector<1792x256xi1>, vector<1792x256xf32>
    %reduce_min3A_459 = arith.constant dense<0x7F800000> : vector<256xf32>
    %reduce_min3A_460 = vector.multi_reduction <minimumf>, %select_n3A_458, %reduce_min3A_459 [0] : vector<1792x256xf32> to vector<256xf32>
    %broadcast_in_dim3A_461 = vector.shape_cast %reduce_min3A_460 : vector<256xf32> to vector<1x256xf32>
    %eq3A_462 = vector.broadcast %broadcast_in_dim3A_461 : vector<1x256xf32> to vector<1792x256xf32>
    %eq3A_463 = arith.cmpf oeq, %select_n3A_458, %eq3A_462 : vector<1792x256xf32>
    %jit3A_464 = arith.constant 1792 : i32
    %broadcast_in_dim3A_465 = vector.broadcast %jit3A_464 : i32 to vector<1792x256xi32>
    %select_n3A_466 = arith.select %eq3A_463, %iota3A, %broadcast_in_dim3A_465 : vector<1792x256xi1>, vector<1792x256xi32>
    %reduce_min3A_467 = arith.constant dense<2147483647> : vector<256xi32>
    %reduce_min3A_468 = vector.multi_reduction <minsi>, %select_n3A_466, %reduce_min3A_467 [0] : vector<1792x256xi32> to vector<256xi32>
    %broadcast_in_dim3A_469 = vector.shape_cast %reduce_min3A_468 : vector<256xi32> to vector<1x256xi32>
    %add3A_470 = vector.broadcast %get3A_0 : i32 to vector<1x256xi32>
    %add3A_471 = arith.addi %add3A_470, %broadcast_in_dim3A_469 : vector<1x256xi32>
    %swap3A_472 = arith.constant 20 : index
    %swap3A_473 = arith.constant 0 : index
    %swap3A_474 = vector.load %arg6[%swap3A_472, %swap3A_473] : memref<32x256xi32, #tpu.memory_space<vmem>>, vector<1x256xi32>
    tpu.vector_store %arg6[%swap3A_472, %swap3A_473], %add3A_471 {strides = array<i32>} : memref<32x256xi32, #tpu.memory_space<vmem>>, vector<1x256xi32>,
    %eq3A_475 = vector.broadcast %broadcast_in_dim3A_469 : vector<1x256xi32> to vector<1792x256xi32>
    %eq3A_476 = arith.cmpi eq, %iota3A, %eq3A_475 : vector<1792x256xi32>
    %jit3A_477 = arith.constant 0x7F800000 : f32
    %broadcast_in_dim3A_478 = vector.broadcast %jit3A_477 : f32 to vector<1792x256xf32>
    %select_n3A_479 = arith.select %eq3A_476, %broadcast_in_dim3A_478, %select_n3A_458 : vector<1792x256xi1>, vector<1792x256xf32>
    %reduce_min3A_480 = arith.constant dense<0x7F800000> : vector<256xf32>
    %reduce_min3A_481 = vector.multi_reduction <minimumf>, %select_n3A_479, %reduce_min3A_480 [0] : vector<1792x256xf32> to vector<256xf32>
    %broadcast_in_dim3A_482 = vector.shape_cast %reduce_min3A_481 : vector<256xf32> to vector<1x256xf32>
    %eq3A_483 = vector.broadcast %broadcast_in_dim3A_482 : vector<1x256xf32> to vector<1792x256xf32>
    %eq3A_484 = arith.cmpf oeq, %select_n3A_479, %eq3A_483 : vector<1792x256xf32>
    %jit3A_485 = arith.constant 1792 : i32
    %broadcast_in_dim3A_486 = vector.broadcast %jit3A_485 : i32 to vector<1792x256xi32>
    %select_n3A_487 = arith.select %eq3A_484, %iota3A, %broadcast_in_dim3A_486 : vector<1792x256xi1>, vector<1792x256xi32>
    %reduce_min3A_488 = arith.constant dense<2147483647> : vector<256xi32>
    %reduce_min3A_489 = vector.multi_reduction <minsi>, %select_n3A_487, %reduce_min3A_488 [0] : vector<1792x256xi32> to vector<256xi32>
    %broadcast_in_dim3A_490 = vector.shape_cast %reduce_min3A_489 : vector<256xi32> to vector<1x256xi32>
    %add3A_491 = vector.broadcast %get3A_0 : i32 to vector<1x256xi32>
    %add3A_492 = arith.addi %add3A_491, %broadcast_in_dim3A_490 : vector<1x256xi32>
    %swap3A_493 = arith.constant 21 : index
    %swap3A_494 = arith.constant 0 : index
    %swap3A_495 = vector.load %arg6[%swap3A_493, %swap3A_494] : memref<32x256xi32, #tpu.memory_space<vmem>>, vector<1x256xi32>
    tpu.vector_store %arg6[%swap3A_493, %swap3A_494], %add3A_492 {strides = array<i32>} : memref<32x256xi32, #tpu.memory_space<vmem>>, vector<1x256xi32>,
    %eq3A_496 = vector.broadcast %broadcast_in_dim3A_490 : vector<1x256xi32> to vector<1792x256xi32>
    %eq3A_497 = arith.cmpi eq, %iota3A, %eq3A_496 : vector<1792x256xi32>
    %jit3A_498 = arith.constant 0x7F800000 : f32
    %broadcast_in_dim3A_499 = vector.broadcast %jit3A_498 : f32 to vector<1792x256xf32>
    %select_n3A_500 = arith.select %eq3A_497, %broadcast_in_dim3A_499, %select_n3A_479 : vector<1792x256xi1>, vector<1792x256xf32>
    %reduce_min3A_501 = arith.constant dense<0x7F800000> : vector<256xf32>
    %reduce_min3A_502 = vector.multi_reduction <minimumf>, %select_n3A_500, %reduce_min3A_501 [0] : vector<1792x256xf32> to vector<256xf32>
    %broadcast_in_dim3A_503 = vector.shape_cast %reduce_min3A_502 : vector<256xf32> to vector<1x256xf32>
    %eq3A_504 = vector.broadcast %broadcast_in_dim3A_503 : vector<1x256xf32> to vector<1792x256xf32>
    %eq3A_505 = arith.cmpf oeq, %select_n3A_500, %eq3A_504 : vector<1792x256xf32>
    %jit3A_506 = arith.constant 1792 : i32
    %broadcast_in_dim3A_507 = vector.broadcast %jit3A_506 : i32 to vector<1792x256xi32>
    %select_n3A_508 = arith.select %eq3A_505, %iota3A, %broadcast_in_dim3A_507 : vector<1792x256xi1>, vector<1792x256xi32>
    %reduce_min3A_509 = arith.constant dense<2147483647> : vector<256xi32>
    %reduce_min3A_510 = vector.multi_reduction <minsi>, %select_n3A_508, %reduce_min3A_509 [0] : vector<1792x256xi32> to vector<256xi32>
    %broadcast_in_dim3A_511 = vector.shape_cast %reduce_min3A_510 : vector<256xi32> to vector<1x256xi32>
    %add3A_512 = vector.broadcast %get3A_0 : i32 to vector<1x256xi32>
    %add3A_513 = arith.addi %add3A_512, %broadcast_in_dim3A_511 : vector<1x256xi32>
    %swap3A_514 = arith.constant 22 : index
    %swap3A_515 = arith.constant 0 : index
    %swap3A_516 = vector.load %arg6[%swap3A_514, %swap3A_515] : memref<32x256xi32, #tpu.memory_space<vmem>>, vector<1x256xi32>
    tpu.vector_store %arg6[%swap3A_514, %swap3A_515], %add3A_513 {strides = array<i32>} : memref<32x256xi32, #tpu.memory_space<vmem>>, vector<1x256xi32>,
    %eq3A_517 = vector.broadcast %broadcast_in_dim3A_511 : vector<1x256xi32> to vector<1792x256xi32>
    %eq3A_518 = arith.cmpi eq, %iota3A, %eq3A_517 : vector<1792x256xi32>
    %jit3A_519 = arith.constant 0x7F800000 : f32
    %broadcast_in_dim3A_520 = vector.broadcast %jit3A_519 : f32 to vector<1792x256xf32>
    %select_n3A_521 = arith.select %eq3A_518, %broadcast_in_dim3A_520, %select_n3A_500 : vector<1792x256xi1>, vector<1792x256xf32>
    %reduce_min3A_522 = arith.constant dense<0x7F800000> : vector<256xf32>
    %reduce_min3A_523 = vector.multi_reduction <minimumf>, %select_n3A_521, %reduce_min3A_522 [0] : vector<1792x256xf32> to vector<256xf32>
    %broadcast_in_dim3A_524 = vector.shape_cast %reduce_min3A_523 : vector<256xf32> to vector<1x256xf32>
    %eq3A_525 = vector.broadcast %broadcast_in_dim3A_524 : vector<1x256xf32> to vector<1792x256xf32>
    %eq3A_526 = arith.cmpf oeq, %select_n3A_521, %eq3A_525 : vector<1792x256xf32>
    %jit3A_527 = arith.constant 1792 : i32
    %broadcast_in_dim3A_528 = vector.broadcast %jit3A_527 : i32 to vector<1792x256xi32>
    %select_n3A_529 = arith.select %eq3A_526, %iota3A, %broadcast_in_dim3A_528 : vector<1792x256xi1>, vector<1792x256xi32>
    %reduce_min3A_530 = arith.constant dense<2147483647> : vector<256xi32>
    %reduce_min3A_531 = vector.multi_reduction <minsi>, %select_n3A_529, %reduce_min3A_530 [0] : vector<1792x256xi32> to vector<256xi32>
    %broadcast_in_dim3A_532 = vector.shape_cast %reduce_min3A_531 : vector<256xi32> to vector<1x256xi32>
    %add3A_533 = vector.broadcast %get3A_0 : i32 to vector<1x256xi32>
    %add3A_534 = arith.addi %add3A_533, %broadcast_in_dim3A_532 : vector<1x256xi32>
    %swap3A_535 = arith.constant 23 : index
    %swap3A_536 = arith.constant 0 : index
    %swap3A_537 = vector.load %arg6[%swap3A_535, %swap3A_536] : memref<32x256xi32, #tpu.memory_space<vmem>>, vector<1x256xi32>
    tpu.vector_store %arg6[%swap3A_535, %swap3A_536], %add3A_534 {strides = array<i32>} : memref<32x256xi32, #tpu.memory_space<vmem>>, vector<1x256xi32>,
    %eq3A_538 = vector.broadcast %broadcast_in_dim3A_532 : vector<1x256xi32> to vector<1792x256xi32>
    %eq3A_539 = arith.cmpi eq, %iota3A, %eq3A_538 : vector<1792x256xi32>
    %jit3A_540 = arith.constant 0x7F800000 : f32
    %broadcast_in_dim3A_541 = vector.broadcast %jit3A_540 : f32 to vector<1792x256xf32>
    %select_n3A_542 = arith.select %eq3A_539, %broadcast_in_dim3A_541, %select_n3A_521 : vector<1792x256xi1>, vector<1792x256xf32>
    %reduce_min3A_543 = arith.constant dense<0x7F800000> : vector<256xf32>
    %reduce_min3A_544 = vector.multi_reduction <minimumf>, %select_n3A_542, %reduce_min3A_543 [0] : vector<1792x256xf32> to vector<256xf32>
    %broadcast_in_dim3A_545 = vector.shape_cast %reduce_min3A_544 : vector<256xf32> to vector<1x256xf32>
    %eq3A_546 = vector.broadcast %broadcast_in_dim3A_545 : vector<1x256xf32> to vector<1792x256xf32>
    %eq3A_547 = arith.cmpf oeq, %select_n3A_542, %eq3A_546 : vector<1792x256xf32>
    %jit3A_548 = arith.constant 1792 : i32
    %broadcast_in_dim3A_549 = vector.broadcast %jit3A_548 : i32 to vector<1792x256xi32>
    %select_n3A_550 = arith.select %eq3A_547, %iota3A, %broadcast_in_dim3A_549 : vector<1792x256xi1>, vector<1792x256xi32>
    %reduce_min3A_551 = arith.constant dense<2147483647> : vector<256xi32>
    %reduce_min3A_552 = vector.multi_reduction <minsi>, %select_n3A_550, %reduce_min3A_551 [0] : vector<1792x256xi32> to vector<256xi32>
    %broadcast_in_dim3A_553 = vector.shape_cast %reduce_min3A_552 : vector<256xi32> to vector<1x256xi32>
    %add3A_554 = vector.broadcast %get3A_0 : i32 to vector<1x256xi32>
    %add3A_555 = arith.addi %add3A_554, %broadcast_in_dim3A_553 : vector<1x256xi32>
    %swap3A_556 = arith.constant 24 : index
    %swap3A_557 = arith.constant 0 : index
    %swap3A_558 = vector.load %arg6[%swap3A_556, %swap3A_557] : memref<32x256xi32, #tpu.memory_space<vmem>>, vector<1x256xi32>
    tpu.vector_store %arg6[%swap3A_556, %swap3A_557], %add3A_555 {strides = array<i32>} : memref<32x256xi32, #tpu.memory_space<vmem>>, vector<1x256xi32>,
    %eq3A_559 = vector.broadcast %broadcast_in_dim3A_553 : vector<1x256xi32> to vector<1792x256xi32>
    %eq3A_560 = arith.cmpi eq, %iota3A, %eq3A_559 : vector<1792x256xi32>
    %jit3A_561 = arith.constant 0x7F800000 : f32
    %broadcast_in_dim3A_562 = vector.broadcast %jit3A_561 : f32 to vector<1792x256xf32>
    %select_n3A_563 = arith.select %eq3A_560, %broadcast_in_dim3A_562, %select_n3A_542 : vector<1792x256xi1>, vector<1792x256xf32>
    %reduce_min3A_564 = arith.constant dense<0x7F800000> : vector<256xf32>
    %reduce_min3A_565 = vector.multi_reduction <minimumf>, %select_n3A_563, %reduce_min3A_564 [0] : vector<1792x256xf32> to vector<256xf32>
    %broadcast_in_dim3A_566 = vector.shape_cast %reduce_min3A_565 : vector<256xf32> to vector<1x256xf32>
    %eq3A_567 = vector.broadcast %broadcast_in_dim3A_566 : vector<1x256xf32> to vector<1792x256xf32>
    %eq3A_568 = arith.cmpf oeq, %select_n3A_563, %eq3A_567 : vector<1792x256xf32>
    %jit3A_569 = arith.constant 1792 : i32
    %broadcast_in_dim3A_570 = vector.broadcast %jit3A_569 : i32 to vector<1792x256xi32>
    %select_n3A_571 = arith.select %eq3A_568, %iota3A, %broadcast_in_dim3A_570 : vector<1792x256xi1>, vector<1792x256xi32>
    %reduce_min3A_572 = arith.constant dense<2147483647> : vector<256xi32>
    %reduce_min3A_573 = vector.multi_reduction <minsi>, %select_n3A_571, %reduce_min3A_572 [0] : vector<1792x256xi32> to vector<256xi32>
    %broadcast_in_dim3A_574 = vector.shape_cast %reduce_min3A_573 : vector<256xi32> to vector<1x256xi32>
    %add3A_575 = vector.broadcast %get3A_0 : i32 to vector<1x256xi32>
    %add3A_576 = arith.addi %add3A_575, %broadcast_in_dim3A_574 : vector<1x256xi32>
    %swap3A_577 = arith.constant 25 : index
    %swap3A_578 = arith.constant 0 : index
    %swap3A_579 = vector.load %arg6[%swap3A_577, %swap3A_578] : memref<32x256xi32, #tpu.memory_space<vmem>>, vector<1x256xi32>
    tpu.vector_store %arg6[%swap3A_577, %swap3A_578], %add3A_576 {strides = array<i32>} : memref<32x256xi32, #tpu.memory_space<vmem>>, vector<1x256xi32>,
    %eq3A_580 = vector.broadcast %broadcast_in_dim3A_574 : vector<1x256xi32> to vector<1792x256xi32>
    %eq3A_581 = arith.cmpi eq, %iota3A, %eq3A_580 : vector<1792x256xi32>
    %jit3A_582 = arith.constant 0x7F800000 : f32
    %broadcast_in_dim3A_583 = vector.broadcast %jit3A_582 : f32 to vector<1792x256xf32>
    %select_n3A_584 = arith.select %eq3A_581, %broadcast_in_dim3A_583, %select_n3A_563 : vector<1792x256xi1>, vector<1792x256xf32>
    %reduce_min3A_585 = arith.constant dense<0x7F800000> : vector<256xf32>
    %reduce_min3A_586 = vector.multi_reduction <minimumf>, %select_n3A_584, %reduce_min3A_585 [0] : vector<1792x256xf32> to vector<256xf32>
    %broadcast_in_dim3A_587 = vector.shape_cast %reduce_min3A_586 : vector<256xf32> to vector<1x256xf32>
    %eq3A_588 = vector.broadcast %broadcast_in_dim3A_587 : vector<1x256xf32> to vector<1792x256xf32>
    %eq3A_589 = arith.cmpf oeq, %select_n3A_584, %eq3A_588 : vector<1792x256xf32>
    %jit3A_590 = arith.constant 1792 : i32
    %broadcast_in_dim3A_591 = vector.broadcast %jit3A_590 : i32 to vector<1792x256xi32>
    %select_n3A_592 = arith.select %eq3A_589, %iota3A, %broadcast_in_dim3A_591 : vector<1792x256xi1>, vector<1792x256xi32>
    %reduce_min3A_593 = arith.constant dense<2147483647> : vector<256xi32>
    %reduce_min3A_594 = vector.multi_reduction <minsi>, %select_n3A_592, %reduce_min3A_593 [0] : vector<1792x256xi32> to vector<256xi32>
    %broadcast_in_dim3A_595 = vector.shape_cast %reduce_min3A_594 : vector<256xi32> to vector<1x256xi32>
    %add3A_596 = vector.broadcast %get3A_0 : i32 to vector<1x256xi32>
    %add3A_597 = arith.addi %add3A_596, %broadcast_in_dim3A_595 : vector<1x256xi32>
    %swap3A_598 = arith.constant 26 : index
    %swap3A_599 = arith.constant 0 : index
    %swap3A_600 = vector.load %arg6[%swap3A_598, %swap3A_599] : memref<32x256xi32, #tpu.memory_space<vmem>>, vector<1x256xi32>
    tpu.vector_store %arg6[%swap3A_598, %swap3A_599], %add3A_597 {strides = array<i32>} : memref<32x256xi32, #tpu.memory_space<vmem>>, vector<1x256xi32>,
    %eq3A_601 = vector.broadcast %broadcast_in_dim3A_595 : vector<1x256xi32> to vector<1792x256xi32>
    %eq3A_602 = arith.cmpi eq, %iota3A, %eq3A_601 : vector<1792x256xi32>
    %jit3A_603 = arith.constant 0x7F800000 : f32
    %broadcast_in_dim3A_604 = vector.broadcast %jit3A_603 : f32 to vector<1792x256xf32>
    %select_n3A_605 = arith.select %eq3A_602, %broadcast_in_dim3A_604, %select_n3A_584 : vector<1792x256xi1>, vector<1792x256xf32>
    %reduce_min3A_606 = arith.constant dense<0x7F800000> : vector<256xf32>
    %reduce_min3A_607 = vector.multi_reduction <minimumf>, %select_n3A_605, %reduce_min3A_606 [0] : vector<1792x256xf32> to vector<256xf32>
    %broadcast_in_dim3A_608 = vector.shape_cast %reduce_min3A_607 : vector<256xf32> to vector<1x256xf32>
    %eq3A_609 = vector.broadcast %broadcast_in_dim3A_608 : vector<1x256xf32> to vector<1792x256xf32>
    %eq3A_610 = arith.cmpf oeq, %select_n3A_605, %eq3A_609 : vector<1792x256xf32>
    %jit3A_611 = arith.constant 1792 : i32
    %broadcast_in_dim3A_612 = vector.broadcast %jit3A_611 : i32 to vector<1792x256xi32>
    %select_n3A_613 = arith.select %eq3A_610, %iota3A, %broadcast_in_dim3A_612 : vector<1792x256xi1>, vector<1792x256xi32>
    %reduce_min3A_614 = arith.constant dense<2147483647> : vector<256xi32>
    %reduce_min3A_615 = vector.multi_reduction <minsi>, %select_n3A_613, %reduce_min3A_614 [0] : vector<1792x256xi32> to vector<256xi32>
    %broadcast_in_dim3A_616 = vector.shape_cast %reduce_min3A_615 : vector<256xi32> to vector<1x256xi32>
    %add3A_617 = vector.broadcast %get3A_0 : i32 to vector<1x256xi32>
    %add3A_618 = arith.addi %add3A_617, %broadcast_in_dim3A_616 : vector<1x256xi32>
    %swap3A_619 = arith.constant 27 : index
    %swap3A_620 = arith.constant 0 : index
    %swap3A_621 = vector.load %arg6[%swap3A_619, %swap3A_620] : memref<32x256xi32, #tpu.memory_space<vmem>>, vector<1x256xi32>
    tpu.vector_store %arg6[%swap3A_619, %swap3A_620], %add3A_618 {strides = array<i32>} : memref<32x256xi32, #tpu.memory_space<vmem>>, vector<1x256xi32>,
    %eq3A_622 = vector.broadcast %broadcast_in_dim3A_616 : vector<1x256xi32> to vector<1792x256xi32>
    %eq3A_623 = arith.cmpi eq, %iota3A, %eq3A_622 : vector<1792x256xi32>
    %jit3A_624 = arith.constant 0x7F800000 : f32
    %broadcast_in_dim3A_625 = vector.broadcast %jit3A_624 : f32 to vector<1792x256xf32>
    %select_n3A_626 = arith.select %eq3A_623, %broadcast_in_dim3A_625, %select_n3A_605 : vector<1792x256xi1>, vector<1792x256xf32>
    %reduce_min3A_627 = arith.constant dense<0x7F800000> : vector<256xf32>
    %reduce_min3A_628 = vector.multi_reduction <minimumf>, %select_n3A_626, %reduce_min3A_627 [0] : vector<1792x256xf32> to vector<256xf32>
    %broadcast_in_dim3A_629 = vector.shape_cast %reduce_min3A_628 : vector<256xf32> to vector<1x256xf32>
    %eq3A_630 = vector.broadcast %broadcast_in_dim3A_629 : vector<1x256xf32> to vector<1792x256xf32>
    %eq3A_631 = arith.cmpf oeq, %select_n3A_626, %eq3A_630 : vector<1792x256xf32>
    %jit3A_632 = arith.constant 1792 : i32
    %broadcast_in_dim3A_633 = vector.broadcast %jit3A_632 : i32 to vector<1792x256xi32>
    %select_n3A_634 = arith.select %eq3A_631, %iota3A, %broadcast_in_dim3A_633 : vector<1792x256xi1>, vector<1792x256xi32>
    %reduce_min3A_635 = arith.constant dense<2147483647> : vector<256xi32>
    %reduce_min3A_636 = vector.multi_reduction <minsi>, %select_n3A_634, %reduce_min3A_635 [0] : vector<1792x256xi32> to vector<256xi32>
    %broadcast_in_dim3A_637 = vector.shape_cast %reduce_min3A_636 : vector<256xi32> to vector<1x256xi32>
    %add3A_638 = vector.broadcast %get3A_0 : i32 to vector<1x256xi32>
    %add3A_639 = arith.addi %add3A_638, %broadcast_in_dim3A_637 : vector<1x256xi32>
    %swap3A_640 = arith.constant 28 : index
    %swap3A_641 = arith.constant 0 : index
    %swap3A_642 = vector.load %arg6[%swap3A_640, %swap3A_641] : memref<32x256xi32, #tpu.memory_space<vmem>>, vector<1x256xi32>
    tpu.vector_store %arg6[%swap3A_640, %swap3A_641], %add3A_639 {strides = array<i32>} : memref<32x256xi32, #tpu.memory_space<vmem>>, vector<1x256xi32>,
    %eq3A_643 = vector.broadcast %broadcast_in_dim3A_637 : vector<1x256xi32> to vector<1792x256xi32>
    %eq3A_644 = arith.cmpi eq, %iota3A, %eq3A_643 : vector<1792x256xi32>
    %jit3A_645 = arith.constant 0x7F800000 : f32
    %broadcast_in_dim3A_646 = vector.broadcast %jit3A_645 : f32 to vector<1792x256xf32>
    %select_n3A_647 = arith.select %eq3A_644, %broadcast_in_dim3A_646, %select_n3A_626 : vector<1792x256xi1>, vector<1792x256xf32>
    %reduce_min3A_648 = arith.constant dense<0x7F800000> : vector<256xf32>
    %reduce_min3A_649 = vector.multi_reduction <minimumf>, %select_n3A_647, %reduce_min3A_648 [0] : vector<1792x256xf32> to vector<256xf32>
    %broadcast_in_dim3A_650 = vector.shape_cast %reduce_min3A_649 : vector<256xf32> to vector<1x256xf32>
    %eq3A_651 = vector.broadcast %broadcast_in_dim3A_650 : vector<1x256xf32> to vector<1792x256xf32>
    %eq3A_652 = arith.cmpf oeq, %select_n3A_647, %eq3A_651 : vector<1792x256xf32>
    %jit3A_653 = arith.constant 1792 : i32
    %broadcast_in_dim3A_654 = vector.broadcast %jit3A_653 : i32 to vector<1792x256xi32>
    %select_n3A_655 = arith.select %eq3A_652, %iota3A, %broadcast_in_dim3A_654 : vector<1792x256xi1>, vector<1792x256xi32>
    %reduce_min3A_656 = arith.constant dense<2147483647> : vector<256xi32>
    %reduce_min3A_657 = vector.multi_reduction <minsi>, %select_n3A_655, %reduce_min3A_656 [0] : vector<1792x256xi32> to vector<256xi32>
    %broadcast_in_dim3A_658 = vector.shape_cast %reduce_min3A_657 : vector<256xi32> to vector<1x256xi32>
    %add3A_659 = vector.broadcast %get3A_0 : i32 to vector<1x256xi32>
    %add3A_660 = arith.addi %add3A_659, %broadcast_in_dim3A_658 : vector<1x256xi32>
    %swap3A_661 = arith.constant 29 : index
    %swap3A_662 = arith.constant 0 : index
    %swap3A_663 = vector.load %arg6[%swap3A_661, %swap3A_662] : memref<32x256xi32, #tpu.memory_space<vmem>>, vector<1x256xi32>
    tpu.vector_store %arg6[%swap3A_661, %swap3A_662], %add3A_660 {strides = array<i32>} : memref<32x256xi32, #tpu.memory_space<vmem>>, vector<1x256xi32>,
    %eq3A_664 = vector.broadcast %broadcast_in_dim3A_658 : vector<1x256xi32> to vector<1792x256xi32>
    %eq3A_665 = arith.cmpi eq, %iota3A, %eq3A_664 : vector<1792x256xi32>
    %jit3A_666 = arith.constant 0x7F800000 : f32
    %broadcast_in_dim3A_667 = vector.broadcast %jit3A_666 : f32 to vector<1792x256xf32>
    %select_n3A_668 = arith.select %eq3A_665, %broadcast_in_dim3A_667, %select_n3A_647 : vector<1792x256xi1>, vector<1792x256xf32>
    %reduce_min3A_669 = arith.constant dense<0x7F800000> : vector<256xf32>
    %reduce_min3A_670 = vector.multi_reduction <minimumf>, %select_n3A_668, %reduce_min3A_669 [0] : vector<1792x256xf32> to vector<256xf32>
    %broadcast_in_dim3A_671 = vector.shape_cast %reduce_min3A_670 : vector<256xf32> to vector<1x256xf32>
    %eq3A_672 = vector.broadcast %broadcast_in_dim3A_671 : vector<1x256xf32> to vector<1792x256xf32>
    %eq3A_673 = arith.cmpf oeq, %select_n3A_668, %eq3A_672 : vector<1792x256xf32>
    %jit3A_674 = arith.constant 1792 : i32
    %broadcast_in_dim3A_675 = vector.broadcast %jit3A_674 : i32 to vector<1792x256xi32>
    %select_n3A_676 = arith.select %eq3A_673, %iota3A, %broadcast_in_dim3A_675 : vector<1792x256xi1>, vector<1792x256xi32>
    %reduce_min3A_677 = arith.constant dense<2147483647> : vector<256xi32>
    %reduce_min3A_678 = vector.multi_reduction <minsi>, %select_n3A_676, %reduce_min3A_677 [0] : vector<1792x256xi32> to vector<256xi32>
    %broadcast_in_dim3A_679 = vector.shape_cast %reduce_min3A_678 : vector<256xi32> to vector<1x256xi32>
    %add3A_680 = vector.broadcast %get3A_0 : i32 to vector<1x256xi32>
    %add3A_681 = arith.addi %add3A_680, %broadcast_in_dim3A_679 : vector<1x256xi32>
    %swap3A_682 = arith.constant 30 : index
    %swap3A_683 = arith.constant 0 : index
    %swap3A_684 = vector.load %arg6[%swap3A_682, %swap3A_683] : memref<32x256xi32, #tpu.memory_space<vmem>>, vector<1x256xi32>
    tpu.vector_store %arg6[%swap3A_682, %swap3A_683], %add3A_681 {strides = array<i32>} : memref<32x256xi32, #tpu.memory_space<vmem>>, vector<1x256xi32>,
    %eq3A_685 = vector.broadcast %broadcast_in_dim3A_679 : vector<1x256xi32> to vector<1792x256xi32>
    %eq3A_686 = arith.cmpi eq, %iota3A, %eq3A_685 : vector<1792x256xi32>
    %jit3A_687 = arith.constant 0x7F800000 : f32
    %broadcast_in_dim3A_688 = vector.broadcast %jit3A_687 : f32 to vector<1792x256xf32>
    %select_n3A_689 = arith.select %eq3A_686, %broadcast_in_dim3A_688, %select_n3A_668 : vector<1792x256xi1>, vector<1792x256xf32>
    %reduce_min3A_690 = arith.constant dense<0x7F800000> : vector<256xf32>
    %reduce_min3A_691 = vector.multi_reduction <minimumf>, %select_n3A_689, %reduce_min3A_690 [0] : vector<1792x256xf32> to vector<256xf32>
    %broadcast_in_dim3A_692 = vector.shape_cast %reduce_min3A_691 : vector<256xf32> to vector<1x256xf32>
    %eq3A_693 = vector.broadcast %broadcast_in_dim3A_692 : vector<1x256xf32> to vector<1792x256xf32>
    %eq3A_694 = arith.cmpf oeq, %select_n3A_689, %eq3A_693 : vector<1792x256xf32>
    %jit3A_695 = arith.constant 1792 : i32
    %broadcast_in_dim3A_696 = vector.broadcast %jit3A_695 : i32 to vector<1792x256xi32>
    %select_n3A_697 = arith.select %eq3A_694, %iota3A, %broadcast_in_dim3A_696 : vector<1792x256xi1>, vector<1792x256xi32>
    %reduce_min3A_698 = arith.constant dense<2147483647> : vector<256xi32>
    %reduce_min3A_699 = vector.multi_reduction <minsi>, %select_n3A_697, %reduce_min3A_698 [0] : vector<1792x256xi32> to vector<256xi32>
    %broadcast_in_dim3A_700 = vector.shape_cast %reduce_min3A_699 : vector<256xi32> to vector<1x256xi32>
    %add3A_701 = vector.broadcast %get3A_0 : i32 to vector<1x256xi32>
    %add3A_702 = arith.addi %add3A_701, %broadcast_in_dim3A_700 : vector<1x256xi32>
    %swap3A_703 = arith.constant 31 : index
    %swap3A_704 = arith.constant 0 : index
    %swap3A_705 = vector.load %arg6[%swap3A_703, %swap3A_704] : memref<32x256xi32, #tpu.memory_space<vmem>>, vector<1x256xi32>
    tpu.vector_store %arg6[%swap3A_703, %swap3A_704], %add3A_702 {strides = array<i32>} : memref<32x256xi32, #tpu.memory_space<vmem>>, vector<1x256xi32>,
    return
  }
  func.func @transform_0(%arg0: i32, %arg1: memref<40xi32, #tpu.memory_space<smem>>) -> (i32, i32) {
    %c0_i32 = arith.constant 0 : i32
    %c0_i32_0 = arith.constant 0 : i32
    %c0_i32_1 = arith.constant 0 : i32
    return %c0_i32, %c0_i32_0 : i32, i32
  }
  func.func @transform_1(%arg0: i32, %arg1: memref<40xi32, #tpu.memory_space<smem>>) -> (i32, i32) {
    %c0_i32 = arith.constant 0 : i32
    %c0_i32_0 = arith.constant 0 : i32
    %c0_i32_1 = arith.constant 0 : i32
    return %c0_i32, %c0_i32_0 : i32, i32
  }
  func.func @transform_2(%arg0: i32, %arg1: memref<40xi32, #tpu.memory_space<smem>>) -> (i32, i32) {
    %c0_i32 = arith.constant 0 : i32
    %c0_i32_0 = arith.constant 0 : i32
    return %c0_i32, %arg0 : i32, i32
  }
  func.func @transform_3(%arg0: i32, %arg1: memref<40xi32, #tpu.memory_space<smem>>) -> (i32, i32) {
    %c0_i32 = arith.constant 0 : i32
    %c0_i32_0 = arith.constant 0 : i32
    return %c0_i32, %arg0 : i32, i32
  }
  func.func @transform_4(%arg0: i32, %arg1: memref<40xi32, #tpu.memory_space<smem>>) -> (i32, i32) {
    %c0_i32 = arith.constant 0 : i32
    %c0_i32_0 = arith.constant 0 : i32
    return %c0_i32, %arg0 : i32, i32
  }
}

module attributes {stable_mosaic.version = 14 : i64} {
  func.func @_x2h_body(%arg0: i32, %arg1: memref<128x128xf32, #tpu.memory_space<vmem>>, %arg2: memref<128x3xf32, #tpu.memory_space<vmem>>, %arg3: memref<128x1xf32, #tpu.memory_space<vmem>>, %arg4: memref<4096x128xf32, #tpu.memory_space<vmem>>, %arg5: memref<1x20xf32, #tpu.memory_space<vmem>>, %arg6: memref<20x128xf32, #tpu.memory_space<vmem>>, %arg7: memref<1x128xf32, #tpu.memory_space<vmem>>, %arg8: memref<1x128xf32, #tpu.memory_space<vmem>>, %arg9: memref<1x128xf32, #tpu.memory_space<vmem>>, %arg10: memref<128x1xf32, #tpu.memory_space<vmem>>, %arg11: memref<1x1xf32, #tpu.memory_space<vmem>>, %arg12: memref<128x128xf32, #tpu.memory_space<vmem>>, %arg13: memref<4x128xf32, #tpu.memory_space<vmem>>, %arg14: memref<80x128xf32, #tpu.memory_space<vmem>>, %arg15: memref<128x128xf32, #tpu.memory_space<vmem>>, %arg16: memref<1x128xf32, #tpu.memory_space<vmem>>, %arg17: memref<1x128xf32, #tpu.memory_space<vmem>>, %arg18: memref<1x128xf32, #tpu.memory_space<vmem>>, %arg19: memref<128x128xf32, #tpu.memory_space<vmem>>, %arg20: memref<1x128xf32, #tpu.memory_space<vmem>>, %arg21: memref<128x128xf32, #tpu.memory_space<vmem>>, %arg22: memref<4x128xf32, #tpu.memory_space<vmem>>, %arg23: memref<80x128xf32, #tpu.memory_space<vmem>>, %arg24: memref<128x128xf32, #tpu.memory_space<vmem>>, %arg25: memref<1x128xf32, #tpu.memory_space<vmem>>, %arg26: memref<1x128xf32, #tpu.memory_space<vmem>>, %arg27: memref<1x128xf32, #tpu.memory_space<vmem>>, %arg28: memref<128x128xf32, #tpu.memory_space<vmem>>, %arg29: memref<1x128xf32, #tpu.memory_space<vmem>>, %arg30: memref<128x128xf32, #tpu.memory_space<vmem>>, %arg31: memref<1x128xf32, #tpu.memory_space<vmem>>, %arg32: memref<1x128xf32, #tpu.memory_space<vmem>>, %arg33: memref<1x128xf32, #tpu.memory_space<vmem>>, %arg34: memref<128x128xf32, #tpu.memory_space<vmem>>, %arg35: memref<1x128xf32, #tpu.memory_space<vmem>>, %arg36: memref<128x128xf32, #tpu.memory_space<vmem>>, %arg37: memref<128x128xf32, #tpu.memory_space<vmem>>, %arg38: memref<1x128xf32, #tpu.memory_space<vmem>>, %arg39: memref<1x128xf32, #tpu.memory_space<vmem>>, %arg40: memref<1x128xf32, #tpu.memory_space<vmem>>, %arg41: memref<128x128xf32, #tpu.memory_space<vmem>>, %arg42: memref<1x128xf32, #tpu.memory_space<vmem>>, %arg43: memref<128x128xf32, #tpu.memory_space<vmem>>, %arg44: memref<4096x24xf32, #tpu.memory_space<vmem>>) attributes {dimension_semantics = [#tpu.dimension_semantics<arbitrary>], iteration_bounds = array<i64: 80>, scalar_prefetch = 0 : i64, scratch_operands = 0 : i64, tpu.core_type = #tpu.core_type<tc>, window_params = [{transform_indices = @transform_0, window_bounds = array<i64: 128, 128>}, {transform_indices = @transform_1, window_bounds = array<i64: 128, 3>}, {transform_indices = @transform_2, window_bounds = array<i64: 128, 1>}, {transform_indices = @transform_3, window_bounds = array<i64: 4096, 128>}, {pipeline_mode = #tpu.pipeline_mode<synchronous>, transform_indices = @transform_4, window_bounds = array<i64: 1, 20>}, {pipeline_mode = #tpu.pipeline_mode<synchronous>, transform_indices = @transform_5, window_bounds = array<i64: 20, 128>}, {pipeline_mode = #tpu.pipeline_mode<synchronous>, transform_indices = @transform_6, window_bounds = array<i64: 1, 128>}, {pipeline_mode = #tpu.pipeline_mode<synchronous>, transform_indices = @transform_7, window_bounds = array<i64: 1, 128>}, {pipeline_mode = #tpu.pipeline_mode<synchronous>, transform_indices = @transform_8, window_bounds = array<i64: 1, 128>}, {pipeline_mode = #tpu.pipeline_mode<synchronous>, transform_indices = @transform_9, window_bounds = array<i64: 128, 1>}, {pipeline_mode = #tpu.pipeline_mode<synchronous>, transform_indices = @transform_10, window_bounds = array<i64: 1, 1>}, {pipeline_mode = #tpu.pipeline_mode<synchronous>, transform_indices = @transform_11, window_bounds = array<i64: 128, 128>}, {pipeline_mode = #tpu.pipeline_mode<synchronous>, transform_indices = @transform_12, window_bounds = array<i64: 4, 128>}, {pipeline_mode = #tpu.pipeline_mode<synchronous>, transform_indices = @transform_13, window_bounds = array<i64: 80, 128>}, {pipeline_mode = #tpu.pipeline_mode<synchronous>, transform_indices = @transform_14, window_bounds = array<i64: 128, 128>}, {pipeline_mode = #tpu.pipeline_mode<synchronous>, transform_indices = @transform_15, window_bounds = array<i64: 1, 128>}, {pipeline_mode = #tpu.pipeline_mode<synchronous>, transform_indices = @transform_16, window_bounds = array<i64: 1, 128>}, {pipeline_mode = #tpu.pipeline_mode<synchronous>, transform_indices = @transform_17, window_bounds = array<i64: 1, 128>}, {pipeline_mode = #tpu.pipeline_mode<synchronous>, transform_indices = @transform_18, window_bounds = array<i64: 128, 128>}, {pipeline_mode = #tpu.pipeline_mode<synchronous>, transform_indices = @transform_19, window_bounds = array<i64: 1, 128>}, {pipeline_mode = #tpu.pipeline_mode<synchronous>, transform_indices = @transform_20, window_bounds = array<i64: 128, 128>}, {pipeline_mode = #tpu.pipeline_mode<synchronous>, transform_indices = @transform_21, window_bounds = array<i64: 4, 128>}, {pipeline_mode = #tpu.pipeline_mode<synchronous>, transform_indices = @transform_22, window_bounds = array<i64: 80, 128>}, {pipeline_mode = #tpu.pipeline_mode<synchronous>, transform_indices = @transform_23, window_bounds = array<i64: 128, 128>}, {pipeline_mode = #tpu.pipeline_mode<synchronous>, transform_indices = @transform_24, window_bounds = array<i64: 1, 128>}, {pipeline_mode = #tpu.pipeline_mode<synchronous>, transform_indices = @transform_25, window_bounds = array<i64: 1, 128>}, {pipeline_mode = #tpu.pipeline_mode<synchronous>, transform_indices = @transform_26, window_bounds = array<i64: 1, 128>}, {pipeline_mode = #tpu.pipeline_mode<synchronous>, transform_indices = @transform_27, window_bounds = array<i64: 128, 128>}, {pipeline_mode = #tpu.pipeline_mode<synchronous>, transform_indices = @transform_28, window_bounds = array<i64: 1, 128>}, {pipeline_mode = #tpu.pipeline_mode<synchronous>, transform_indices = @transform_29, window_bounds = array<i64: 128, 128>}, {pipeline_mode = #tpu.pipeline_mode<synchronous>, transform_indices = @transform_30, window_bounds = array<i64: 1, 128>}, {pipeline_mode = #tpu.pipeline_mode<synchronous>, transform_indices = @transform_31, window_bounds = array<i64: 1, 128>}, {pipeline_mode = #tpu.pipeline_mode<synchronous>, transform_indices = @transform_32, window_bounds = array<i64: 1, 128>}, {pipeline_mode = #tpu.pipeline_mode<synchronous>, transform_indices = @transform_33, window_bounds = array<i64: 128, 128>}, {pipeline_mode = #tpu.pipeline_mode<synchronous>, transform_indices = @transform_34, window_bounds = array<i64: 1, 128>}, {pipeline_mode = #tpu.pipeline_mode<synchronous>, transform_indices = @transform_35, window_bounds = array<i64: 128, 128>}, {pipeline_mode = #tpu.pipeline_mode<synchronous>, transform_indices = @transform_36, window_bounds = array<i64: 128, 128>}, {pipeline_mode = #tpu.pipeline_mode<synchronous>, transform_indices = @transform_37, window_bounds = array<i64: 1, 128>}, {pipeline_mode = #tpu.pipeline_mode<synchronous>, transform_indices = @transform_38, window_bounds = array<i64: 1, 128>}, {pipeline_mode = #tpu.pipeline_mode<synchronous>, transform_indices = @transform_39, window_bounds = array<i64: 1, 128>}, {pipeline_mode = #tpu.pipeline_mode<synchronous>, transform_indices = @transform_40, window_bounds = array<i64: 128, 128>}, {pipeline_mode = #tpu.pipeline_mode<synchronous>, transform_indices = @transform_41, window_bounds = array<i64: 1, 128>}, {transform_indices = @transform_42, window_bounds = array<i64: 128, 128>}, {transform_indices = @transform_43, window_bounds = array<i64: 4096, 24>}]} {
    %get3A = arith.constant 0 : index
    %get3A_0 = arith.constant 0 : index
    %get3A_1 = vector.load %arg1[%get3A, %get3A_0] : memref<128x128xf32, #tpu.memory_space<vmem>>, vector<128x128xf32>
    %get3A_2 = arith.constant 0 : index
    %get3A_3 = arith.constant 0 : index
    %get3A_4 = vector.load %arg4[%get3A_2, %get3A_3] : memref<4096x128xf32, #tpu.memory_space<vmem>>, vector<4096x128xf32>
    %slice3A = vector.extract_strided_slice %get3A_4 {offsets = [0, 0], sizes = [4096, 64], strides = [1, 1]} : vector<4096x128xf32> to vector<4096x64xf32>
    %bitcast_convert_type3A = tpu.bitcast %slice3A : vector<4096x64xf32> -> vector<4096x64xi32>
    %shift_left3A = arith.constant 16 : i32
    %shift_left3A_5 = vector.broadcast %shift_left3A : i32 to vector<4096x64xi32>
    %shift_left3A_6 = arith.shli %bitcast_convert_type3A, %shift_left3A_5 : vector<4096x64xi32>
    %bitcast_convert_type3A_7 = tpu.bitcast %shift_left3A_6 : vector<4096x64xi32> -> vector<4096x64xf32>
    %and3A = arith.constant -65536 : i32
    %and3A_8 = vector.broadcast %and3A : i32 to vector<4096x64xi32>
    %and3A_9 = arith.andi %bitcast_convert_type3A, %and3A_8 : vector<4096x64xi32>
    %bitcast_convert_type3A_10 = tpu.bitcast %and3A_9 : vector<4096x64xi32> -> vector<4096x64xf32>
    %slice3A_11 = vector.extract_strided_slice %get3A_4 {offsets = [0, 64], sizes = [4096, 3], strides = [1, 1]} : vector<4096x128xf32> to vector<4096x3xf32>
    %slice3A_12 = vector.extract_strided_slice %get3A_4 {offsets = [0, 67], sizes = [4096, 1], strides = [1, 1]} : vector<4096x128xf32> to vector<4096x1xf32>
    %get3A_13 = arith.constant 0 : index
    %get3A_14 = arith.constant 0 : index
    %get3A_15 = vector.load %arg2[%get3A_13, %get3A_14] : memref<128x3xf32, #tpu.memory_space<vmem>>, vector<128x3xf32>
    %get3A_16 = arith.constant 0 : index
    %get3A_17 = arith.constant 0 : index
    %get3A_18 = vector.load %arg3[%get3A_16, %get3A_17] : memref<128x1xf32, #tpu.memory_space<vmem>>, vector<128x1xf32>
    %get3A_19 = arith.constant 0 : index
    %get3A_20 = arith.constant 0 : index
    %get3A_21 = vector.load %arg5[%get3A_19, %get3A_20] : memref<1x20xf32, #tpu.memory_space<vmem>>, vector<1x20xf32>
    %get3A_22 = arith.constant 0 : index
    %get3A_23 = arith.constant 0 : index
    %get3A_24 = vector.load %arg6[%get3A_22, %get3A_23] : memref<20x128xf32, #tpu.memory_space<vmem>>, vector<20x128xf32>
    %get3A_25 = arith.constant 0 : index
    %get3A_26 = arith.constant 0 : index
    %get3A_27 = vector.load %arg7[%get3A_25, %get3A_26] : memref<1x128xf32, #tpu.memory_space<vmem>>, vector<1x128xf32>
    %get3A_28 = arith.constant 0 : index
    %get3A_29 = arith.constant 0 : index
    %get3A_30 = vector.load %arg8[%get3A_28, %get3A_29] : memref<1x128xf32, #tpu.memory_space<vmem>>, vector<1x128xf32>
    %get3A_31 = arith.constant 0 : index
    %get3A_32 = arith.constant 0 : index
    %get3A_33 = vector.load %arg9[%get3A_31, %get3A_32] : memref<1x128xf32, #tpu.memory_space<vmem>>, vector<1x128xf32>
    %get3A_34 = arith.constant 0 : index
    %get3A_35 = arith.constant 0 : index
    %get3A_36 = vector.load %arg10[%get3A_34, %get3A_35] : memref<128x1xf32, #tpu.memory_space<vmem>>, vector<128x1xf32>
    %get3A_37 = arith.constant 0 : index
    %get3A_38 = arith.constant 0 : index
    %get3A_39 = vector.load %arg11[%get3A_37, %get3A_38] : memref<1x1xf32, #tpu.memory_space<vmem>>, vector<1x1xf32>
    %broadcast_in_dim3A = vector.shape_cast %get3A_15 : vector<128x3xf32> to vector<128x1x3xf32>
    %broadcast_in_dim3A_40 = vector.shape_cast %broadcast_in_dim3A : vector<128x1x3xf32> to vector<128x1x3xf32>
    %broadcast_in_dim3A_41 = vector.broadcast %broadcast_in_dim3A_40 : vector<128x1x3xf32> to vector<128x32x3xf32>
    %reshape3A = vector.shape_cast %broadcast_in_dim3A_41 : vector<128x32x3xf32> to vector<4096x3xf32>
    %sub3A = arith.subf %reshape3A, %slice3A_11 : vector<4096x3xf32>
    %mul3A = arith.mulf %sub3A, %sub3A : vector<4096x3xf32>
    %reduce_sum3A = arith.constant dense<0.000000e+00> : vector<4096xf32>
    %reduce_sum3A_42 = vector.multi_reduction <add>, %mul3A, %reduce_sum3A [1] : vector<4096x3xf32> to vector<4096xf32>
    %broadcast_in_dim3A_43 = vector.shape_cast %reduce_sum3A_42 : vector<4096xf32> to vector<4096x1xf32>
    %sqrt3A = math.sqrt %broadcast_in_dim3A_43 : vector<4096x1xf32>
    %sub3A_44 = vector.broadcast %sqrt3A : vector<4096x1xf32> to vector<4096x20xf32>
    %sub3A_45 = vector.broadcast %get3A_21 : vector<1x20xf32> to vector<4096x20xf32>
    %sub3A_46 = arith.subf %sub3A_44, %sub3A_45 : vector<4096x20xf32>
    %mul3A_47 = arith.mulf %sub3A_46, %sub3A_46 : vector<4096x20xf32>
    %mul3A_48 = arith.constant -1.805000e+00 : f32
    %mul3A_49 = vector.broadcast %mul3A_48 : f32 to vector<4096x20xf32>
    %mul3A_50 = arith.mulf %mul3A_49, %mul3A_47 : vector<4096x20xf32>
    %exp3A = math.exp %mul3A_50 : vector<4096x20xf32>
    %dot_general3A = arith.constant dense<0.000000e+00> : vector<4096x128xf32>
    %dot_general3A_51 = tpu.matmul %exp3A, %get3A_24, %dot_general3A {dimension_numbers = #tpu.dot_dimension_numbers<[1], [0], [0], [1], [0, 0, 1, 1], [], []>, transpose_lhs_hint = false} : vector<4096x20xf32>, vector<20x128xf32>, vector<4096x128xf32> -> vector<4096x128xf32>
    %add3A = vector.broadcast %get3A_27 : vector<1x128xf32> to vector<4096x128xf32>
    %add3A_52 = arith.addf %dot_general3A_51, %add3A : vector<4096x128xf32>
    %reduce_sum3A_53 = arith.constant dense<0.000000e+00> : vector<4096xf32>
    %reduce_sum3A_54 = vector.multi_reduction <add>, %add3A_52, %reduce_sum3A_53 [1] : vector<4096x128xf32> to vector<4096xf32>
    %broadcast_in_dim3A_55 = vector.shape_cast %reduce_sum3A_54 : vector<4096xf32> to vector<4096x1xf32>
    %div3A = arith.constant 1.280000e+02 : f32
    %div3A_56 = vector.broadcast %div3A : f32 to vector<4096x1xf32>
    %div3A_57 = arith.divf %broadcast_in_dim3A_55, %div3A_56 : vector<4096x1xf32>
    %sub3A_58 = vector.broadcast %div3A_57 : vector<4096x1xf32> to vector<4096x128xf32>
    %sub3A_59 = arith.subf %add3A_52, %sub3A_58 : vector<4096x128xf32>
    %mul3A_60 = arith.mulf %sub3A_59, %sub3A_59 : vector<4096x128xf32>
    %reduce_sum3A_61 = arith.constant dense<0.000000e+00> : vector<4096xf32>
    %reduce_sum3A_62 = vector.multi_reduction <add>, %mul3A_60, %reduce_sum3A_61 [1] : vector<4096x128xf32> to vector<4096xf32>
    %broadcast_in_dim3A_63 = vector.shape_cast %reduce_sum3A_62 : vector<4096xf32> to vector<4096x1xf32>
    %div3A_64 = arith.constant 1.280000e+02 : f32
    %div3A_65 = vector.broadcast %div3A_64 : f32 to vector<4096x1xf32>
    %div3A_66 = arith.divf %broadcast_in_dim3A_63, %div3A_65 : vector<4096x1xf32>
    %add3A_67 = arith.constant 9.99999974E-6 : f32
    %add3A_68 = vector.broadcast %add3A_67 : f32 to vector<4096x1xf32>
    %add3A_69 = arith.addf %div3A_66, %add3A_68 : vector<4096x1xf32>
    %rsqrt3A = math.rsqrt %add3A_69 : vector<4096x1xf32>
    %mul3A_70 = vector.broadcast %rsqrt3A : vector<4096x1xf32> to vector<4096x128xf32>
    %mul3A_71 = arith.mulf %sub3A_59, %mul3A_70 : vector<4096x128xf32>
    %mul3A_72 = vector.broadcast %get3A_30 : vector<1x128xf32> to vector<4096x128xf32>
    %mul3A_73 = arith.mulf %mul3A_71, %mul3A_72 : vector<4096x128xf32>
    %add3A_74 = vector.broadcast %get3A_33 : vector<1x128xf32> to vector<4096x128xf32>
    %add3A_75 = arith.addf %mul3A_73, %add3A_74 : vector<4096x128xf32>
    %max3A = arith.constant 0.000000e+00 : f32
    %max3A_76 = vector.broadcast %max3A : f32 to vector<4096x128xf32>
    %max3A_77 = arith.maximumf %add3A_75, %max3A_76 : vector<4096x128xf32>
    %dot_general3A_78 = arith.constant dense<0.000000e+00> : vector<4096x1xf32>
    %dot_general3A_79 = tpu.matmul %max3A_77, %get3A_36, %dot_general3A_78 {dimension_numbers = #tpu.dot_dimension_numbers<[1], [0], [0], [1], [0, 0, 1, 1], [], []>, transpose_lhs_hint = false} : vector<4096x128xf32>, vector<128x1xf32>, vector<4096x1xf32> -> vector<4096x1xf32>
    %add3A_80 = vector.broadcast %get3A_39 : vector<1x1xf32> to vector<4096x1xf32>
    %add3A_81 = arith.addf %dot_general3A_79, %add3A_80 : vector<4096x1xf32>
    %neg3A = arith.constant 0.000000e+00 : f32
    %neg3A_82 = vector.broadcast %neg3A : f32 to vector<4096x1xf32>
    %neg3A_83 = arith.subf %neg3A_82, %add3A_81 : vector<4096x1xf32>
    %exp3A_84 = math.exp %neg3A_83 : vector<4096x1xf32>
    %add3A_85 = arith.constant 1.000000e+00 : f32
    %add3A_86 = vector.broadcast %add3A_85 : f32 to vector<4096x1xf32>
    %add3A_87 = arith.addf %add3A_86, %exp3A_84 : vector<4096x1xf32>
    %div3A_88 = arith.constant 1.000000e+00 : f32
    %div3A_89 = vector.broadcast %div3A_88 : f32 to vector<4096x1xf32>
    %div3A_90 = arith.divf %div3A_89, %add3A_87 : vector<4096x1xf32>
    %broadcast_in_dim3A_91 = vector.shape_cast %get3A_18 : vector<128x1xf32> to vector<128x1x1xf32>
    %broadcast_in_dim3A_92 = vector.shape_cast %broadcast_in_dim3A_91 : vector<128x1x1xf32> to vector<128x1x1xf32>
    %broadcast_in_dim3A_93 = vector.broadcast %broadcast_in_dim3A_92 : vector<128x1x1xf32> to vector<128x32x1xf32>
    %reshape3A_94 = vector.shape_cast %broadcast_in_dim3A_93 : vector<128x32x1xf32> to vector<4096x1xf32>
    %sub3A_95 = arith.constant 1.000000e+00 : f32
    %sub3A_96 = vector.broadcast %sub3A_95 : f32 to vector<4096x1xf32>
    %sub3A_97 = arith.subf %sub3A_96, %slice3A_12 : vector<4096x1xf32>
    %mul3A_98 = arith.constant 2.000000e+00 : f32
    %mul3A_99 = vector.broadcast %mul3A_98 : f32 to vector<4096x1xf32>
    %mul3A_100 = arith.mulf %sub3A_97, %mul3A_99 : vector<4096x1xf32>
    %sub3A_101 = arith.constant 1.000000e+00 : f32
    %sub3A_102 = vector.broadcast %sub3A_101 : f32 to vector<4096x1xf32>
    %sub3A_103 = arith.subf %sub3A_102, %reshape3A_94 : vector<4096x1xf32>
    %add3A_104 = arith.addf %mul3A_100, %sub3A_103 : vector<4096x1xf32>
    %eq3A = arith.constant 0.000000e+00 : f32
    %eq3A_105 = vector.broadcast %eq3A : f32 to vector<4096x1xf32>
    %eq3A_106 = arith.cmpf oeq, %add3A_104, %eq3A_105 : vector<4096x1xf32>
    %convert_element_type3A = arith.extui %eq3A_106 : vector<4096x1xi1> to vector<4096x1xi32>
    %convert_element_type3A_107 = arith.sitofp %convert_element_type3A : vector<4096x1xi32> to vector<4096x1xf32>
    %eq3A_108 = arith.constant 1.000000e+00 : f32
    %eq3A_109 = vector.broadcast %eq3A_108 : f32 to vector<4096x1xf32>
    %eq3A_110 = arith.cmpf oeq, %add3A_104, %eq3A_109 : vector<4096x1xf32>
    %convert_element_type3A_111 = arith.extui %eq3A_110 : vector<4096x1xi1> to vector<4096x1xi32>
    %convert_element_type3A_112 = arith.sitofp %convert_element_type3A_111 : vector<4096x1xi32> to vector<4096x1xf32>
    %eq3A_113 = arith.constant 2.000000e+00 : f32
    %eq3A_114 = vector.broadcast %eq3A_113 : f32 to vector<4096x1xf32>
    %eq3A_115 = arith.cmpf oeq, %add3A_104, %eq3A_114 : vector<4096x1xf32>
    %convert_element_type3A_116 = arith.extui %eq3A_115 : vector<4096x1xi1> to vector<4096x1xi32>
    %convert_element_type3A_117 = arith.sitofp %convert_element_type3A_116 : vector<4096x1xi32> to vector<4096x1xf32>
    %eq3A_118 = arith.constant 3.000000e+00 : f32
    %eq3A_119 = vector.broadcast %eq3A_118 : f32 to vector<4096x1xf32>
    %eq3A_120 = arith.cmpf oeq, %add3A_104, %eq3A_119 : vector<4096x1xf32>
    %convert_element_type3A_121 = arith.extui %eq3A_120 : vector<4096x1xi1> to vector<4096x1xi32>
    %convert_element_type3A_122 = arith.sitofp %convert_element_type3A_121 : vector<4096x1xi32> to vector<4096x1xf32>
    %broadcast_in_dim3A_123 = arith.constant 0.000000e+00 : f32
    %broadcast_in_dim3A_124 = vector.broadcast %broadcast_in_dim3A_123 : f32 to vector<4096x3xf32>
    %concatenate3A = tpu.concatenate %exp3A, %div3A_90, %broadcast_in_dim3A_124 in 1 : vector<4096x20xf32>, vector<4096x1xf32>, vector<4096x3xf32> -> vector<4096x24xf32>
    %swap3A = arith.constant 0 : index
    %swap3A_125 = arith.constant 0 : index
    %swap3A_126 = vector.load %arg44[%swap3A, %swap3A_125] : memref<4096x24xf32, #tpu.memory_space<vmem>>, vector<4096x24xf32>
    tpu.vector_store %arg44[%swap3A, %swap3A_125], %concatenate3A {strides = array<i32>} : memref<4096x24xf32, #tpu.memory_space<vmem>>, vector<4096x24xf32>,
    %get3A_127 = arith.constant 0 : index
    %get3A_128 = arith.constant 0 : index
    %get3A_129 = vector.load %arg12[%get3A_127, %get3A_128] : memref<128x128xf32, #tpu.memory_space<vmem>>, vector<128x128xf32>
    %dot_general3A_130 = arith.constant dense<0.000000e+00> : vector<128x128xf32>
    %dot_general3A_131 = tpu.matmul %get3A_1, %get3A_129, %dot_general3A_130 {dimension_numbers = #tpu.dot_dimension_numbers<[1], [0], [0], [1], [0, 0, 1, 1], [], []>, transpose_lhs_hint = false} : vector<128x128xf32>, vector<128x128xf32>, vector<128x128xf32> -> vector<128x128xf32>
    %broadcast_in_dim3A_132 = vector.shape_cast %dot_general3A_131 : vector<128x128xf32> to vector<128x1x128xf32>
    %broadcast_in_dim3A_133 = vector.shape_cast %broadcast_in_dim3A_132 : vector<128x1x128xf32> to vector<128x1x128xf32>
    %broadcast_in_dim3A_134 = vector.broadcast %broadcast_in_dim3A_133 : vector<128x1x128xf32> to vector<128x32x128xf32>
    %reshape3A_135 = vector.shape_cast %broadcast_in_dim3A_134 : vector<128x32x128xf32> to vector<4096x128xf32>
    %get3A_136 = arith.constant 0 : index
    %get3A_137 = arith.constant 0 : index
    %get3A_138 = vector.load %arg13[%get3A_136, %get3A_137] : memref<4x128xf32, #tpu.memory_space<vmem>>, vector<4x128xf32>
    %get3A_139 = arith.constant 0 : index
    %get3A_140 = arith.constant 0 : index
    %get3A_141 = vector.load %arg14[%get3A_139, %get3A_140] : memref<80x128xf32, #tpu.memory_space<vmem>>, vector<80x128xf32>
    %get3A_142 = arith.constant 0 : index
    %get3A_143 = arith.constant 0 : index
    %get3A_144 = vector.load %arg15[%get3A_142, %get3A_143] : memref<128x128xf32, #tpu.memory_space<vmem>>, vector<128x128xf32>
    %get3A_145 = arith.constant 0 : index
    %get3A_146 = arith.constant 0 : index
    %get3A_147 = vector.load %arg16[%get3A_145, %get3A_146] : memref<1x128xf32, #tpu.memory_space<vmem>>, vector<1x128xf32>
    %get3A_148 = arith.constant 0 : index
    %get3A_149 = arith.constant 0 : index
    %get3A_150 = vector.load %arg17[%get3A_148, %get3A_149] : memref<1x128xf32, #tpu.memory_space<vmem>>, vector<1x128xf32>
    %get3A_151 = arith.constant 0 : index
    %get3A_152 = arith.constant 0 : index
    %get3A_153 = vector.load %arg18[%get3A_151, %get3A_152] : memref<1x128xf32, #tpu.memory_space<vmem>>, vector<1x128xf32>
    %get3A_154 = arith.constant 0 : index
    %get3A_155 = arith.constant 0 : index
    %get3A_156 = vector.load %arg19[%get3A_154, %get3A_155] : memref<128x128xf32, #tpu.memory_space<vmem>>, vector<128x128xf32>
    %get3A_157 = arith.constant 0 : index
    %get3A_158 = arith.constant 0 : index
    %get3A_159 = vector.load %arg20[%get3A_157, %get3A_158] : memref<1x128xf32, #tpu.memory_space<vmem>>, vector<1x128xf32>
    %slice3A_160 = vector.extract_strided_slice %get3A_144 {offsets = [0, 0], sizes = [64, 128], strides = [1, 1]} : vector<128x128xf32> to vector<64x128xf32>
    %dot_general3A_161 = arith.constant dense<0.000000e+00> : vector<4096x128xf32>
    %dot_general3A_162 = tpu.matmul %bitcast_convert_type3A_7, %slice3A_160, %dot_general3A_161 {dimension_numbers = #tpu.dot_dimension_numbers<[1], [0], [0], [1], [0, 0, 1, 1], [], []>, transpose_lhs_hint = false} : vector<4096x64xf32>, vector<64x128xf32>, vector<4096x128xf32> -> vector<4096x128xf32>
    %slice3A_163 = vector.extract_strided_slice %get3A_144 {offsets = [64, 0], sizes = [64, 128], strides = [1, 1]} : vector<128x128xf32> to vector<64x128xf32>
    %dot_general3A_164 = arith.constant dense<0.000000e+00> : vector<4096x128xf32>
    %dot_general3A_165 = tpu.matmul %bitcast_convert_type3A_10, %slice3A_163, %dot_general3A_164 {dimension_numbers = #tpu.dot_dimension_numbers<[1], [0], [0], [1], [0, 0, 1, 1], [], []>, transpose_lhs_hint = false} : vector<4096x64xf32>, vector<64x128xf32>, vector<4096x128xf32> -> vector<4096x128xf32>
    %add3A_166 = arith.addf %dot_general3A_162, %dot_general3A_165 : vector<4096x128xf32>
    %add3A_167 = arith.addf %reshape3A_135, %add3A_166 : vector<4096x128xf32>
    %add3A_168 = vector.broadcast %get3A_147 : vector<1x128xf32> to vector<4096x128xf32>
    %add3A_169 = arith.addf %add3A_167, %add3A_168 : vector<4096x128xf32>
    %slice3A_170 = vector.extract_strided_slice %get3A_141 {offsets = [0, 0], sizes = [20, 128], strides = [1, 1]} : vector<80x128xf32> to vector<20x128xf32>
    %dot_general3A_171 = arith.constant dense<0.000000e+00> : vector<4096x128xf32>
    %dot_general3A_172 = tpu.matmul %exp3A, %slice3A_170, %dot_general3A_171 {dimension_numbers = #tpu.dot_dimension_numbers<[1], [0], [0], [1], [0, 0, 1, 1], [], []>, transpose_lhs_hint = false} : vector<4096x20xf32>, vector<20x128xf32>, vector<4096x128xf32> -> vector<4096x128xf32>
    %slice3A_173 = vector.extract_strided_slice %get3A_138 {offsets = [0, 0], sizes = [1, 128], strides = [1, 1]} : vector<4x128xf32> to vector<1x128xf32>
    %add3A_174 = vector.broadcast %slice3A_173 : vector<1x128xf32> to vector<4096x128xf32>
    %add3A_175 = arith.addf %dot_general3A_172, %add3A_174 : vector<4096x128xf32>
    %mul3A_176 = vector.broadcast %convert_element_type3A_107 : vector<4096x1xf32> to vector<4096x128xf32>
    %mul3A_177 = arith.mulf %mul3A_176, %add3A_175 : vector<4096x128xf32>
    %add3A_178 = arith.addf %add3A_169, %mul3A_177 : vector<4096x128xf32>
    %slice3A_179 = vector.extract_strided_slice %get3A_141 {offsets = [20, 0], sizes = [20, 128], strides = [1, 1]} : vector<80x128xf32> to vector<20x128xf32>
    %dot_general3A_180 = arith.constant dense<0.000000e+00> : vector<4096x128xf32>
    %dot_general3A_181 = tpu.matmul %exp3A, %slice3A_179, %dot_general3A_180 {dimension_numbers = #tpu.dot_dimension_numbers<[1], [0], [0], [1], [0, 0, 1, 1], [], []>, transpose_lhs_hint = false} : vector<4096x20xf32>, vector<20x128xf32>, vector<4096x128xf32> -> vector<4096x128xf32>
    %slice3A_182 = vector.extract_strided_slice %get3A_138 {offsets = [1, 0], sizes = [1, 128], strides = [1, 1]} : vector<4x128xf32> to vector<1x128xf32>
    %add3A_183 = vector.broadcast %slice3A_182 : vector<1x128xf32> to vector<4096x128xf32>
    %add3A_184 = arith.addf %dot_general3A_181, %add3A_183 : vector<4096x128xf32>
    %mul3A_185 = vector.broadcast %convert_element_type3A_112 : vector<4096x1xf32> to vector<4096x128xf32>
    %mul3A_186 = arith.mulf %mul3A_185, %add3A_184 : vector<4096x128xf32>
    %add3A_187 = arith.addf %add3A_178, %mul3A_186 : vector<4096x128xf32>
    %slice3A_188 = vector.extract_strided_slice %get3A_141 {offsets = [40, 0], sizes = [20, 128], strides = [1, 1]} : vector<80x128xf32> to vector<20x128xf32>
    %dot_general3A_189 = arith.constant dense<0.000000e+00> : vector<4096x128xf32>
    %dot_general3A_190 = tpu.matmul %exp3A, %slice3A_188, %dot_general3A_189 {dimension_numbers = #tpu.dot_dimension_numbers<[1], [0], [0], [1], [0, 0, 1, 1], [], []>, transpose_lhs_hint = false} : vector<4096x20xf32>, vector<20x128xf32>, vector<4096x128xf32> -> vector<4096x128xf32>
    %slice3A_191 = vector.extract_strided_slice %get3A_138 {offsets = [2, 0], sizes = [1, 128], strides = [1, 1]} : vector<4x128xf32> to vector<1x128xf32>
    %add3A_192 = vector.broadcast %slice3A_191 : vector<1x128xf32> to vector<4096x128xf32>
    %add3A_193 = arith.addf %dot_general3A_190, %add3A_192 : vector<4096x128xf32>
    %mul3A_194 = vector.broadcast %convert_element_type3A_117 : vector<4096x1xf32> to vector<4096x128xf32>
    %mul3A_195 = arith.mulf %mul3A_194, %add3A_193 : vector<4096x128xf32>
    %add3A_196 = arith.addf %add3A_187, %mul3A_195 : vector<4096x128xf32>
    %slice3A_197 = vector.extract_strided_slice %get3A_141 {offsets = [60, 0], sizes = [20, 128], strides = [1, 1]} : vector<80x128xf32> to vector<20x128xf32>
    %dot_general3A_198 = arith.constant dense<0.000000e+00> : vector<4096x128xf32>
    %dot_general3A_199 = tpu.matmul %exp3A, %slice3A_197, %dot_general3A_198 {dimension_numbers = #tpu.dot_dimension_numbers<[1], [0], [0], [1], [0, 0, 1, 1], [], []>, transpose_lhs_hint = false} : vector<4096x20xf32>, vector<20x128xf32>, vector<4096x128xf32> -> vector<4096x128xf32>
    %slice3A_200 = vector.extract_strided_slice %get3A_138 {offsets = [3, 0], sizes = [1, 128], strides = [1, 1]} : vector<4x128xf32> to vector<1x128xf32>
    %add3A_201 = vector.broadcast %slice3A_200 : vector<1x128xf32> to vector<4096x128xf32>
    %add3A_202 = arith.addf %dot_general3A_199, %add3A_201 : vector<4096x128xf32>
    %mul3A_203 = vector.broadcast %convert_element_type3A_122 : vector<4096x1xf32> to vector<4096x128xf32>
    %mul3A_204 = arith.mulf %mul3A_203, %add3A_202 : vector<4096x128xf32>
    %add3A_205 = arith.addf %add3A_196, %mul3A_204 : vector<4096x128xf32>
    %reduce_sum3A_206 = arith.constant dense<0.000000e+00> : vector<4096xf32>
    %reduce_sum3A_207 = vector.multi_reduction <add>, %add3A_205, %reduce_sum3A_206 [1] : vector<4096x128xf32> to vector<4096xf32>
    %broadcast_in_dim3A_208 = vector.shape_cast %reduce_sum3A_207 : vector<4096xf32> to vector<4096x1xf32>
    %div3A_209 = arith.constant 1.280000e+02 : f32
    %div3A_210 = vector.broadcast %div3A_209 : f32 to vector<4096x1xf32>
    %div3A_211 = arith.divf %broadcast_in_dim3A_208, %div3A_210 : vector<4096x1xf32>
    %sub3A_212 = vector.broadcast %div3A_211 : vector<4096x1xf32> to vector<4096x128xf32>
    %sub3A_213 = arith.subf %add3A_205, %sub3A_212 : vector<4096x128xf32>
    %mul3A_214 = arith.mulf %sub3A_213, %sub3A_213 : vector<4096x128xf32>
    %reduce_sum3A_215 = arith.constant dense<0.000000e+00> : vector<4096xf32>
    %reduce_sum3A_216 = vector.multi_reduction <add>, %mul3A_214, %reduce_sum3A_215 [1] : vector<4096x128xf32> to vector<4096xf32>
    %broadcast_in_dim3A_217 = vector.shape_cast %reduce_sum3A_216 : vector<4096xf32> to vector<4096x1xf32>
    %div3A_218 = arith.constant 1.280000e+02 : f32
    %div3A_219 = vector.broadcast %div3A_218 : f32 to vector<4096x1xf32>
    %div3A_220 = arith.divf %broadcast_in_dim3A_217, %div3A_219 : vector<4096x1xf32>
    %add3A_221 = arith.constant 9.99999974E-6 : f32
    %add3A_222 = vector.broadcast %add3A_221 : f32 to vector<4096x1xf32>
    %add3A_223 = arith.addf %div3A_220, %add3A_222 : vector<4096x1xf32>
    %rsqrt3A_224 = math.rsqrt %add3A_223 : vector<4096x1xf32>
    %mul3A_225 = vector.broadcast %rsqrt3A_224 : vector<4096x1xf32> to vector<4096x128xf32>
    %mul3A_226 = arith.mulf %sub3A_213, %mul3A_225 : vector<4096x128xf32>
    %mul3A_227 = vector.broadcast %get3A_150 : vector<1x128xf32> to vector<4096x128xf32>
    %mul3A_228 = arith.mulf %mul3A_226, %mul3A_227 : vector<4096x128xf32>
    %add3A_229 = vector.broadcast %get3A_153 : vector<1x128xf32> to vector<4096x128xf32>
    %add3A_230 = arith.addf %mul3A_228, %add3A_229 : vector<4096x128xf32>
    %max3A_231 = arith.constant 0.000000e+00 : f32
    %max3A_232 = vector.broadcast %max3A_231 : f32 to vector<4096x128xf32>
    %max3A_233 = arith.maximumf %add3A_230, %max3A_232 : vector<4096x128xf32>
    %dot_general3A_234 = arith.constant dense<0.000000e+00> : vector<4096x128xf32>
    %dot_general3A_235 = tpu.matmul %max3A_233, %get3A_156, %dot_general3A_234 {dimension_numbers = #tpu.dot_dimension_numbers<[1], [0], [0], [1], [0, 0, 1, 1], [], []>, transpose_lhs_hint = false} : vector<4096x128xf32>, vector<128x128xf32>, vector<4096x128xf32> -> vector<4096x128xf32>
    %add3A_236 = vector.broadcast %get3A_159 : vector<1x128xf32> to vector<4096x128xf32>
    %add3A_237 = arith.addf %dot_general3A_235, %add3A_236 : vector<4096x128xf32>
    %get3A_238 = arith.constant 0 : index
    %get3A_239 = arith.constant 0 : index
    %get3A_240 = vector.load %arg21[%get3A_238, %get3A_239] : memref<128x128xf32, #tpu.memory_space<vmem>>, vector<128x128xf32>
    %dot_general3A_241 = arith.constant dense<0.000000e+00> : vector<128x128xf32>
    %dot_general3A_242 = tpu.matmul %get3A_1, %get3A_240, %dot_general3A_241 {dimension_numbers = #tpu.dot_dimension_numbers<[1], [0], [0], [1], [0, 0, 1, 1], [], []>, transpose_lhs_hint = false} : vector<128x128xf32>, vector<128x128xf32>, vector<128x128xf32> -> vector<128x128xf32>
    %broadcast_in_dim3A_243 = vector.shape_cast %dot_general3A_242 : vector<128x128xf32> to vector<128x1x128xf32>
    %broadcast_in_dim3A_244 = vector.shape_cast %broadcast_in_dim3A_243 : vector<128x1x128xf32> to vector<128x1x128xf32>
    %broadcast_in_dim3A_245 = vector.broadcast %broadcast_in_dim3A_244 : vector<128x1x128xf32> to vector<128x32x128xf32>
    %reshape3A_246 = vector.shape_cast %broadcast_in_dim3A_245 : vector<128x32x128xf32> to vector<4096x128xf32>
    %get3A_247 = arith.constant 0 : index
    %get3A_248 = arith.constant 0 : index
    %get3A_249 = vector.load %arg22[%get3A_247, %get3A_248] : memref<4x128xf32, #tpu.memory_space<vmem>>, vector<4x128xf32>
    %get3A_250 = arith.constant 0 : index
    %get3A_251 = arith.constant 0 : index
    %get3A_252 = vector.load %arg23[%get3A_250, %get3A_251] : memref<80x128xf32, #tpu.memory_space<vmem>>, vector<80x128xf32>
    %get3A_253 = arith.constant 0 : index
    %get3A_254 = arith.constant 0 : index
    %get3A_255 = vector.load %arg24[%get3A_253, %get3A_254] : memref<128x128xf32, #tpu.memory_space<vmem>>, vector<128x128xf32>
    %get3A_256 = arith.constant 0 : index
    %get3A_257 = arith.constant 0 : index
    %get3A_258 = vector.load %arg25[%get3A_256, %get3A_257] : memref<1x128xf32, #tpu.memory_space<vmem>>, vector<1x128xf32>
    %get3A_259 = arith.constant 0 : index
    %get3A_260 = arith.constant 0 : index
    %get3A_261 = vector.load %arg26[%get3A_259, %get3A_260] : memref<1x128xf32, #tpu.memory_space<vmem>>, vector<1x128xf32>
    %get3A_262 = arith.constant 0 : index
    %get3A_263 = arith.constant 0 : index
    %get3A_264 = vector.load %arg27[%get3A_262, %get3A_263] : memref<1x128xf32, #tpu.memory_space<vmem>>, vector<1x128xf32>
    %get3A_265 = arith.constant 0 : index
    %get3A_266 = arith.constant 0 : index
    %get3A_267 = vector.load %arg28[%get3A_265, %get3A_266] : memref<128x128xf32, #tpu.memory_space<vmem>>, vector<128x128xf32>
    %get3A_268 = arith.constant 0 : index
    %get3A_269 = arith.constant 0 : index
    %get3A_270 = vector.load %arg29[%get3A_268, %get3A_269] : memref<1x128xf32, #tpu.memory_space<vmem>>, vector<1x128xf32>
    %slice3A_271 = vector.extract_strided_slice %get3A_255 {offsets = [0, 0], sizes = [64, 128], strides = [1, 1]} : vector<128x128xf32> to vector<64x128xf32>
    %dot_general3A_272 = arith.constant dense<0.000000e+00> : vector<4096x128xf32>
    %dot_general3A_273 = tpu.matmul %bitcast_convert_type3A_7, %slice3A_271, %dot_general3A_272 {dimension_numbers = #tpu.dot_dimension_numbers<[1], [0], [0], [1], [0, 0, 1, 1], [], []>, transpose_lhs_hint = false} : vector<4096x64xf32>, vector<64x128xf32>, vector<4096x128xf32> -> vector<4096x128xf32>
    %slice3A_274 = vector.extract_strided_slice %get3A_255 {offsets = [64, 0], sizes = [64, 128], strides = [1, 1]} : vector<128x128xf32> to vector<64x128xf32>
    %dot_general3A_275 = arith.constant dense<0.000000e+00> : vector<4096x128xf32>
    %dot_general3A_276 = tpu.matmul %bitcast_convert_type3A_10, %slice3A_274, %dot_general3A_275 {dimension_numbers = #tpu.dot_dimension_numbers<[1], [0], [0], [1], [0, 0, 1, 1], [], []>, transpose_lhs_hint = false} : vector<4096x64xf32>, vector<64x128xf32>, vector<4096x128xf32> -> vector<4096x128xf32>
    %add3A_277 = arith.addf %dot_general3A_273, %dot_general3A_276 : vector<4096x128xf32>
    %add3A_278 = arith.addf %reshape3A_246, %add3A_277 : vector<4096x128xf32>
    %add3A_279 = vector.broadcast %get3A_258 : vector<1x128xf32> to vector<4096x128xf32>
    %add3A_280 = arith.addf %add3A_278, %add3A_279 : vector<4096x128xf32>
    %slice3A_281 = vector.extract_strided_slice %get3A_252 {offsets = [0, 0], sizes = [20, 128], strides = [1, 1]} : vector<80x128xf32> to vector<20x128xf32>
    %dot_general3A_282 = arith.constant dense<0.000000e+00> : vector<4096x128xf32>
    %dot_general3A_283 = tpu.matmul %exp3A, %slice3A_281, %dot_general3A_282 {dimension_numbers = #tpu.dot_dimension_numbers<[1], [0], [0], [1], [0, 0, 1, 1], [], []>, transpose_lhs_hint = false} : vector<4096x20xf32>, vector<20x128xf32>, vector<4096x128xf32> -> vector<4096x128xf32>
    %slice3A_284 = vector.extract_strided_slice %get3A_249 {offsets = [0, 0], sizes = [1, 128], strides = [1, 1]} : vector<4x128xf32> to vector<1x128xf32>
    %add3A_285 = vector.broadcast %slice3A_284 : vector<1x128xf32> to vector<4096x128xf32>
    %add3A_286 = arith.addf %dot_general3A_283, %add3A_285 : vector<4096x128xf32>
    %mul3A_287 = vector.broadcast %convert_element_type3A_107 : vector<4096x1xf32> to vector<4096x128xf32>
    %mul3A_288 = arith.mulf %mul3A_287, %add3A_286 : vector<4096x128xf32>
    %add3A_289 = arith.addf %add3A_280, %mul3A_288 : vector<4096x128xf32>
    %slice3A_290 = vector.extract_strided_slice %get3A_252 {offsets = [20, 0], sizes = [20, 128], strides = [1, 1]} : vector<80x128xf32> to vector<20x128xf32>
    %dot_general3A_291 = arith.constant dense<0.000000e+00> : vector<4096x128xf32>
    %dot_general3A_292 = tpu.matmul %exp3A, %slice3A_290, %dot_general3A_291 {dimension_numbers = #tpu.dot_dimension_numbers<[1], [0], [0], [1], [0, 0, 1, 1], [], []>, transpose_lhs_hint = false} : vector<4096x20xf32>, vector<20x128xf32>, vector<4096x128xf32> -> vector<4096x128xf32>
    %slice3A_293 = vector.extract_strided_slice %get3A_249 {offsets = [1, 0], sizes = [1, 128], strides = [1, 1]} : vector<4x128xf32> to vector<1x128xf32>
    %add3A_294 = vector.broadcast %slice3A_293 : vector<1x128xf32> to vector<4096x128xf32>
    %add3A_295 = arith.addf %dot_general3A_292, %add3A_294 : vector<4096x128xf32>
    %mul3A_296 = vector.broadcast %convert_element_type3A_112 : vector<4096x1xf32> to vector<4096x128xf32>
    %mul3A_297 = arith.mulf %mul3A_296, %add3A_295 : vector<4096x128xf32>
    %add3A_298 = arith.addf %add3A_289, %mul3A_297 : vector<4096x128xf32>
    %slice3A_299 = vector.extract_strided_slice %get3A_252 {offsets = [40, 0], sizes = [20, 128], strides = [1, 1]} : vector<80x128xf32> to vector<20x128xf32>
    %dot_general3A_300 = arith.constant dense<0.000000e+00> : vector<4096x128xf32>
    %dot_general3A_301 = tpu.matmul %exp3A, %slice3A_299, %dot_general3A_300 {dimension_numbers = #tpu.dot_dimension_numbers<[1], [0], [0], [1], [0, 0, 1, 1], [], []>, transpose_lhs_hint = false} : vector<4096x20xf32>, vector<20x128xf32>, vector<4096x128xf32> -> vector<4096x128xf32>
    %slice3A_302 = vector.extract_strided_slice %get3A_249 {offsets = [2, 0], sizes = [1, 128], strides = [1, 1]} : vector<4x128xf32> to vector<1x128xf32>
    %add3A_303 = vector.broadcast %slice3A_302 : vector<1x128xf32> to vector<4096x128xf32>
    %add3A_304 = arith.addf %dot_general3A_301, %add3A_303 : vector<4096x128xf32>
    %mul3A_305 = vector.broadcast %convert_element_type3A_117 : vector<4096x1xf32> to vector<4096x128xf32>
    %mul3A_306 = arith.mulf %mul3A_305, %add3A_304 : vector<4096x128xf32>
    %add3A_307 = arith.addf %add3A_298, %mul3A_306 : vector<4096x128xf32>
    %slice3A_308 = vector.extract_strided_slice %get3A_252 {offsets = [60, 0], sizes = [20, 128], strides = [1, 1]} : vector<80x128xf32> to vector<20x128xf32>
    %dot_general3A_309 = arith.constant dense<0.000000e+00> : vector<4096x128xf32>
    %dot_general3A_310 = tpu.matmul %exp3A, %slice3A_308, %dot_general3A_309 {dimension_numbers = #tpu.dot_dimension_numbers<[1], [0], [0], [1], [0, 0, 1, 1], [], []>, transpose_lhs_hint = false} : vector<4096x20xf32>, vector<20x128xf32>, vector<4096x128xf32> -> vector<4096x128xf32>
    %slice3A_311 = vector.extract_strided_slice %get3A_249 {offsets = [3, 0], sizes = [1, 128], strides = [1, 1]} : vector<4x128xf32> to vector<1x128xf32>
    %add3A_312 = vector.broadcast %slice3A_311 : vector<1x128xf32> to vector<4096x128xf32>
    %add3A_313 = arith.addf %dot_general3A_310, %add3A_312 : vector<4096x128xf32>
    %mul3A_314 = vector.broadcast %convert_element_type3A_122 : vector<4096x1xf32> to vector<4096x128xf32>
    %mul3A_315 = arith.mulf %mul3A_314, %add3A_313 : vector<4096x128xf32>
    %add3A_316 = arith.addf %add3A_307, %mul3A_315 : vector<4096x128xf32>
    %reduce_sum3A_317 = arith.constant dense<0.000000e+00> : vector<4096xf32>
    %reduce_sum3A_318 = vector.multi_reduction <add>, %add3A_316, %reduce_sum3A_317 [1] : vector<4096x128xf32> to vector<4096xf32>
    %broadcast_in_dim3A_319 = vector.shape_cast %reduce_sum3A_318 : vector<4096xf32> to vector<4096x1xf32>
    %div3A_320 = arith.constant 1.280000e+02 : f32
    %div3A_321 = vector.broadcast %div3A_320 : f32 to vector<4096x1xf32>
    %div3A_322 = arith.divf %broadcast_in_dim3A_319, %div3A_321 : vector<4096x1xf32>
    %sub3A_323 = vector.broadcast %div3A_322 : vector<4096x1xf32> to vector<4096x128xf32>
    %sub3A_324 = arith.subf %add3A_316, %sub3A_323 : vector<4096x128xf32>
    %mul3A_325 = arith.mulf %sub3A_324, %sub3A_324 : vector<4096x128xf32>
    %reduce_sum3A_326 = arith.constant dense<0.000000e+00> : vector<4096xf32>
    %reduce_sum3A_327 = vector.multi_reduction <add>, %mul3A_325, %reduce_sum3A_326 [1] : vector<4096x128xf32> to vector<4096xf32>
    %broadcast_in_dim3A_328 = vector.shape_cast %reduce_sum3A_327 : vector<4096xf32> to vector<4096x1xf32>
    %div3A_329 = arith.constant 1.280000e+02 : f32
    %div3A_330 = vector.broadcast %div3A_329 : f32 to vector<4096x1xf32>
    %div3A_331 = arith.divf %broadcast_in_dim3A_328, %div3A_330 : vector<4096x1xf32>
    %add3A_332 = arith.constant 9.99999974E-6 : f32
    %add3A_333 = vector.broadcast %add3A_332 : f32 to vector<4096x1xf32>
    %add3A_334 = arith.addf %div3A_331, %add3A_333 : vector<4096x1xf32>
    %rsqrt3A_335 = math.rsqrt %add3A_334 : vector<4096x1xf32>
    %mul3A_336 = vector.broadcast %rsqrt3A_335 : vector<4096x1xf32> to vector<4096x128xf32>
    %mul3A_337 = arith.mulf %sub3A_324, %mul3A_336 : vector<4096x128xf32>
    %mul3A_338 = vector.broadcast %get3A_261 : vector<1x128xf32> to vector<4096x128xf32>
    %mul3A_339 = arith.mulf %mul3A_337, %mul3A_338 : vector<4096x128xf32>
    %add3A_340 = vector.broadcast %get3A_264 : vector<1x128xf32> to vector<4096x128xf32>
    %add3A_341 = arith.addf %mul3A_339, %add3A_340 : vector<4096x128xf32>
    %max3A_342 = arith.constant 0.000000e+00 : f32
    %max3A_343 = vector.broadcast %max3A_342 : f32 to vector<4096x128xf32>
    %max3A_344 = arith.maximumf %add3A_341, %max3A_343 : vector<4096x128xf32>
    %dot_general3A_345 = arith.constant dense<0.000000e+00> : vector<4096x128xf32>
    %dot_general3A_346 = tpu.matmul %max3A_344, %get3A_267, %dot_general3A_345 {dimension_numbers = #tpu.dot_dimension_numbers<[1], [0], [0], [1], [0, 0, 1, 1], [], []>, transpose_lhs_hint = false} : vector<4096x128xf32>, vector<128x128xf32>, vector<4096x128xf32> -> vector<4096x128xf32>
    %add3A_347 = vector.broadcast %get3A_270 : vector<1x128xf32> to vector<4096x128xf32>
    %add3A_348 = arith.addf %dot_general3A_346, %add3A_347 : vector<4096x128xf32>
    %mul3A_349 = vector.broadcast %div3A_90 : vector<4096x1xf32> to vector<4096x128xf32>
    %mul3A_350 = arith.mulf %add3A_348, %mul3A_349 : vector<4096x128xf32>
    %get3A_351 = arith.constant 0 : index
    %get3A_352 = arith.constant 0 : index
    %get3A_353 = vector.load %arg30[%get3A_351, %get3A_352] : memref<128x128xf32, #tpu.memory_space<vmem>>, vector<128x128xf32>
    %get3A_354 = arith.constant 0 : index
    %get3A_355 = arith.constant 0 : index
    %get3A_356 = vector.load %arg31[%get3A_354, %get3A_355] : memref<1x128xf32, #tpu.memory_space<vmem>>, vector<1x128xf32>
    %get3A_357 = arith.constant 0 : index
    %get3A_358 = arith.constant 0 : index
    %get3A_359 = vector.load %arg32[%get3A_357, %get3A_358] : memref<1x128xf32, #tpu.memory_space<vmem>>, vector<1x128xf32>
    %get3A_360 = arith.constant 0 : index
    %get3A_361 = arith.constant 0 : index
    %get3A_362 = vector.load %arg33[%get3A_360, %get3A_361] : memref<1x128xf32, #tpu.memory_space<vmem>>, vector<1x128xf32>
    %get3A_363 = arith.constant 0 : index
    %get3A_364 = arith.constant 0 : index
    %get3A_365 = vector.load %arg34[%get3A_363, %get3A_364] : memref<128x128xf32, #tpu.memory_space<vmem>>, vector<128x128xf32>
    %get3A_366 = arith.constant 0 : index
    %get3A_367 = arith.constant 0 : index
    %get3A_368 = vector.load %arg35[%get3A_366, %get3A_367] : memref<1x128xf32, #tpu.memory_space<vmem>>, vector<1x128xf32>
    %dot_general3A_369 = arith.constant dense<0.000000e+00> : vector<128x128xf32>
    %dot_general3A_370 = tpu.matmul %get3A_1, %get3A_353, %dot_general3A_369 {dimension_numbers = #tpu.dot_dimension_numbers<[1], [0], [0], [1], [0, 0, 1, 1], [], []>, transpose_lhs_hint = false} : vector<128x128xf32>, vector<128x128xf32>, vector<128x128xf32> -> vector<128x128xf32>
    %add3A_371 = vector.broadcast %get3A_356 : vector<1x128xf32> to vector<128x128xf32>
    %add3A_372 = arith.addf %dot_general3A_370, %add3A_371 : vector<128x128xf32>
    %reduce_sum3A_373 = arith.constant dense<0.000000e+00> : vector<128xf32>
    %reduce_sum3A_374 = vector.multi_reduction <add>, %add3A_372, %reduce_sum3A_373 [1] : vector<128x128xf32> to vector<128xf32>
    %broadcast_in_dim3A_375 = vector.shape_cast %reduce_sum3A_374 : vector<128xf32> to vector<128x1xf32>
    %div3A_376 = arith.constant 1.280000e+02 : f32
    %div3A_377 = vector.broadcast %div3A_376 : f32 to vector<128x1xf32>
    %div3A_378 = arith.divf %broadcast_in_dim3A_375, %div3A_377 : vector<128x1xf32>
    %sub3A_379 = vector.broadcast %div3A_378 : vector<128x1xf32> to vector<128x128xf32>
    %sub3A_380 = arith.subf %add3A_372, %sub3A_379 : vector<128x128xf32>
    %mul3A_381 = arith.mulf %sub3A_380, %sub3A_380 : vector<128x128xf32>
    %reduce_sum3A_382 = arith.constant dense<0.000000e+00> : vector<128xf32>
    %reduce_sum3A_383 = vector.multi_reduction <add>, %mul3A_381, %reduce_sum3A_382 [1] : vector<128x128xf32> to vector<128xf32>
    %broadcast_in_dim3A_384 = vector.shape_cast %reduce_sum3A_383 : vector<128xf32> to vector<128x1xf32>
    %div3A_385 = arith.constant 1.280000e+02 : f32
    %div3A_386 = vector.broadcast %div3A_385 : f32 to vector<128x1xf32>
    %div3A_387 = arith.divf %broadcast_in_dim3A_384, %div3A_386 : vector<128x1xf32>
    %add3A_388 = arith.constant 9.99999974E-6 : f32
    %add3A_389 = vector.broadcast %add3A_388 : f32 to vector<128x1xf32>
    %add3A_390 = arith.addf %div3A_387, %add3A_389 : vector<128x1xf32>
    %rsqrt3A_391 = math.rsqrt %add3A_390 : vector<128x1xf32>
    %mul3A_392 = vector.broadcast %rsqrt3A_391 : vector<128x1xf32> to vector<128x128xf32>
    %mul3A_393 = arith.mulf %sub3A_380, %mul3A_392 : vector<128x128xf32>
    %mul3A_394 = vector.broadcast %get3A_359 : vector<1x128xf32> to vector<128x128xf32>
    %mul3A_395 = arith.mulf %mul3A_393, %mul3A_394 : vector<128x128xf32>
    %add3A_396 = vector.broadcast %get3A_362 : vector<1x128xf32> to vector<128x128xf32>
    %add3A_397 = arith.addf %mul3A_395, %add3A_396 : vector<128x128xf32>
    %max3A_398 = arith.constant 0.000000e+00 : f32
    %max3A_399 = vector.broadcast %max3A_398 : f32 to vector<128x128xf32>
    %max3A_400 = arith.maximumf %add3A_397, %max3A_399 : vector<128x128xf32>
    %dot_general3A_401 = arith.constant dense<0.000000e+00> : vector<128x128xf32>
    %dot_general3A_402 = tpu.matmul %max3A_400, %get3A_365, %dot_general3A_401 {dimension_numbers = #tpu.dot_dimension_numbers<[1], [0], [0], [1], [0, 0, 1, 1], [], []>, transpose_lhs_hint = false} : vector<128x128xf32>, vector<128x128xf32>, vector<128x128xf32> -> vector<128x128xf32>
    %add3A_403 = vector.broadcast %get3A_368 : vector<1x128xf32> to vector<128x128xf32>
    %add3A_404 = arith.addf %dot_general3A_402, %add3A_403 : vector<128x128xf32>
    %iota3A = tpu.iota {dimensions = array<i32: 0>} : vector<128x16xi32>
    %iota3A_405 = tpu.iota {dimensions = array<i32: 1>} : vector<128x16xi32>
    %jit3A = arith.constant 8 : i32
    %div3A_406 = vector.broadcast %jit3A : i32 to vector<128x16xi32>
    %div3A_407 = arith.divsi %iota3A, %div3A_406 : vector<128x16xi32>
    %sign3A = arith.constant 0 : i32
    %sign3A_408 = vector.broadcast %sign3A : i32 to vector<128x16xi32>
    %sign3A_409 = arith.cmpi sgt, %iota3A, %sign3A_408 : vector<128x16xi32>
    %sign3A_410 = arith.extui %sign3A_409 : vector<128x16xi1> to vector<128x16xi32>
    %sign3A_411 = arith.constant 0 : i32
    %sign3A_412 = vector.broadcast %sign3A_411 : i32 to vector<128x16xi32>
    %sign3A_413 = arith.cmpi slt, %iota3A, %sign3A_412 : vector<128x16xi32>
    %sign3A_414 = arith.extui %sign3A_413 : vector<128x16xi1> to vector<128x16xi32>
    %sign3A_415 = arith.subi %sign3A_410, %sign3A_414 : vector<128x16xi32>
    %sign3A_416 = arith.constant 0 : i32
    %sign3A_417 = arith.cmpi sgt, %jit3A, %sign3A_416 : i32
    %sign3A_418 = arith.extui %sign3A_417 : i1 to i32
    %sign3A_419 = arith.constant 0 : i32
    %sign3A_420 = arith.cmpi slt, %jit3A, %sign3A_419 : i32
    %sign3A_421 = arith.extui %sign3A_420 : i1 to i32
    %sign3A_422 = arith.subi %sign3A_418, %sign3A_421 : i32
    %ne3A = vector.broadcast %sign3A_422 : i32 to vector<128x16xi32>
    %ne3A_423 = arith.cmpi ne, %sign3A_415, %ne3A : vector<128x16xi32>
    %rem3A = vector.broadcast %jit3A : i32 to vector<128x16xi32>
    %rem3A_424 = arith.remsi %iota3A, %rem3A : vector<128x16xi32>
    %ne3A_425 = arith.constant 0 : i32
    %ne3A_426 = vector.broadcast %ne3A_425 : i32 to vector<128x16xi32>
    %ne3A_427 = arith.cmpi ne, %rem3A_424, %ne3A_426 : vector<128x16xi32>
    %and3A_428 = arith.andi %ne3A_423, %ne3A_427 : vector<128x16xi1>
    %sub3A_429 = arith.constant 1 : i32
    %sub3A_430 = vector.broadcast %sub3A_429 : i32 to vector<128x16xi32>
    %sub3A_431 = arith.subi %div3A_407, %sub3A_430 : vector<128x16xi32>
    %select_n3A = arith.select %and3A_428, %sub3A_431, %div3A_407 : vector<128x16xi1>, vector<128x16xi32>
    %eq3A_432 = arith.cmpi eq, %select_n3A, %iota3A_405 : vector<128x16xi32>
    %convert_element_type3A_433 = arith.extui %eq3A_432 : vector<128x16xi1> to vector<128x16xi32>
    %convert_element_type3A_434 = arith.sitofp %convert_element_type3A_433 : vector<128x16xi32> to vector<128x16xf32>
    %transpose3A = tpu.transpose %convert_element_type3A_434, [1, 0] : vector<128x16xf32> -> vector<16x128xf32>
    %broadcast_in_dim3A_435 = vector.shape_cast %add3A_404 : vector<128x128xf32> to vector<128x1x128xf32>
    %broadcast_in_dim3A_436 = vector.shape_cast %broadcast_in_dim3A_435 : vector<128x1x128xf32> to vector<128x1x128xf32>
    %broadcast_in_dim3A_437 = vector.broadcast %broadcast_in_dim3A_436 : vector<128x1x128xf32> to vector<128x32x128xf32>
    %reshape3A_438 = vector.shape_cast %broadcast_in_dim3A_437 : vector<128x32x128xf32> to vector<4096x128xf32>
    %mul3A_439 = arith.mulf %reshape3A_438, %add3A_237 : vector<4096x128xf32>
    %dot_general3A_440 = arith.constant dense<0.000000e+00> : vector<4096x16xf32>
    %dot_general3A_441 = tpu.matmul %mul3A_439, %convert_element_type3A_434, %dot_general3A_440 {dimension_numbers = #tpu.dot_dimension_numbers<[1], [0], [0], [1], [0, 0, 1, 1], [], []>, transpose_lhs_hint = false} : vector<4096x128xf32>, vector<128x16xf32>, vector<4096x16xf32> -> vector<4096x16xf32>
    %mul3A_442 = arith.constant 0.353553385 : f32
    %mul3A_443 = vector.broadcast %mul3A_442 : f32 to vector<4096x16xf32>
    %mul3A_444 = arith.mulf %dot_general3A_441, %mul3A_443 : vector<4096x16xf32>
    %reshape3A_445 = vector.shape_cast %mul3A_444 : vector<4096x16xf32> to vector<128x32x16xf32>
    %reduce_max3A = arith.constant dense<0xFF800000> : vector<128x16xf32>
    %reduce_max3A_446 = vector.multi_reduction <maximumf>, %reshape3A_445, %reduce_max3A [1] : vector<128x32x16xf32> to vector<128x16xf32>
    %broadcast_in_dim3A_447 = vector.shape_cast %reduce_max3A_446 : vector<128x16xf32> to vector<128x1x16xf32>
    %sub3A_448 = vector.broadcast %broadcast_in_dim3A_447 : vector<128x1x16xf32> to vector<128x32x16xf32>
    %sub3A_449 = arith.subf %reshape3A_445, %sub3A_448 : vector<128x32x16xf32>
    %exp3A_450 = math.exp %sub3A_449 : vector<128x32x16xf32>
    %reduce_sum3A_451 = arith.constant dense<0.000000e+00> : vector<128x16xf32>
    %reduce_sum3A_452 = vector.multi_reduction <add>, %exp3A_450, %reduce_sum3A_451 [1] : vector<128x32x16xf32> to vector<128x16xf32>
    %broadcast_in_dim3A_453 = vector.shape_cast %reduce_sum3A_452 : vector<128x16xf32> to vector<128x1x16xf32>
    %add3A_454 = arith.constant 1.000000e-16 : f32
    %add3A_455 = vector.broadcast %add3A_454 : f32 to vector<128x1x16xf32>
    %add3A_456 = arith.addf %broadcast_in_dim3A_453, %add3A_455 : vector<128x1x16xf32>
    %div3A_457 = vector.broadcast %add3A_456 : vector<128x1x16xf32> to vector<128x32x16xf32>
    %div3A_458 = arith.divf %exp3A_450, %div3A_457 : vector<128x32x16xf32>
    %reshape3A_459 = vector.shape_cast %div3A_458 : vector<128x32x16xf32> to vector<4096x16xf32>
    %dot_general3A_460 = arith.constant dense<0.000000e+00> : vector<4096x128xf32>
    %dot_general3A_461 = tpu.matmul %reshape3A_459, %transpose3A, %dot_general3A_460 {dimension_numbers = #tpu.dot_dimension_numbers<[1], [0], [0], [1], [0, 0, 1, 1], [], []>, transpose_lhs_hint = false} : vector<4096x16xf32>, vector<16x128xf32>, vector<4096x128xf32> -> vector<4096x128xf32>
    %mul3A_462 = arith.mulf %dot_general3A_461, %mul3A_350 : vector<4096x128xf32>
    %reshape3A_463 = vector.shape_cast %mul3A_462 : vector<4096x128xf32> to vector<128x32x128xf32>
    %reduce_sum3A_464 = arith.constant dense<0.000000e+00> : vector<128x128xf32>
    %reduce_sum3A_465 = vector.multi_reduction <add>, %reshape3A_463, %reduce_sum3A_464 [1] : vector<128x32x128xf32> to vector<128x128xf32>
    %get3A_466 = arith.constant 0 : index
    %get3A_467 = arith.constant 0 : index
    %get3A_468 = vector.load %arg36[%get3A_466, %get3A_467] : memref<128x128xf32, #tpu.memory_space<vmem>>, vector<128x128xf32>
    %dot_general3A_469 = arith.constant dense<0.000000e+00> : vector<128x128xf32>
    %dot_general3A_470 = tpu.matmul %reduce_sum3A_465, %get3A_468, %dot_general3A_469 {dimension_numbers = #tpu.dot_dimension_numbers<[1], [0], [0], [1], [0, 0, 1, 1], [], []>, transpose_lhs_hint = false} : vector<128x128xf32>, vector<128x128xf32>, vector<128x128xf32> -> vector<128x128xf32>
    %get3A_471 = arith.constant 0 : index
    %get3A_472 = arith.constant 0 : index
    %get3A_473 = vector.load %arg37[%get3A_471, %get3A_472] : memref<128x128xf32, #tpu.memory_space<vmem>>, vector<128x128xf32>
    %dot_general3A_474 = arith.constant dense<0.000000e+00> : vector<128x128xf32>
    %dot_general3A_475 = tpu.matmul %get3A_1, %get3A_473, %dot_general3A_474 {dimension_numbers = #tpu.dot_dimension_numbers<[1], [0], [0], [1], [0, 0, 1, 1], [], []>, transpose_lhs_hint = false} : vector<128x128xf32>, vector<128x128xf32>, vector<128x128xf32> -> vector<128x128xf32>
    %add3A_476 = arith.addf %dot_general3A_470, %dot_general3A_475 : vector<128x128xf32>
    %get3A_477 = arith.constant 0 : index
    %get3A_478 = arith.constant 0 : index
    %get3A_479 = vector.load %arg38[%get3A_477, %get3A_478] : memref<1x128xf32, #tpu.memory_space<vmem>>, vector<1x128xf32>
    %add3A_480 = vector.broadcast %get3A_479 : vector<1x128xf32> to vector<128x128xf32>
    %add3A_481 = arith.addf %add3A_476, %add3A_480 : vector<128x128xf32>
    %get3A_482 = arith.constant 0 : index
    %get3A_483 = arith.constant 0 : index
    %get3A_484 = vector.load %arg39[%get3A_482, %get3A_483] : memref<1x128xf32, #tpu.memory_space<vmem>>, vector<1x128xf32>
    %get3A_485 = arith.constant 0 : index
    %get3A_486 = arith.constant 0 : index
    %get3A_487 = vector.load %arg40[%get3A_485, %get3A_486] : memref<1x128xf32, #tpu.memory_space<vmem>>, vector<1x128xf32>
    %reduce_sum3A_488 = arith.constant dense<0.000000e+00> : vector<128xf32>
    %reduce_sum3A_489 = vector.multi_reduction <add>, %add3A_481, %reduce_sum3A_488 [1] : vector<128x128xf32> to vector<128xf32>
    %broadcast_in_dim3A_490 = vector.shape_cast %reduce_sum3A_489 : vector<128xf32> to vector<128x1xf32>
    %div3A_491 = arith.constant 1.280000e+02 : f32
    %div3A_492 = vector.broadcast %div3A_491 : f32 to vector<128x1xf32>
    %div3A_493 = arith.divf %broadcast_in_dim3A_490, %div3A_492 : vector<128x1xf32>
    %sub3A_494 = vector.broadcast %div3A_493 : vector<128x1xf32> to vector<128x128xf32>
    %sub3A_495 = arith.subf %add3A_481, %sub3A_494 : vector<128x128xf32>
    %mul3A_496 = arith.mulf %sub3A_495, %sub3A_495 : vector<128x128xf32>
    %reduce_sum3A_497 = arith.constant dense<0.000000e+00> : vector<128xf32>
    %reduce_sum3A_498 = vector.multi_reduction <add>, %mul3A_496, %reduce_sum3A_497 [1] : vector<128x128xf32> to vector<128xf32>
    %broadcast_in_dim3A_499 = vector.shape_cast %reduce_sum3A_498 : vector<128xf32> to vector<128x1xf32>
    %div3A_500 = arith.constant 1.280000e+02 : f32
    %div3A_501 = vector.broadcast %div3A_500 : f32 to vector<128x1xf32>
    %div3A_502 = arith.divf %broadcast_in_dim3A_499, %div3A_501 : vector<128x1xf32>
    %add3A_503 = arith.constant 9.99999974E-6 : f32
    %add3A_504 = vector.broadcast %add3A_503 : f32 to vector<128x1xf32>
    %add3A_505 = arith.addf %div3A_502, %add3A_504 : vector<128x1xf32>
    %rsqrt3A_506 = math.rsqrt %add3A_505 : vector<128x1xf32>
    %mul3A_507 = vector.broadcast %rsqrt3A_506 : vector<128x1xf32> to vector<128x128xf32>
    %mul3A_508 = arith.mulf %sub3A_495, %mul3A_507 : vector<128x128xf32>
    %mul3A_509 = vector.broadcast %get3A_484 : vector<1x128xf32> to vector<128x128xf32>
    %mul3A_510 = arith.mulf %mul3A_508, %mul3A_509 : vector<128x128xf32>
    %add3A_511 = vector.broadcast %get3A_487 : vector<1x128xf32> to vector<128x128xf32>
    %add3A_512 = arith.addf %mul3A_510, %add3A_511 : vector<128x128xf32>
    %max3A_513 = arith.constant 0.000000e+00 : f32
    %max3A_514 = vector.broadcast %max3A_513 : f32 to vector<128x128xf32>
    %max3A_515 = arith.maximumf %add3A_512, %max3A_514 : vector<128x128xf32>
    %get3A_516 = arith.constant 0 : index
    %get3A_517 = arith.constant 0 : index
    %get3A_518 = vector.load %arg41[%get3A_516, %get3A_517] : memref<128x128xf32, #tpu.memory_space<vmem>>, vector<128x128xf32>
    %dot_general3A_519 = arith.constant dense<0.000000e+00> : vector<128x128xf32>
    %dot_general3A_520 = tpu.matmul %max3A_515, %get3A_518, %dot_general3A_519 {dimension_numbers = #tpu.dot_dimension_numbers<[1], [0], [0], [1], [0, 0, 1, 1], [], []>, transpose_lhs_hint = false} : vector<128x128xf32>, vector<128x128xf32>, vector<128x128xf32> -> vector<128x128xf32>
    %get3A_521 = arith.constant 0 : index
    %get3A_522 = arith.constant 0 : index
    %get3A_523 = vector.load %arg42[%get3A_521, %get3A_522] : memref<1x128xf32, #tpu.memory_space<vmem>>, vector<1x128xf32>
    %add3A_524 = vector.broadcast %get3A_523 : vector<1x128xf32> to vector<128x128xf32>
    %add3A_525 = arith.addf %dot_general3A_520, %add3A_524 : vector<128x128xf32>
    %add3A_526 = arith.addf %add3A_525, %get3A_1 : vector<128x128xf32>
    %swap3A_527 = arith.constant 0 : index
    %swap3A_528 = arith.constant 0 : index
    %swap3A_529 = vector.load %arg43[%swap3A_527, %swap3A_528] : memref<128x128xf32, #tpu.memory_space<vmem>>, vector<128x128xf32>
    tpu.vector_store %arg43[%swap3A_527, %swap3A_528], %add3A_526 {strides = array<i32>} : memref<128x128xf32, #tpu.memory_space<vmem>>, vector<128x128xf32>,
    return
  }
  func.func @transform_0(%arg0: i32) -> (i32, i32) {
    %c0_i32 = arith.constant 0 : i32
    %c0_i32_0 = arith.constant 0 : i32
    return %arg0, %c0_i32 : i32, i32
  }
  func.func @transform_1(%arg0: i32) -> (i32, i32) {
    %c0_i32 = arith.constant 0 : i32
    %c0_i32_0 = arith.constant 0 : i32
    return %arg0, %c0_i32 : i32, i32
  }
  func.func @transform_2(%arg0: i32) -> (i32, i32) {
    %c0_i32 = arith.constant 0 : i32
    %c0_i32_0 = arith.constant 0 : i32
    return %arg0, %c0_i32 : i32, i32
  }
  func.func @transform_3(%arg0: i32) -> (i32, i32) {
    %c0_i32 = arith.constant 0 : i32
    %c0_i32_0 = arith.constant 0 : i32
    return %arg0, %c0_i32 : i32, i32
  }
  func.func @transform_4(%arg0: i32) -> (i32, i32) {
    %c0_i32 = arith.constant 0 : i32
    %c0_i32_0 = arith.constant 0 : i32
    %c0_i32_1 = arith.constant 0 : i32
    return %c0_i32, %c0_i32_0 : i32, i32
  }
  func.func @transform_5(%arg0: i32) -> (i32, i32) {
    %c0_i32 = arith.constant 0 : i32
    %c0_i32_0 = arith.constant 0 : i32
    %c0_i32_1 = arith.constant 0 : i32
    return %c0_i32, %c0_i32_0 : i32, i32
  }
  func.func @transform_6(%arg0: i32) -> (i32, i32) {
    %c0_i32 = arith.constant 0 : i32
    %c0_i32_0 = arith.constant 0 : i32
    %c0_i32_1 = arith.constant 0 : i32
    return %c0_i32, %c0_i32_0 : i32, i32
  }
  func.func @transform_7(%arg0: i32) -> (i32, i32) {
    %c0_i32 = arith.constant 0 : i32
    %c0_i32_0 = arith.constant 0 : i32
    %c0_i32_1 = arith.constant 0 : i32
    return %c0_i32, %c0_i32_0 : i32, i32
  }
  func.func @transform_8(%arg0: i32) -> (i32, i32) {
    %c0_i32 = arith.constant 0 : i32
    %c0_i32_0 = arith.constant 0 : i32
    %c0_i32_1 = arith.constant 0 : i32
    return %c0_i32, %c0_i32_0 : i32, i32
  }
  func.func @transform_9(%arg0: i32) -> (i32, i32) {
    %c0_i32 = arith.constant 0 : i32
    %c0_i32_0 = arith.constant 0 : i32
    %c0_i32_1 = arith.constant 0 : i32
    return %c0_i32, %c0_i32_0 : i32, i32
  }
  func.func @transform_10(%arg0: i32) -> (i32, i32) {
    %c0_i32 = arith.constant 0 : i32
    %c0_i32_0 = arith.constant 0 : i32
    %c0_i32_1 = arith.constant 0 : i32
    return %c0_i32, %c0_i32_0 : i32, i32
  }
  func.func @transform_11(%arg0: i32) -> (i32, i32) {
    %c0_i32 = arith.constant 0 : i32
    %c0_i32_0 = arith.constant 0 : i32
    %c0_i32_1 = arith.constant 0 : i32
    return %c0_i32, %c0_i32_0 : i32, i32
  }
  func.func @transform_12(%arg0: i32) -> (i32, i32) {
    %c0_i32 = arith.constant 0 : i32
    %c0_i32_0 = arith.constant 0 : i32
    %c0_i32_1 = arith.constant 0 : i32
    return %c0_i32, %c0_i32_0 : i32, i32
  }
  func.func @transform_13(%arg0: i32) -> (i32, i32) {
    %c0_i32 = arith.constant 0 : i32
    %c0_i32_0 = arith.constant 0 : i32
    %c0_i32_1 = arith.constant 0 : i32
    return %c0_i32, %c0_i32_0 : i32, i32
  }
  func.func @transform_14(%arg0: i32) -> (i32, i32) {
    %c0_i32 = arith.constant 0 : i32
    %c0_i32_0 = arith.constant 0 : i32
    %c0_i32_1 = arith.constant 0 : i32
    return %c0_i32, %c0_i32_0 : i32, i32
  }
  func.func @transform_15(%arg0: i32) -> (i32, i32) {
    %c0_i32 = arith.constant 0 : i32
    %c0_i32_0 = arith.constant 0 : i32
    %c0_i32_1 = arith.constant 0 : i32
    return %c0_i32, %c0_i32_0 : i32, i32
  }
  func.func @transform_16(%arg0: i32) -> (i32, i32) {
    %c0_i32 = arith.constant 0 : i32
    %c0_i32_0 = arith.constant 0 : i32
    %c0_i32_1 = arith.constant 0 : i32
    return %c0_i32, %c0_i32_0 : i32, i32
  }
  func.func @transform_17(%arg0: i32) -> (i32, i32) {
    %c0_i32 = arith.constant 0 : i32
    %c0_i32_0 = arith.constant 0 : i32
    %c0_i32_1 = arith.constant 0 : i32
    return %c0_i32, %c0_i32_0 : i32, i32
  }
  func.func @transform_18(%arg0: i32) -> (i32, i32) {
    %c0_i32 = arith.constant 0 : i32
    %c0_i32_0 = arith.constant 0 : i32
    %c0_i32_1 = arith.constant 0 : i32
    return %c0_i32, %c0_i32_0 : i32, i32
  }
  func.func @transform_19(%arg0: i32) -> (i32, i32) {
    %c0_i32 = arith.constant 0 : i32
    %c0_i32_0 = arith.constant 0 : i32
    %c0_i32_1 = arith.constant 0 : i32
    return %c0_i32, %c0_i32_0 : i32, i32
  }
  func.func @transform_20(%arg0: i32) -> (i32, i32) {
    %c0_i32 = arith.constant 0 : i32
    %c0_i32_0 = arith.constant 0 : i32
    %c0_i32_1 = arith.constant 0 : i32
    return %c0_i32, %c0_i32_0 : i32, i32
  }
  func.func @transform_21(%arg0: i32) -> (i32, i32) {
    %c0_i32 = arith.constant 0 : i32
    %c0_i32_0 = arith.constant 0 : i32
    %c0_i32_1 = arith.constant 0 : i32
    return %c0_i32, %c0_i32_0 : i32, i32
  }
  func.func @transform_22(%arg0: i32) -> (i32, i32) {
    %c0_i32 = arith.constant 0 : i32
    %c0_i32_0 = arith.constant 0 : i32
    %c0_i32_1 = arith.constant 0 : i32
    return %c0_i32, %c0_i32_0 : i32, i32
  }
  func.func @transform_23(%arg0: i32) -> (i32, i32) {
    %c0_i32 = arith.constant 0 : i32
    %c0_i32_0 = arith.constant 0 : i32
    %c0_i32_1 = arith.constant 0 : i32
    return %c0_i32, %c0_i32_0 : i32, i32
  }
  func.func @transform_24(%arg0: i32) -> (i32, i32) {
    %c0_i32 = arith.constant 0 : i32
    %c0_i32_0 = arith.constant 0 : i32
    %c0_i32_1 = arith.constant 0 : i32
    return %c0_i32, %c0_i32_0 : i32, i32
  }
  func.func @transform_25(%arg0: i32) -> (i32, i32) {
    %c0_i32 = arith.constant 0 : i32
    %c0_i32_0 = arith.constant 0 : i32
    %c0_i32_1 = arith.constant 0 : i32
    return %c0_i32, %c0_i32_0 : i32, i32
  }
  func.func @transform_26(%arg0: i32) -> (i32, i32) {
    %c0_i32 = arith.constant 0 : i32
    %c0_i32_0 = arith.constant 0 : i32
    %c0_i32_1 = arith.constant 0 : i32
    return %c0_i32, %c0_i32_0 : i32, i32
  }
  func.func @transform_27(%arg0: i32) -> (i32, i32) {
    %c0_i32 = arith.constant 0 : i32
    %c0_i32_0 = arith.constant 0 : i32
    %c0_i32_1 = arith.constant 0 : i32
    return %c0_i32, %c0_i32_0 : i32, i32
  }
  func.func @transform_28(%arg0: i32) -> (i32, i32) {
    %c0_i32 = arith.constant 0 : i32
    %c0_i32_0 = arith.constant 0 : i32
    %c0_i32_1 = arith.constant 0 : i32
    return %c0_i32, %c0_i32_0 : i32, i32
  }
  func.func @transform_29(%arg0: i32) -> (i32, i32) {
    %c0_i32 = arith.constant 0 : i32
    %c0_i32_0 = arith.constant 0 : i32
    %c0_i32_1 = arith.constant 0 : i32
    return %c0_i32, %c0_i32_0 : i32, i32
  }
  func.func @transform_30(%arg0: i32) -> (i32, i32) {
    %c0_i32 = arith.constant 0 : i32
    %c0_i32_0 = arith.constant 0 : i32
    %c0_i32_1 = arith.constant 0 : i32
    return %c0_i32, %c0_i32_0 : i32, i32
  }
  func.func @transform_31(%arg0: i32) -> (i32, i32) {
    %c0_i32 = arith.constant 0 : i32
    %c0_i32_0 = arith.constant 0 : i32
    %c0_i32_1 = arith.constant 0 : i32
    return %c0_i32, %c0_i32_0 : i32, i32
  }
  func.func @transform_32(%arg0: i32) -> (i32, i32) {
    %c0_i32 = arith.constant 0 : i32
    %c0_i32_0 = arith.constant 0 : i32
    %c0_i32_1 = arith.constant 0 : i32
    return %c0_i32, %c0_i32_0 : i32, i32
  }
  func.func @transform_33(%arg0: i32) -> (i32, i32) {
    %c0_i32 = arith.constant 0 : i32
    %c0_i32_0 = arith.constant 0 : i32
    %c0_i32_1 = arith.constant 0 : i32
    return %c0_i32, %c0_i32_0 : i32, i32
  }
  func.func @transform_34(%arg0: i32) -> (i32, i32) {
    %c0_i32 = arith.constant 0 : i32
    %c0_i32_0 = arith.constant 0 : i32
    %c0_i32_1 = arith.constant 0 : i32
    return %c0_i32, %c0_i32_0 : i32, i32
  }
  func.func @transform_35(%arg0: i32) -> (i32, i32) {
    %c0_i32 = arith.constant 0 : i32
    %c0_i32_0 = arith.constant 0 : i32
    %c0_i32_1 = arith.constant 0 : i32
    return %c0_i32, %c0_i32_0 : i32, i32
  }
  func.func @transform_36(%arg0: i32) -> (i32, i32) {
    %c0_i32 = arith.constant 0 : i32
    %c0_i32_0 = arith.constant 0 : i32
    %c0_i32_1 = arith.constant 0 : i32
    return %c0_i32, %c0_i32_0 : i32, i32
  }
  func.func @transform_37(%arg0: i32) -> (i32, i32) {
    %c0_i32 = arith.constant 0 : i32
    %c0_i32_0 = arith.constant 0 : i32
    %c0_i32_1 = arith.constant 0 : i32
    return %c0_i32, %c0_i32_0 : i32, i32
  }
  func.func @transform_38(%arg0: i32) -> (i32, i32) {
    %c0_i32 = arith.constant 0 : i32
    %c0_i32_0 = arith.constant 0 : i32
    %c0_i32_1 = arith.constant 0 : i32
    return %c0_i32, %c0_i32_0 : i32, i32
  }
  func.func @transform_39(%arg0: i32) -> (i32, i32) {
    %c0_i32 = arith.constant 0 : i32
    %c0_i32_0 = arith.constant 0 : i32
    %c0_i32_1 = arith.constant 0 : i32
    return %c0_i32, %c0_i32_0 : i32, i32
  }
  func.func @transform_40(%arg0: i32) -> (i32, i32) {
    %c0_i32 = arith.constant 0 : i32
    %c0_i32_0 = arith.constant 0 : i32
    %c0_i32_1 = arith.constant 0 : i32
    return %c0_i32, %c0_i32_0 : i32, i32
  }
  func.func @transform_41(%arg0: i32) -> (i32, i32) {
    %c0_i32 = arith.constant 0 : i32
    %c0_i32_0 = arith.constant 0 : i32
    %c0_i32_1 = arith.constant 0 : i32
    return %c0_i32, %c0_i32_0 : i32, i32
  }
  func.func @transform_42(%arg0: i32) -> (i32, i32) {
    %c0_i32 = arith.constant 0 : i32
    %c0_i32_0 = arith.constant 0 : i32
    return %arg0, %c0_i32 : i32, i32
  }
  func.func @transform_43(%arg0: i32) -> (i32, i32) {
    %c0_i32 = arith.constant 0 : i32
    %c0_i32_0 = arith.constant 0 : i32
    return %arg0, %c0_i32 : i32, i32
  }
}

module attributes {stable_mosaic.version = 14 : i64} {
  func.func @_h2x_body(%arg0: i32, %arg1: memref<128x128xf32, #tpu.memory_space<vmem>>, %arg2: memref<128x3xf32, #tpu.memory_space<vmem>>, %arg3: memref<128x1xf32, #tpu.memory_space<vmem>>, %arg4: memref<4096x128xf32, #tpu.memory_space<vmem>>, %arg5: memref<4096x128xf32, #tpu.memory_space<vmem>>, %arg6: memref<4096x24xf32, #tpu.memory_space<vmem>>, %arg7: memref<128x128xf32, #tpu.memory_space<vmem>>, %arg8: memref<4x128xf32, #tpu.memory_space<vmem>>, %arg9: memref<80x128xf32, #tpu.memory_space<vmem>>, %arg10: memref<128x128xf32, #tpu.memory_space<vmem>>, %arg11: memref<1x128xf32, #tpu.memory_space<vmem>>, %arg12: memref<1x128xf32, #tpu.memory_space<vmem>>, %arg13: memref<1x128xf32, #tpu.memory_space<vmem>>, %arg14: memref<128x128xf32, #tpu.memory_space<vmem>>, %arg15: memref<1x128xf32, #tpu.memory_space<vmem>>, %arg16: memref<128x128xf32, #tpu.memory_space<vmem>>, %arg17: memref<4x128xf32, #tpu.memory_space<vmem>>, %arg18: memref<80x128xf32, #tpu.memory_space<vmem>>, %arg19: memref<128x128xf32, #tpu.memory_space<vmem>>, %arg20: memref<1x128xf32, #tpu.memory_space<vmem>>, %arg21: memref<1x128xf32, #tpu.memory_space<vmem>>, %arg22: memref<1x128xf32, #tpu.memory_space<vmem>>, %arg23: memref<128x16xf32, #tpu.memory_space<vmem>>, %arg24: memref<1x16xf32, #tpu.memory_space<vmem>>, %arg25: memref<128x128xf32, #tpu.memory_space<vmem>>, %arg26: memref<1x128xf32, #tpu.memory_space<vmem>>, %arg27: memref<1x128xf32, #tpu.memory_space<vmem>>, %arg28: memref<1x128xf32, #tpu.memory_space<vmem>>, %arg29: memref<128x128xf32, #tpu.memory_space<vmem>>, %arg30: memref<1x128xf32, #tpu.memory_space<vmem>>, %arg31: memref<128x3xf32, #tpu.memory_space<vmem>>) attributes {dimension_semantics = [#tpu.dimension_semantics<arbitrary>], iteration_bounds = array<i64: 80>, scalar_prefetch = 0 : i64, scratch_operands = 0 : i64, tpu.core_type = #tpu.core_type<tc>, window_params = [{transform_indices = @transform_0, window_bounds = array<i64: 128, 128>}, {transform_indices = @transform_1, window_bounds = array<i64: 128, 3>}, {transform_indices = @transform_2, window_bounds = array<i64: 128, 1>}, {transform_indices = @transform_3, window_bounds = array<i64: 4096, 128>}, {transform_indices = @transform_4, window_bounds = array<i64: 4096, 128>}, {transform_indices = @transform_5, window_bounds = array<i64: 4096, 24>}, {pipeline_mode = #tpu.pipeline_mode<synchronous>, transform_indices = @transform_6, window_bounds = array<i64: 128, 128>}, {pipeline_mode = #tpu.pipeline_mode<synchronous>, transform_indices = @transform_7, window_bounds = array<i64: 4, 128>}, {pipeline_mode = #tpu.pipeline_mode<synchronous>, transform_indices = @transform_8, window_bounds = array<i64: 80, 128>}, {pipeline_mode = #tpu.pipeline_mode<synchronous>, transform_indices = @transform_9, window_bounds = array<i64: 128, 128>}, {pipeline_mode = #tpu.pipeline_mode<synchronous>, transform_indices = @transform_10, window_bounds = array<i64: 1, 128>}, {pipeline_mode = #tpu.pipeline_mode<synchronous>, transform_indices = @transform_11, window_bounds = array<i64: 1, 128>}, {pipeline_mode = #tpu.pipeline_mode<synchronous>, transform_indices = @transform_12, window_bounds = array<i64: 1, 128>}, {pipeline_mode = #tpu.pipeline_mode<synchronous>, transform_indices = @transform_13, window_bounds = array<i64: 128, 128>}, {pipeline_mode = #tpu.pipeline_mode<synchronous>, transform_indices = @transform_14, window_bounds = array<i64: 1, 128>}, {pipeline_mode = #tpu.pipeline_mode<synchronous>, transform_indices = @transform_15, window_bounds = array<i64: 128, 128>}, {pipeline_mode = #tpu.pipeline_mode<synchronous>, transform_indices = @transform_16, window_bounds = array<i64: 4, 128>}, {pipeline_mode = #tpu.pipeline_mode<synchronous>, transform_indices = @transform_17, window_bounds = array<i64: 80, 128>}, {pipeline_mode = #tpu.pipeline_mode<synchronous>, transform_indices = @transform_18, window_bounds = array<i64: 128, 128>}, {pipeline_mode = #tpu.pipeline_mode<synchronous>, transform_indices = @transform_19, window_bounds = array<i64: 1, 128>}, {pipeline_mode = #tpu.pipeline_mode<synchronous>, transform_indices = @transform_20, window_bounds = array<i64: 1, 128>}, {pipeline_mode = #tpu.pipeline_mode<synchronous>, transform_indices = @transform_21, window_bounds = array<i64: 1, 128>}, {pipeline_mode = #tpu.pipeline_mode<synchronous>, transform_indices = @transform_22, window_bounds = array<i64: 128, 16>}, {pipeline_mode = #tpu.pipeline_mode<synchronous>, transform_indices = @transform_23, window_bounds = array<i64: 1, 16>}, {pipeline_mode = #tpu.pipeline_mode<synchronous>, transform_indices = @transform_24, window_bounds = array<i64: 128, 128>}, {pipeline_mode = #tpu.pipeline_mode<synchronous>, transform_indices = @transform_25, window_bounds = array<i64: 1, 128>}, {pipeline_mode = #tpu.pipeline_mode<synchronous>, transform_indices = @transform_26, window_bounds = array<i64: 1, 128>}, {pipeline_mode = #tpu.pipeline_mode<synchronous>, transform_indices = @transform_27, window_bounds = array<i64: 1, 128>}, {pipeline_mode = #tpu.pipeline_mode<synchronous>, transform_indices = @transform_28, window_bounds = array<i64: 128, 128>}, {pipeline_mode = #tpu.pipeline_mode<synchronous>, transform_indices = @transform_29, window_bounds = array<i64: 1, 128>}, {transform_indices = @transform_30, window_bounds = array<i64: 128, 3>}]} {
    %get3A = arith.constant 0 : index
    %get3A_0 = arith.constant 0 : index
    %get3A_1 = vector.load %arg1[%get3A, %get3A_0] : memref<128x128xf32, #tpu.memory_space<vmem>>, vector<128x128xf32>
    %get3A_2 = arith.constant 0 : index
    %get3A_3 = arith.constant 0 : index
    %get3A_4 = vector.load %arg2[%get3A_2, %get3A_3] : memref<128x3xf32, #tpu.memory_space<vmem>>, vector<128x3xf32>
    %get3A_5 = arith.constant 0 : index
    %get3A_6 = arith.constant 0 : index
    %get3A_7 = vector.load %arg4[%get3A_5, %get3A_6] : memref<4096x128xf32, #tpu.memory_space<vmem>>, vector<4096x128xf32>
    %get3A_8 = arith.constant 0 : index
    %get3A_9 = arith.constant 0 : index
    %get3A_10 = vector.load %arg5[%get3A_8, %get3A_9] : memref<4096x128xf32, #tpu.memory_space<vmem>>, vector<4096x128xf32>
    %slice3A = vector.extract_strided_slice %get3A_7 {offsets = [0, 64], sizes = [4096, 3], strides = [1, 1]} : vector<4096x128xf32> to vector<4096x3xf32>
    %slice3A_11 = vector.extract_strided_slice %get3A_7 {offsets = [0, 67], sizes = [4096, 1], strides = [1, 1]} : vector<4096x128xf32> to vector<4096x1xf32>
    %get3A_12 = arith.constant 0 : index
    %get3A_13 = arith.constant 0 : index
    %get3A_14 = vector.load %arg6[%get3A_12, %get3A_13] : memref<4096x24xf32, #tpu.memory_space<vmem>>, vector<4096x24xf32>
    %slice3A_15 = vector.extract_strided_slice %get3A_14 {offsets = [0, 0], sizes = [4096, 20], strides = [1, 1]} : vector<4096x24xf32> to vector<4096x20xf32>
    %slice3A_16 = vector.extract_strided_slice %get3A_14 {offsets = [0, 20], sizes = [4096, 1], strides = [1, 1]} : vector<4096x24xf32> to vector<4096x1xf32>
    %broadcast_in_dim3A = vector.shape_cast %get3A_4 : vector<128x3xf32> to vector<128x1x3xf32>
    %broadcast_in_dim3A_17 = vector.shape_cast %broadcast_in_dim3A : vector<128x1x3xf32> to vector<128x1x3xf32>
    %broadcast_in_dim3A_18 = vector.broadcast %broadcast_in_dim3A_17 : vector<128x1x3xf32> to vector<128x32x3xf32>
    %reshape3A = vector.shape_cast %broadcast_in_dim3A_18 : vector<128x32x3xf32> to vector<4096x3xf32>
    %sub3A = arith.subf %reshape3A, %slice3A : vector<4096x3xf32>
    %get3A_19 = arith.constant 0 : index
    %get3A_20 = arith.constant 0 : index
    %get3A_21 = vector.load %arg3[%get3A_19, %get3A_20] : memref<128x1xf32, #tpu.memory_space<vmem>>, vector<128x1xf32>
    %broadcast_in_dim3A_22 = vector.shape_cast %get3A_21 : vector<128x1xf32> to vector<128x1x1xf32>
    %broadcast_in_dim3A_23 = vector.shape_cast %broadcast_in_dim3A_22 : vector<128x1x1xf32> to vector<128x1x1xf32>
    %broadcast_in_dim3A_24 = vector.broadcast %broadcast_in_dim3A_23 : vector<128x1x1xf32> to vector<128x32x1xf32>
    %reshape3A_25 = vector.shape_cast %broadcast_in_dim3A_24 : vector<128x32x1xf32> to vector<4096x1xf32>
    %sub3A_26 = arith.constant 1.000000e+00 : f32
    %sub3A_27 = vector.broadcast %sub3A_26 : f32 to vector<4096x1xf32>
    %sub3A_28 = arith.subf %sub3A_27, %slice3A_11 : vector<4096x1xf32>
    %mul3A = arith.constant 2.000000e+00 : f32
    %mul3A_29 = vector.broadcast %mul3A : f32 to vector<4096x1xf32>
    %mul3A_30 = arith.mulf %sub3A_28, %mul3A_29 : vector<4096x1xf32>
    %sub3A_31 = arith.constant 1.000000e+00 : f32
    %sub3A_32 = vector.broadcast %sub3A_31 : f32 to vector<4096x1xf32>
    %sub3A_33 = arith.subf %sub3A_32, %reshape3A_25 : vector<4096x1xf32>
    %add3A = arith.addf %mul3A_30, %sub3A_33 : vector<4096x1xf32>
    %eq3A = arith.constant 0.000000e+00 : f32
    %eq3A_34 = vector.broadcast %eq3A : f32 to vector<4096x1xf32>
    %eq3A_35 = arith.cmpf oeq, %add3A, %eq3A_34 : vector<4096x1xf32>
    %convert_element_type3A = arith.extui %eq3A_35 : vector<4096x1xi1> to vector<4096x1xi32>
    %convert_element_type3A_36 = arith.sitofp %convert_element_type3A : vector<4096x1xi32> to vector<4096x1xf32>
    %eq3A_37 = arith.constant 1.000000e+00 : f32
    %eq3A_38 = vector.broadcast %eq3A_37 : f32 to vector<4096x1xf32>
    %eq3A_39 = arith.cmpf oeq, %add3A, %eq3A_38 : vector<4096x1xf32>
    %convert_element_type3A_40 = arith.extui %eq3A_39 : vector<4096x1xi1> to vector<4096x1xi32>
    %convert_element_type3A_41 = arith.sitofp %convert_element_type3A_40 : vector<4096x1xi32> to vector<4096x1xf32>
    %eq3A_42 = arith.constant 2.000000e+00 : f32
    %eq3A_43 = vector.broadcast %eq3A_42 : f32 to vector<4096x1xf32>
    %eq3A_44 = arith.cmpf oeq, %add3A, %eq3A_43 : vector<4096x1xf32>
    %convert_element_type3A_45 = arith.extui %eq3A_44 : vector<4096x1xi1> to vector<4096x1xi32>
    %convert_element_type3A_46 = arith.sitofp %convert_element_type3A_45 : vector<4096x1xi32> to vector<4096x1xf32>
    %eq3A_47 = arith.constant 3.000000e+00 : f32
    %eq3A_48 = vector.broadcast %eq3A_47 : f32 to vector<4096x1xf32>
    %eq3A_49 = arith.cmpf oeq, %add3A, %eq3A_48 : vector<4096x1xf32>
    %convert_element_type3A_50 = arith.extui %eq3A_49 : vector<4096x1xi1> to vector<4096x1xi32>
    %convert_element_type3A_51 = arith.sitofp %convert_element_type3A_50 : vector<4096x1xi32> to vector<4096x1xf32>
    %get3A_52 = arith.constant 0 : index
    %get3A_53 = arith.constant 0 : index
    %get3A_54 = vector.load %arg7[%get3A_52, %get3A_53] : memref<128x128xf32, #tpu.memory_space<vmem>>, vector<128x128xf32>
    %dot_general3A = arith.constant dense<0.000000e+00> : vector<128x128xf32>
    %dot_general3A_55 = tpu.matmul %get3A_1, %get3A_54, %dot_general3A {dimension_numbers = #tpu.dot_dimension_numbers<[1], [0], [0], [1], [0, 0, 1, 1], [], []>, transpose_lhs_hint = false} : vector<128x128xf32>, vector<128x128xf32>, vector<128x128xf32> -> vector<128x128xf32>
    %broadcast_in_dim3A_56 = vector.shape_cast %dot_general3A_55 : vector<128x128xf32> to vector<128x1x128xf32>
    %broadcast_in_dim3A_57 = vector.shape_cast %broadcast_in_dim3A_56 : vector<128x1x128xf32> to vector<128x1x128xf32>
    %broadcast_in_dim3A_58 = vector.broadcast %broadcast_in_dim3A_57 : vector<128x1x128xf32> to vector<128x32x128xf32>
    %reshape3A_59 = vector.shape_cast %broadcast_in_dim3A_58 : vector<128x32x128xf32> to vector<4096x128xf32>
    %get3A_60 = arith.constant 0 : index
    %get3A_61 = arith.constant 0 : index
    %get3A_62 = vector.load %arg8[%get3A_60, %get3A_61] : memref<4x128xf32, #tpu.memory_space<vmem>>, vector<4x128xf32>
    %get3A_63 = arith.constant 0 : index
    %get3A_64 = arith.constant 0 : index
    %get3A_65 = vector.load %arg9[%get3A_63, %get3A_64] : memref<80x128xf32, #tpu.memory_space<vmem>>, vector<80x128xf32>
    %get3A_66 = arith.constant 0 : index
    %get3A_67 = arith.constant 0 : index
    %get3A_68 = vector.load %arg10[%get3A_66, %get3A_67] : memref<128x128xf32, #tpu.memory_space<vmem>>, vector<128x128xf32>
    %get3A_69 = arith.constant 0 : index
    %get3A_70 = arith.constant 0 : index
    %get3A_71 = vector.load %arg11[%get3A_69, %get3A_70] : memref<1x128xf32, #tpu.memory_space<vmem>>, vector<1x128xf32>
    %get3A_72 = arith.constant 0 : index
    %get3A_73 = arith.constant 0 : index
    %get3A_74 = vector.load %arg12[%get3A_72, %get3A_73] : memref<1x128xf32, #tpu.memory_space<vmem>>, vector<1x128xf32>
    %get3A_75 = arith.constant 0 : index
    %get3A_76 = arith.constant 0 : index
    %get3A_77 = vector.load %arg13[%get3A_75, %get3A_76] : memref<1x128xf32, #tpu.memory_space<vmem>>, vector<1x128xf32>
    %get3A_78 = arith.constant 0 : index
    %get3A_79 = arith.constant 0 : index
    %get3A_80 = vector.load %arg14[%get3A_78, %get3A_79] : memref<128x128xf32, #tpu.memory_space<vmem>>, vector<128x128xf32>
    %get3A_81 = arith.constant 0 : index
    %get3A_82 = arith.constant 0 : index
    %get3A_83 = vector.load %arg15[%get3A_81, %get3A_82] : memref<1x128xf32, #tpu.memory_space<vmem>>, vector<1x128xf32>
    %dot_general3A_84 = arith.constant dense<0.000000e+00> : vector<4096x128xf32>
    %dot_general3A_85 = tpu.matmul %get3A_10, %get3A_68, %dot_general3A_84 {dimension_numbers = #tpu.dot_dimension_numbers<[1], [0], [0], [1], [0, 0, 1, 1], [], []>, transpose_lhs_hint = false} : vector<4096x128xf32>, vector<128x128xf32>, vector<4096x128xf32> -> vector<4096x128xf32>
    %add3A_86 = arith.addf %reshape3A_59, %dot_general3A_85 : vector<4096x128xf32>
    %add3A_87 = vector.broadcast %get3A_71 : vector<1x128xf32> to vector<4096x128xf32>
    %add3A_88 = arith.addf %add3A_86, %add3A_87 : vector<4096x128xf32>
    %slice3A_89 = vector.extract_strided_slice %get3A_65 {offsets = [0, 0], sizes = [20, 128], strides = [1, 1]} : vector<80x128xf32> to vector<20x128xf32>
    %dot_general3A_90 = arith.constant dense<0.000000e+00> : vector<4096x128xf32>
    %dot_general3A_91 = tpu.matmul %slice3A_15, %slice3A_89, %dot_general3A_90 {dimension_numbers = #tpu.dot_dimension_numbers<[1], [0], [0], [1], [0, 0, 1, 1], [], []>, transpose_lhs_hint = false} : vector<4096x20xf32>, vector<20x128xf32>, vector<4096x128xf32> -> vector<4096x128xf32>
    %slice3A_92 = vector.extract_strided_slice %get3A_62 {offsets = [0, 0], sizes = [1, 128], strides = [1, 1]} : vector<4x128xf32> to vector<1x128xf32>
    %add3A_93 = vector.broadcast %slice3A_92 : vector<1x128xf32> to vector<4096x128xf32>
    %add3A_94 = arith.addf %dot_general3A_91, %add3A_93 : vector<4096x128xf32>
    %mul3A_95 = vector.broadcast %convert_element_type3A_36 : vector<4096x1xf32> to vector<4096x128xf32>
    %mul3A_96 = arith.mulf %mul3A_95, %add3A_94 : vector<4096x128xf32>
    %add3A_97 = arith.addf %add3A_88, %mul3A_96 : vector<4096x128xf32>
    %slice3A_98 = vector.extract_strided_slice %get3A_65 {offsets = [20, 0], sizes = [20, 128], strides = [1, 1]} : vector<80x128xf32> to vector<20x128xf32>
    %dot_general3A_99 = arith.constant dense<0.000000e+00> : vector<4096x128xf32>
    %dot_general3A_100 = tpu.matmul %slice3A_15, %slice3A_98, %dot_general3A_99 {dimension_numbers = #tpu.dot_dimension_numbers<[1], [0], [0], [1], [0, 0, 1, 1], [], []>, transpose_lhs_hint = false} : vector<4096x20xf32>, vector<20x128xf32>, vector<4096x128xf32> -> vector<4096x128xf32>
    %slice3A_101 = vector.extract_strided_slice %get3A_62 {offsets = [1, 0], sizes = [1, 128], strides = [1, 1]} : vector<4x128xf32> to vector<1x128xf32>
    %add3A_102 = vector.broadcast %slice3A_101 : vector<1x128xf32> to vector<4096x128xf32>
    %add3A_103 = arith.addf %dot_general3A_100, %add3A_102 : vector<4096x128xf32>
    %mul3A_104 = vector.broadcast %convert_element_type3A_41 : vector<4096x1xf32> to vector<4096x128xf32>
    %mul3A_105 = arith.mulf %mul3A_104, %add3A_103 : vector<4096x128xf32>
    %add3A_106 = arith.addf %add3A_97, %mul3A_105 : vector<4096x128xf32>
    %slice3A_107 = vector.extract_strided_slice %get3A_65 {offsets = [40, 0], sizes = [20, 128], strides = [1, 1]} : vector<80x128xf32> to vector<20x128xf32>
    %dot_general3A_108 = arith.constant dense<0.000000e+00> : vector<4096x128xf32>
    %dot_general3A_109 = tpu.matmul %slice3A_15, %slice3A_107, %dot_general3A_108 {dimension_numbers = #tpu.dot_dimension_numbers<[1], [0], [0], [1], [0, 0, 1, 1], [], []>, transpose_lhs_hint = false} : vector<4096x20xf32>, vector<20x128xf32>, vector<4096x128xf32> -> vector<4096x128xf32>
    %slice3A_110 = vector.extract_strided_slice %get3A_62 {offsets = [2, 0], sizes = [1, 128], strides = [1, 1]} : vector<4x128xf32> to vector<1x128xf32>
    %add3A_111 = vector.broadcast %slice3A_110 : vector<1x128xf32> to vector<4096x128xf32>
    %add3A_112 = arith.addf %dot_general3A_109, %add3A_111 : vector<4096x128xf32>
    %mul3A_113 = vector.broadcast %convert_element_type3A_46 : vector<4096x1xf32> to vector<4096x128xf32>
    %mul3A_114 = arith.mulf %mul3A_113, %add3A_112 : vector<4096x128xf32>
    %add3A_115 = arith.addf %add3A_106, %mul3A_114 : vector<4096x128xf32>
    %slice3A_116 = vector.extract_strided_slice %get3A_65 {offsets = [60, 0], sizes = [20, 128], strides = [1, 1]} : vector<80x128xf32> to vector<20x128xf32>
    %dot_general3A_117 = arith.constant dense<0.000000e+00> : vector<4096x128xf32>
    %dot_general3A_118 = tpu.matmul %slice3A_15, %slice3A_116, %dot_general3A_117 {dimension_numbers = #tpu.dot_dimension_numbers<[1], [0], [0], [1], [0, 0, 1, 1], [], []>, transpose_lhs_hint = false} : vector<4096x20xf32>, vector<20x128xf32>, vector<4096x128xf32> -> vector<4096x128xf32>
    %slice3A_119 = vector.extract_strided_slice %get3A_62 {offsets = [3, 0], sizes = [1, 128], strides = [1, 1]} : vector<4x128xf32> to vector<1x128xf32>
    %add3A_120 = vector.broadcast %slice3A_119 : vector<1x128xf32> to vector<4096x128xf32>
    %add3A_121 = arith.addf %dot_general3A_118, %add3A_120 : vector<4096x128xf32>
    %mul3A_122 = vector.broadcast %convert_element_type3A_51 : vector<4096x1xf32> to vector<4096x128xf32>
    %mul3A_123 = arith.mulf %mul3A_122, %add3A_121 : vector<4096x128xf32>
    %add3A_124 = arith.addf %add3A_115, %mul3A_123 : vector<4096x128xf32>
    %reduce_sum3A = arith.constant dense<0.000000e+00> : vector<4096xf32>
    %reduce_sum3A_125 = vector.multi_reduction <add>, %add3A_124, %reduce_sum3A [1] : vector<4096x128xf32> to vector<4096xf32>
    %broadcast_in_dim3A_126 = vector.shape_cast %reduce_sum3A_125 : vector<4096xf32> to vector<4096x1xf32>
    %div3A = arith.constant 1.280000e+02 : f32
    %div3A_127 = vector.broadcast %div3A : f32 to vector<4096x1xf32>
    %div3A_128 = arith.divf %broadcast_in_dim3A_126, %div3A_127 : vector<4096x1xf32>
    %sub3A_129 = vector.broadcast %div3A_128 : vector<4096x1xf32> to vector<4096x128xf32>
    %sub3A_130 = arith.subf %add3A_124, %sub3A_129 : vector<4096x128xf32>
    %mul3A_131 = arith.mulf %sub3A_130, %sub3A_130 : vector<4096x128xf32>
    %reduce_sum3A_132 = arith.constant dense<0.000000e+00> : vector<4096xf32>
    %reduce_sum3A_133 = vector.multi_reduction <add>, %mul3A_131, %reduce_sum3A_132 [1] : vector<4096x128xf32> to vector<4096xf32>
    %broadcast_in_dim3A_134 = vector.shape_cast %reduce_sum3A_133 : vector<4096xf32> to vector<4096x1xf32>
    %div3A_135 = arith.constant 1.280000e+02 : f32
    %div3A_136 = vector.broadcast %div3A_135 : f32 to vector<4096x1xf32>
    %div3A_137 = arith.divf %broadcast_in_dim3A_134, %div3A_136 : vector<4096x1xf32>
    %add3A_138 = arith.constant 9.99999974E-6 : f32
    %add3A_139 = vector.broadcast %add3A_138 : f32 to vector<4096x1xf32>
    %add3A_140 = arith.addf %div3A_137, %add3A_139 : vector<4096x1xf32>
    %rsqrt3A = math.rsqrt %add3A_140 : vector<4096x1xf32>
    %mul3A_141 = vector.broadcast %rsqrt3A : vector<4096x1xf32> to vector<4096x128xf32>
    %mul3A_142 = arith.mulf %sub3A_130, %mul3A_141 : vector<4096x128xf32>
    %mul3A_143 = vector.broadcast %get3A_74 : vector<1x128xf32> to vector<4096x128xf32>
    %mul3A_144 = arith.mulf %mul3A_142, %mul3A_143 : vector<4096x128xf32>
    %add3A_145 = vector.broadcast %get3A_77 : vector<1x128xf32> to vector<4096x128xf32>
    %add3A_146 = arith.addf %mul3A_144, %add3A_145 : vector<4096x128xf32>
    %max3A = arith.constant 0.000000e+00 : f32
    %max3A_147 = vector.broadcast %max3A : f32 to vector<4096x128xf32>
    %max3A_148 = arith.maximumf %add3A_146, %max3A_147 : vector<4096x128xf32>
    %dot_general3A_149 = arith.constant dense<0.000000e+00> : vector<4096x128xf32>
    %dot_general3A_150 = tpu.matmul %max3A_148, %get3A_80, %dot_general3A_149 {dimension_numbers = #tpu.dot_dimension_numbers<[1], [0], [0], [1], [0, 0, 1, 1], [], []>, transpose_lhs_hint = false} : vector<4096x128xf32>, vector<128x128xf32>, vector<4096x128xf32> -> vector<4096x128xf32>
    %add3A_151 = vector.broadcast %get3A_83 : vector<1x128xf32> to vector<4096x128xf32>
    %add3A_152 = arith.addf %dot_general3A_150, %add3A_151 : vector<4096x128xf32>
    %get3A_153 = arith.constant 0 : index
    %get3A_154 = arith.constant 0 : index
    %get3A_155 = vector.load %arg16[%get3A_153, %get3A_154] : memref<128x128xf32, #tpu.memory_space<vmem>>, vector<128x128xf32>
    %dot_general3A_156 = arith.constant dense<0.000000e+00> : vector<128x128xf32>
    %dot_general3A_157 = tpu.matmul %get3A_1, %get3A_155, %dot_general3A_156 {dimension_numbers = #tpu.dot_dimension_numbers<[1], [0], [0], [1], [0, 0, 1, 1], [], []>, transpose_lhs_hint = false} : vector<128x128xf32>, vector<128x128xf32>, vector<128x128xf32> -> vector<128x128xf32>
    %broadcast_in_dim3A_158 = vector.shape_cast %dot_general3A_157 : vector<128x128xf32> to vector<128x1x128xf32>
    %broadcast_in_dim3A_159 = vector.shape_cast %broadcast_in_dim3A_158 : vector<128x1x128xf32> to vector<128x1x128xf32>
    %broadcast_in_dim3A_160 = vector.broadcast %broadcast_in_dim3A_159 : vector<128x1x128xf32> to vector<128x32x128xf32>
    %reshape3A_161 = vector.shape_cast %broadcast_in_dim3A_160 : vector<128x32x128xf32> to vector<4096x128xf32>
    %get3A_162 = arith.constant 0 : index
    %get3A_163 = arith.constant 0 : index
    %get3A_164 = vector.load %arg17[%get3A_162, %get3A_163] : memref<4x128xf32, #tpu.memory_space<vmem>>, vector<4x128xf32>
    %get3A_165 = arith.constant 0 : index
    %get3A_166 = arith.constant 0 : index
    %get3A_167 = vector.load %arg18[%get3A_165, %get3A_166] : memref<80x128xf32, #tpu.memory_space<vmem>>, vector<80x128xf32>
    %get3A_168 = arith.constant 0 : index
    %get3A_169 = arith.constant 0 : index
    %get3A_170 = vector.load %arg19[%get3A_168, %get3A_169] : memref<128x128xf32, #tpu.memory_space<vmem>>, vector<128x128xf32>
    %get3A_171 = arith.constant 0 : index
    %get3A_172 = arith.constant 0 : index
    %get3A_173 = vector.load %arg20[%get3A_171, %get3A_172] : memref<1x128xf32, #tpu.memory_space<vmem>>, vector<1x128xf32>
    %get3A_174 = arith.constant 0 : index
    %get3A_175 = arith.constant 0 : index
    %get3A_176 = vector.load %arg21[%get3A_174, %get3A_175] : memref<1x128xf32, #tpu.memory_space<vmem>>, vector<1x128xf32>
    %get3A_177 = arith.constant 0 : index
    %get3A_178 = arith.constant 0 : index
    %get3A_179 = vector.load %arg22[%get3A_177, %get3A_178] : memref<1x128xf32, #tpu.memory_space<vmem>>, vector<1x128xf32>
    %get3A_180 = arith.constant 0 : index
    %get3A_181 = arith.constant 0 : index
    %get3A_182 = vector.load %arg23[%get3A_180, %get3A_181] : memref<128x16xf32, #tpu.memory_space<vmem>>, vector<128x16xf32>
    %get3A_183 = arith.constant 0 : index
    %get3A_184 = arith.constant 0 : index
    %get3A_185 = vector.load %arg24[%get3A_183, %get3A_184] : memref<1x16xf32, #tpu.memory_space<vmem>>, vector<1x16xf32>
    %dot_general3A_186 = arith.constant dense<0.000000e+00> : vector<4096x128xf32>
    %dot_general3A_187 = tpu.matmul %get3A_10, %get3A_170, %dot_general3A_186 {dimension_numbers = #tpu.dot_dimension_numbers<[1], [0], [0], [1], [0, 0, 1, 1], [], []>, transpose_lhs_hint = false} : vector<4096x128xf32>, vector<128x128xf32>, vector<4096x128xf32> -> vector<4096x128xf32>
    %add3A_188 = arith.addf %reshape3A_161, %dot_general3A_187 : vector<4096x128xf32>
    %add3A_189 = vector.broadcast %get3A_173 : vector<1x128xf32> to vector<4096x128xf32>
    %add3A_190 = arith.addf %add3A_188, %add3A_189 : vector<4096x128xf32>
    %slice3A_191 = vector.extract_strided_slice %get3A_167 {offsets = [0, 0], sizes = [20, 128], strides = [1, 1]} : vector<80x128xf32> to vector<20x128xf32>
    %dot_general3A_192 = arith.constant dense<0.000000e+00> : vector<4096x128xf32>
    %dot_general3A_193 = tpu.matmul %slice3A_15, %slice3A_191, %dot_general3A_192 {dimension_numbers = #tpu.dot_dimension_numbers<[1], [0], [0], [1], [0, 0, 1, 1], [], []>, transpose_lhs_hint = false} : vector<4096x20xf32>, vector<20x128xf32>, vector<4096x128xf32> -> vector<4096x128xf32>
    %slice3A_194 = vector.extract_strided_slice %get3A_164 {offsets = [0, 0], sizes = [1, 128], strides = [1, 1]} : vector<4x128xf32> to vector<1x128xf32>
    %add3A_195 = vector.broadcast %slice3A_194 : vector<1x128xf32> to vector<4096x128xf32>
    %add3A_196 = arith.addf %dot_general3A_193, %add3A_195 : vector<4096x128xf32>
    %mul3A_197 = vector.broadcast %convert_element_type3A_36 : vector<4096x1xf32> to vector<4096x128xf32>
    %mul3A_198 = arith.mulf %mul3A_197, %add3A_196 : vector<4096x128xf32>
    %add3A_199 = arith.addf %add3A_190, %mul3A_198 : vector<4096x128xf32>
    %slice3A_200 = vector.extract_strided_slice %get3A_167 {offsets = [20, 0], sizes = [20, 128], strides = [1, 1]} : vector<80x128xf32> to vector<20x128xf32>
    %dot_general3A_201 = arith.constant dense<0.000000e+00> : vector<4096x128xf32>
    %dot_general3A_202 = tpu.matmul %slice3A_15, %slice3A_200, %dot_general3A_201 {dimension_numbers = #tpu.dot_dimension_numbers<[1], [0], [0], [1], [0, 0, 1, 1], [], []>, transpose_lhs_hint = false} : vector<4096x20xf32>, vector<20x128xf32>, vector<4096x128xf32> -> vector<4096x128xf32>
    %slice3A_203 = vector.extract_strided_slice %get3A_164 {offsets = [1, 0], sizes = [1, 128], strides = [1, 1]} : vector<4x128xf32> to vector<1x128xf32>
    %add3A_204 = vector.broadcast %slice3A_203 : vector<1x128xf32> to vector<4096x128xf32>
    %add3A_205 = arith.addf %dot_general3A_202, %add3A_204 : vector<4096x128xf32>
    %mul3A_206 = vector.broadcast %convert_element_type3A_41 : vector<4096x1xf32> to vector<4096x128xf32>
    %mul3A_207 = arith.mulf %mul3A_206, %add3A_205 : vector<4096x128xf32>
    %add3A_208 = arith.addf %add3A_199, %mul3A_207 : vector<4096x128xf32>
    %slice3A_209 = vector.extract_strided_slice %get3A_167 {offsets = [40, 0], sizes = [20, 128], strides = [1, 1]} : vector<80x128xf32> to vector<20x128xf32>
    %dot_general3A_210 = arith.constant dense<0.000000e+00> : vector<4096x128xf32>
    %dot_general3A_211 = tpu.matmul %slice3A_15, %slice3A_209, %dot_general3A_210 {dimension_numbers = #tpu.dot_dimension_numbers<[1], [0], [0], [1], [0, 0, 1, 1], [], []>, transpose_lhs_hint = false} : vector<4096x20xf32>, vector<20x128xf32>, vector<4096x128xf32> -> vector<4096x128xf32>
    %slice3A_212 = vector.extract_strided_slice %get3A_164 {offsets = [2, 0], sizes = [1, 128], strides = [1, 1]} : vector<4x128xf32> to vector<1x128xf32>
    %add3A_213 = vector.broadcast %slice3A_212 : vector<1x128xf32> to vector<4096x128xf32>
    %add3A_214 = arith.addf %dot_general3A_211, %add3A_213 : vector<4096x128xf32>
    %mul3A_215 = vector.broadcast %convert_element_type3A_46 : vector<4096x1xf32> to vector<4096x128xf32>
    %mul3A_216 = arith.mulf %mul3A_215, %add3A_214 : vector<4096x128xf32>
    %add3A_217 = arith.addf %add3A_208, %mul3A_216 : vector<4096x128xf32>
    %slice3A_218 = vector.extract_strided_slice %get3A_167 {offsets = [60, 0], sizes = [20, 128], strides = [1, 1]} : vector<80x128xf32> to vector<20x128xf32>
    %dot_general3A_219 = arith.constant dense<0.000000e+00> : vector<4096x128xf32>
    %dot_general3A_220 = tpu.matmul %slice3A_15, %slice3A_218, %dot_general3A_219 {dimension_numbers = #tpu.dot_dimension_numbers<[1], [0], [0], [1], [0, 0, 1, 1], [], []>, transpose_lhs_hint = false} : vector<4096x20xf32>, vector<20x128xf32>, vector<4096x128xf32> -> vector<4096x128xf32>
    %slice3A_221 = vector.extract_strided_slice %get3A_164 {offsets = [3, 0], sizes = [1, 128], strides = [1, 1]} : vector<4x128xf32> to vector<1x128xf32>
    %add3A_222 = vector.broadcast %slice3A_221 : vector<1x128xf32> to vector<4096x128xf32>
    %add3A_223 = arith.addf %dot_general3A_220, %add3A_222 : vector<4096x128xf32>
    %mul3A_224 = vector.broadcast %convert_element_type3A_51 : vector<4096x1xf32> to vector<4096x128xf32>
    %mul3A_225 = arith.mulf %mul3A_224, %add3A_223 : vector<4096x128xf32>
    %add3A_226 = arith.addf %add3A_217, %mul3A_225 : vector<4096x128xf32>
    %reduce_sum3A_227 = arith.constant dense<0.000000e+00> : vector<4096xf32>
    %reduce_sum3A_228 = vector.multi_reduction <add>, %add3A_226, %reduce_sum3A_227 [1] : vector<4096x128xf32> to vector<4096xf32>
    %broadcast_in_dim3A_229 = vector.shape_cast %reduce_sum3A_228 : vector<4096xf32> to vector<4096x1xf32>
    %div3A_230 = arith.constant 1.280000e+02 : f32
    %div3A_231 = vector.broadcast %div3A_230 : f32 to vector<4096x1xf32>
    %div3A_232 = arith.divf %broadcast_in_dim3A_229, %div3A_231 : vector<4096x1xf32>
    %sub3A_233 = vector.broadcast %div3A_232 : vector<4096x1xf32> to vector<4096x128xf32>
    %sub3A_234 = arith.subf %add3A_226, %sub3A_233 : vector<4096x128xf32>
    %mul3A_235 = arith.mulf %sub3A_234, %sub3A_234 : vector<4096x128xf32>
    %reduce_sum3A_236 = arith.constant dense<0.000000e+00> : vector<4096xf32>
    %reduce_sum3A_237 = vector.multi_reduction <add>, %mul3A_235, %reduce_sum3A_236 [1] : vector<4096x128xf32> to vector<4096xf32>
    %broadcast_in_dim3A_238 = vector.shape_cast %reduce_sum3A_237 : vector<4096xf32> to vector<4096x1xf32>
    %div3A_239 = arith.constant 1.280000e+02 : f32
    %div3A_240 = vector.broadcast %div3A_239 : f32 to vector<4096x1xf32>
    %div3A_241 = arith.divf %broadcast_in_dim3A_238, %div3A_240 : vector<4096x1xf32>
    %add3A_242 = arith.constant 9.99999974E-6 : f32
    %add3A_243 = vector.broadcast %add3A_242 : f32 to vector<4096x1xf32>
    %add3A_244 = arith.addf %div3A_241, %add3A_243 : vector<4096x1xf32>
    %rsqrt3A_245 = math.rsqrt %add3A_244 : vector<4096x1xf32>
    %mul3A_246 = vector.broadcast %rsqrt3A_245 : vector<4096x1xf32> to vector<4096x128xf32>
    %mul3A_247 = arith.mulf %sub3A_234, %mul3A_246 : vector<4096x128xf32>
    %mul3A_248 = vector.broadcast %get3A_176 : vector<1x128xf32> to vector<4096x128xf32>
    %mul3A_249 = arith.mulf %mul3A_247, %mul3A_248 : vector<4096x128xf32>
    %add3A_250 = vector.broadcast %get3A_179 : vector<1x128xf32> to vector<4096x128xf32>
    %add3A_251 = arith.addf %mul3A_249, %add3A_250 : vector<4096x128xf32>
    %max3A_252 = arith.constant 0.000000e+00 : f32
    %max3A_253 = vector.broadcast %max3A_252 : f32 to vector<4096x128xf32>
    %max3A_254 = arith.maximumf %add3A_251, %max3A_253 : vector<4096x128xf32>
    %dot_general3A_255 = arith.constant dense<0.000000e+00> : vector<4096x16xf32>
    %dot_general3A_256 = tpu.matmul %max3A_254, %get3A_182, %dot_general3A_255 {dimension_numbers = #tpu.dot_dimension_numbers<[1], [0], [0], [1], [0, 0, 1, 1], [], []>, transpose_lhs_hint = false} : vector<4096x128xf32>, vector<128x16xf32>, vector<4096x16xf32> -> vector<4096x16xf32>
    %add3A_257 = vector.broadcast %get3A_185 : vector<1x16xf32> to vector<4096x16xf32>
    %add3A_258 = arith.addf %dot_general3A_256, %add3A_257 : vector<4096x16xf32>
    %mul3A_259 = vector.broadcast %slice3A_16 : vector<4096x1xf32> to vector<4096x16xf32>
    %mul3A_260 = arith.mulf %add3A_258, %mul3A_259 : vector<4096x16xf32>
    %get3A_261 = arith.constant 0 : index
    %get3A_262 = arith.constant 0 : index
    %get3A_263 = vector.load %arg25[%get3A_261, %get3A_262] : memref<128x128xf32, #tpu.memory_space<vmem>>, vector<128x128xf32>
    %get3A_264 = arith.constant 0 : index
    %get3A_265 = arith.constant 0 : index
    %get3A_266 = vector.load %arg26[%get3A_264, %get3A_265] : memref<1x128xf32, #tpu.memory_space<vmem>>, vector<1x128xf32>
    %get3A_267 = arith.constant 0 : index
    %get3A_268 = arith.constant 0 : index
    %get3A_269 = vector.load %arg27[%get3A_267, %get3A_268] : memref<1x128xf32, #tpu.memory_space<vmem>>, vector<1x128xf32>
    %get3A_270 = arith.constant 0 : index
    %get3A_271 = arith.constant 0 : index
    %get3A_272 = vector.load %arg28[%get3A_270, %get3A_271] : memref<1x128xf32, #tpu.memory_space<vmem>>, vector<1x128xf32>
    %get3A_273 = arith.constant 0 : index
    %get3A_274 = arith.constant 0 : index
    %get3A_275 = vector.load %arg29[%get3A_273, %get3A_274] : memref<128x128xf32, #tpu.memory_space<vmem>>, vector<128x128xf32>
    %get3A_276 = arith.constant 0 : index
    %get3A_277 = arith.constant 0 : index
    %get3A_278 = vector.load %arg30[%get3A_276, %get3A_277] : memref<1x128xf32, #tpu.memory_space<vmem>>, vector<1x128xf32>
    %dot_general3A_279 = arith.constant dense<0.000000e+00> : vector<128x128xf32>
    %dot_general3A_280 = tpu.matmul %get3A_1, %get3A_263, %dot_general3A_279 {dimension_numbers = #tpu.dot_dimension_numbers<[1], [0], [0], [1], [0, 0, 1, 1], [], []>, transpose_lhs_hint = false} : vector<128x128xf32>, vector<128x128xf32>, vector<128x128xf32> -> vector<128x128xf32>
    %add3A_281 = vector.broadcast %get3A_266 : vector<1x128xf32> to vector<128x128xf32>
    %add3A_282 = arith.addf %dot_general3A_280, %add3A_281 : vector<128x128xf32>
    %reduce_sum3A_283 = arith.constant dense<0.000000e+00> : vector<128xf32>
    %reduce_sum3A_284 = vector.multi_reduction <add>, %add3A_282, %reduce_sum3A_283 [1] : vector<128x128xf32> to vector<128xf32>
    %broadcast_in_dim3A_285 = vector.shape_cast %reduce_sum3A_284 : vector<128xf32> to vector<128x1xf32>
    %div3A_286 = arith.constant 1.280000e+02 : f32
    %div3A_287 = vector.broadcast %div3A_286 : f32 to vector<128x1xf32>
    %div3A_288 = arith.divf %broadcast_in_dim3A_285, %div3A_287 : vector<128x1xf32>
    %sub3A_289 = vector.broadcast %div3A_288 : vector<128x1xf32> to vector<128x128xf32>
    %sub3A_290 = arith.subf %add3A_282, %sub3A_289 : vector<128x128xf32>
    %mul3A_291 = arith.mulf %sub3A_290, %sub3A_290 : vector<128x128xf32>
    %reduce_sum3A_292 = arith.constant dense<0.000000e+00> : vector<128xf32>
    %reduce_sum3A_293 = vector.multi_reduction <add>, %mul3A_291, %reduce_sum3A_292 [1] : vector<128x128xf32> to vector<128xf32>
    %broadcast_in_dim3A_294 = vector.shape_cast %reduce_sum3A_293 : vector<128xf32> to vector<128x1xf32>
    %div3A_295 = arith.constant 1.280000e+02 : f32
    %div3A_296 = vector.broadcast %div3A_295 : f32 to vector<128x1xf32>
    %div3A_297 = arith.divf %broadcast_in_dim3A_294, %div3A_296 : vector<128x1xf32>
    %add3A_298 = arith.constant 9.99999974E-6 : f32
    %add3A_299 = vector.broadcast %add3A_298 : f32 to vector<128x1xf32>
    %add3A_300 = arith.addf %div3A_297, %add3A_299 : vector<128x1xf32>
    %rsqrt3A_301 = math.rsqrt %add3A_300 : vector<128x1xf32>
    %mul3A_302 = vector.broadcast %rsqrt3A_301 : vector<128x1xf32> to vector<128x128xf32>
    %mul3A_303 = arith.mulf %sub3A_290, %mul3A_302 : vector<128x128xf32>
    %mul3A_304 = vector.broadcast %get3A_269 : vector<1x128xf32> to vector<128x128xf32>
    %mul3A_305 = arith.mulf %mul3A_303, %mul3A_304 : vector<128x128xf32>
    %add3A_306 = vector.broadcast %get3A_272 : vector<1x128xf32> to vector<128x128xf32>
    %add3A_307 = arith.addf %mul3A_305, %add3A_306 : vector<128x128xf32>
    %max3A_308 = arith.constant 0.000000e+00 : f32
    %max3A_309 = vector.broadcast %max3A_308 : f32 to vector<128x128xf32>
    %max3A_310 = arith.maximumf %add3A_307, %max3A_309 : vector<128x128xf32>
    %dot_general3A_311 = arith.constant dense<0.000000e+00> : vector<128x128xf32>
    %dot_general3A_312 = tpu.matmul %max3A_310, %get3A_275, %dot_general3A_311 {dimension_numbers = #tpu.dot_dimension_numbers<[1], [0], [0], [1], [0, 0, 1, 1], [], []>, transpose_lhs_hint = false} : vector<128x128xf32>, vector<128x128xf32>, vector<128x128xf32> -> vector<128x128xf32>
    %add3A_313 = vector.broadcast %get3A_278 : vector<1x128xf32> to vector<128x128xf32>
    %add3A_314 = arith.addf %dot_general3A_312, %add3A_313 : vector<128x128xf32>
    %iota3A = tpu.iota {dimensions = array<i32: 0>} : vector<128x16xi32>
    %iota3A_315 = tpu.iota {dimensions = array<i32: 1>} : vector<128x16xi32>
    %jit3A = arith.constant 8 : i32
    %div3A_316 = vector.broadcast %jit3A : i32 to vector<128x16xi32>
    %div3A_317 = arith.divsi %iota3A, %div3A_316 : vector<128x16xi32>
    %sign3A = arith.constant 0 : i32
    %sign3A_318 = vector.broadcast %sign3A : i32 to vector<128x16xi32>
    %sign3A_319 = arith.cmpi sgt, %iota3A, %sign3A_318 : vector<128x16xi32>
    %sign3A_320 = arith.extui %sign3A_319 : vector<128x16xi1> to vector<128x16xi32>
    %sign3A_321 = arith.constant 0 : i32
    %sign3A_322 = vector.broadcast %sign3A_321 : i32 to vector<128x16xi32>
    %sign3A_323 = arith.cmpi slt, %iota3A, %sign3A_322 : vector<128x16xi32>
    %sign3A_324 = arith.extui %sign3A_323 : vector<128x16xi1> to vector<128x16xi32>
    %sign3A_325 = arith.subi %sign3A_320, %sign3A_324 : vector<128x16xi32>
    %sign3A_326 = arith.constant 0 : i32
    %sign3A_327 = arith.cmpi sgt, %jit3A, %sign3A_326 : i32
    %sign3A_328 = arith.extui %sign3A_327 : i1 to i32
    %sign3A_329 = arith.constant 0 : i32
    %sign3A_330 = arith.cmpi slt, %jit3A, %sign3A_329 : i32
    %sign3A_331 = arith.extui %sign3A_330 : i1 to i32
    %sign3A_332 = arith.subi %sign3A_328, %sign3A_331 : i32
    %ne3A = vector.broadcast %sign3A_332 : i32 to vector<128x16xi32>
    %ne3A_333 = arith.cmpi ne, %sign3A_325, %ne3A : vector<128x16xi32>
    %rem3A = vector.broadcast %jit3A : i32 to vector<128x16xi32>
    %rem3A_334 = arith.remsi %iota3A, %rem3A : vector<128x16xi32>
    %ne3A_335 = arith.constant 0 : i32
    %ne3A_336 = vector.broadcast %ne3A_335 : i32 to vector<128x16xi32>
    %ne3A_337 = arith.cmpi ne, %rem3A_334, %ne3A_336 : vector<128x16xi32>
    %and3A = arith.andi %ne3A_333, %ne3A_337 : vector<128x16xi1>
    %sub3A_338 = arith.constant 1 : i32
    %sub3A_339 = vector.broadcast %sub3A_338 : i32 to vector<128x16xi32>
    %sub3A_340 = arith.subi %div3A_317, %sub3A_339 : vector<128x16xi32>
    %select_n3A = arith.select %and3A, %sub3A_340, %div3A_317 : vector<128x16xi1>, vector<128x16xi32>
    %eq3A_341 = arith.cmpi eq, %select_n3A, %iota3A_315 : vector<128x16xi32>
    %convert_element_type3A_342 = arith.extui %eq3A_341 : vector<128x16xi1> to vector<128x16xi32>
    %convert_element_type3A_343 = arith.sitofp %convert_element_type3A_342 : vector<128x16xi32> to vector<128x16xf32>
    %broadcast_in_dim3A_344 = vector.shape_cast %add3A_314 : vector<128x128xf32> to vector<128x1x128xf32>
    %broadcast_in_dim3A_345 = vector.shape_cast %broadcast_in_dim3A_344 : vector<128x1x128xf32> to vector<128x1x128xf32>
    %broadcast_in_dim3A_346 = vector.broadcast %broadcast_in_dim3A_345 : vector<128x1x128xf32> to vector<128x32x128xf32>
    %reshape3A_347 = vector.shape_cast %broadcast_in_dim3A_346 : vector<128x32x128xf32> to vector<4096x128xf32>
    %mul3A_348 = arith.mulf %reshape3A_347, %add3A_152 : vector<4096x128xf32>
    %dot_general3A_349 = arith.constant dense<0.000000e+00> : vector<4096x16xf32>
    %dot_general3A_350 = tpu.matmul %mul3A_348, %convert_element_type3A_343, %dot_general3A_349 {dimension_numbers = #tpu.dot_dimension_numbers<[1], [0], [0], [1], [0, 0, 1, 1], [], []>, transpose_lhs_hint = false} : vector<4096x128xf32>, vector<128x16xf32>, vector<4096x16xf32> -> vector<4096x16xf32>
    %mul3A_351 = arith.constant 0.353553385 : f32
    %mul3A_352 = vector.broadcast %mul3A_351 : f32 to vector<4096x16xf32>
    %mul3A_353 = arith.mulf %dot_general3A_350, %mul3A_352 : vector<4096x16xf32>
    %reshape3A_354 = vector.shape_cast %mul3A_353 : vector<4096x16xf32> to vector<128x32x16xf32>
    %reduce_max3A = arith.constant dense<0xFF800000> : vector<128x16xf32>
    %reduce_max3A_355 = vector.multi_reduction <maximumf>, %reshape3A_354, %reduce_max3A [1] : vector<128x32x16xf32> to vector<128x16xf32>
    %broadcast_in_dim3A_356 = vector.shape_cast %reduce_max3A_355 : vector<128x16xf32> to vector<128x1x16xf32>
    %sub3A_357 = vector.broadcast %broadcast_in_dim3A_356 : vector<128x1x16xf32> to vector<128x32x16xf32>
    %sub3A_358 = arith.subf %reshape3A_354, %sub3A_357 : vector<128x32x16xf32>
    %exp3A = math.exp %sub3A_358 : vector<128x32x16xf32>
    %reduce_sum3A_359 = arith.constant dense<0.000000e+00> : vector<128x16xf32>
    %reduce_sum3A_360 = vector.multi_reduction <add>, %exp3A, %reduce_sum3A_359 [1] : vector<128x32x16xf32> to vector<128x16xf32>
    %broadcast_in_dim3A_361 = vector.shape_cast %reduce_sum3A_360 : vector<128x16xf32> to vector<128x1x16xf32>
    %add3A_362 = arith.constant 1.000000e-16 : f32
    %add3A_363 = vector.broadcast %add3A_362 : f32 to vector<128x1x16xf32>
    %add3A_364 = arith.addf %broadcast_in_dim3A_361, %add3A_363 : vector<128x1x16xf32>
    %div3A_365 = vector.broadcast %add3A_364 : vector<128x1x16xf32> to vector<128x32x16xf32>
    %div3A_366 = arith.divf %exp3A, %div3A_365 : vector<128x32x16xf32>
    %reshape3A_367 = vector.shape_cast %div3A_366 : vector<128x32x16xf32> to vector<4096x16xf32>
    %mul3A_368 = arith.mulf %reshape3A_367, %mul3A_260 : vector<4096x16xf32>
    %reduce_sum3A_369 = arith.constant dense<0.000000e+00> : vector<4096xf32>
    %reduce_sum3A_370 = vector.multi_reduction <add>, %mul3A_368, %reduce_sum3A_369 [1] : vector<4096x16xf32> to vector<4096xf32>
    %broadcast_in_dim3A_371 = vector.shape_cast %reduce_sum3A_370 : vector<4096xf32> to vector<4096x1xf32>
    %mul3A_372 = arith.constant 6.250000e-02 : f32
    %mul3A_373 = vector.broadcast %mul3A_372 : f32 to vector<4096x1xf32>
    %mul3A_374 = arith.mulf %broadcast_in_dim3A_371, %mul3A_373 : vector<4096x1xf32>
    %mul3A_375 = vector.broadcast %mul3A_374 : vector<4096x1xf32> to vector<4096x3xf32>
    %mul3A_376 = arith.mulf %mul3A_375, %sub3A : vector<4096x3xf32>
    %reshape3A_377 = vector.shape_cast %mul3A_376 : vector<4096x3xf32> to vector<128x32x3xf32>
    %reduce_sum3A_378 = arith.constant dense<0.000000e+00> : vector<128x3xf32>
    %reduce_sum3A_379 = vector.multi_reduction <add>, %reshape3A_377, %reduce_sum3A_378 [1] : vector<128x32x3xf32> to vector<128x3xf32>
    %add3A_380 = arith.addf %get3A_4, %reduce_sum3A_379 : vector<128x3xf32>
    %swap3A = arith.constant 0 : index
    %swap3A_381 = arith.constant 0 : index
    %swap3A_382 = vector.load %arg31[%swap3A, %swap3A_381] : memref<128x3xf32, #tpu.memory_space<vmem>>, vector<128x3xf32>
    tpu.vector_store %arg31[%swap3A, %swap3A_381], %add3A_380 {strides = array<i32>} : memref<128x3xf32, #tpu.memory_space<vmem>>, vector<128x3xf32>,
    return
  }
  func.func @transform_0(%arg0: i32) -> (i32, i32) {
    %c0_i32 = arith.constant 0 : i32
    %c0_i32_0 = arith.constant 0 : i32
    return %arg0, %c0_i32 : i32, i32
  }
  func.func @transform_1(%arg0: i32) -> (i32, i32) {
    %c0_i32 = arith.constant 0 : i32
    %c0_i32_0 = arith.constant 0 : i32
    return %arg0, %c0_i32 : i32, i32
  }
  func.func @transform_2(%arg0: i32) -> (i32, i32) {
    %c0_i32 = arith.constant 0 : i32
    %c0_i32_0 = arith.constant 0 : i32
    return %arg0, %c0_i32 : i32, i32
  }
  func.func @transform_3(%arg0: i32) -> (i32, i32) {
    %c0_i32 = arith.constant 0 : i32
    %c0_i32_0 = arith.constant 0 : i32
    return %arg0, %c0_i32 : i32, i32
  }
  func.func @transform_4(%arg0: i32) -> (i32, i32) {
    %c0_i32 = arith.constant 0 : i32
    %c0_i32_0 = arith.constant 0 : i32
    return %arg0, %c0_i32 : i32, i32
  }
  func.func @transform_5(%arg0: i32) -> (i32, i32) {
    %c0_i32 = arith.constant 0 : i32
    %c0_i32_0 = arith.constant 0 : i32
    return %arg0, %c0_i32 : i32, i32
  }
  func.func @transform_6(%arg0: i32) -> (i32, i32) {
    %c0_i32 = arith.constant 0 : i32
    %c0_i32_0 = arith.constant 0 : i32
    %c0_i32_1 = arith.constant 0 : i32
    return %c0_i32, %c0_i32_0 : i32, i32
  }
  func.func @transform_7(%arg0: i32) -> (i32, i32) {
    %c0_i32 = arith.constant 0 : i32
    %c0_i32_0 = arith.constant 0 : i32
    %c0_i32_1 = arith.constant 0 : i32
    return %c0_i32, %c0_i32_0 : i32, i32
  }
  func.func @transform_8(%arg0: i32) -> (i32, i32) {
    %c0_i32 = arith.constant 0 : i32
    %c0_i32_0 = arith.constant 0 : i32
    %c0_i32_1 = arith.constant 0 : i32
    return %c0_i32, %c0_i32_0 : i32, i32
  }
  func.func @transform_9(%arg0: i32) -> (i32, i32) {
    %c0_i32 = arith.constant 0 : i32
    %c0_i32_0 = arith.constant 0 : i32
    %c0_i32_1 = arith.constant 0 : i32
    return %c0_i32, %c0_i32_0 : i32, i32
  }
  func.func @transform_10(%arg0: i32) -> (i32, i32) {
    %c0_i32 = arith.constant 0 : i32
    %c0_i32_0 = arith.constant 0 : i32
    %c0_i32_1 = arith.constant 0 : i32
    return %c0_i32, %c0_i32_0 : i32, i32
  }
  func.func @transform_11(%arg0: i32) -> (i32, i32) {
    %c0_i32 = arith.constant 0 : i32
    %c0_i32_0 = arith.constant 0 : i32
    %c0_i32_1 = arith.constant 0 : i32
    return %c0_i32, %c0_i32_0 : i32, i32
  }
  func.func @transform_12(%arg0: i32) -> (i32, i32) {
    %c0_i32 = arith.constant 0 : i32
    %c0_i32_0 = arith.constant 0 : i32
    %c0_i32_1 = arith.constant 0 : i32
    return %c0_i32, %c0_i32_0 : i32, i32
  }
  func.func @transform_13(%arg0: i32) -> (i32, i32) {
    %c0_i32 = arith.constant 0 : i32
    %c0_i32_0 = arith.constant 0 : i32
    %c0_i32_1 = arith.constant 0 : i32
    return %c0_i32, %c0_i32_0 : i32, i32
  }
  func.func @transform_14(%arg0: i32) -> (i32, i32) {
    %c0_i32 = arith.constant 0 : i32
    %c0_i32_0 = arith.constant 0 : i32
    %c0_i32_1 = arith.constant 0 : i32
    return %c0_i32, %c0_i32_0 : i32, i32
  }
  func.func @transform_15(%arg0: i32) -> (i32, i32) {
    %c0_i32 = arith.constant 0 : i32
    %c0_i32_0 = arith.constant 0 : i32
    %c0_i32_1 = arith.constant 0 : i32
    return %c0_i32, %c0_i32_0 : i32, i32
  }
  func.func @transform_16(%arg0: i32) -> (i32, i32) {
    %c0_i32 = arith.constant 0 : i32
    %c0_i32_0 = arith.constant 0 : i32
    %c0_i32_1 = arith.constant 0 : i32
    return %c0_i32, %c0_i32_0 : i32, i32
  }
  func.func @transform_17(%arg0: i32) -> (i32, i32) {
    %c0_i32 = arith.constant 0 : i32
    %c0_i32_0 = arith.constant 0 : i32
    %c0_i32_1 = arith.constant 0 : i32
    return %c0_i32, %c0_i32_0 : i32, i32
  }
  func.func @transform_18(%arg0: i32) -> (i32, i32) {
    %c0_i32 = arith.constant 0 : i32
    %c0_i32_0 = arith.constant 0 : i32
    %c0_i32_1 = arith.constant 0 : i32
    return %c0_i32, %c0_i32_0 : i32, i32
  }
  func.func @transform_19(%arg0: i32) -> (i32, i32) {
    %c0_i32 = arith.constant 0 : i32
    %c0_i32_0 = arith.constant 0 : i32
    %c0_i32_1 = arith.constant 0 : i32
    return %c0_i32, %c0_i32_0 : i32, i32
  }
  func.func @transform_20(%arg0: i32) -> (i32, i32) {
    %c0_i32 = arith.constant 0 : i32
    %c0_i32_0 = arith.constant 0 : i32
    %c0_i32_1 = arith.constant 0 : i32
    return %c0_i32, %c0_i32_0 : i32, i32
  }
  func.func @transform_21(%arg0: i32) -> (i32, i32) {
    %c0_i32 = arith.constant 0 : i32
    %c0_i32_0 = arith.constant 0 : i32
    %c0_i32_1 = arith.constant 0 : i32
    return %c0_i32, %c0_i32_0 : i32, i32
  }
  func.func @transform_22(%arg0: i32) -> (i32, i32) {
    %c0_i32 = arith.constant 0 : i32
    %c0_i32_0 = arith.constant 0 : i32
    %c0_i32_1 = arith.constant 0 : i32
    return %c0_i32, %c0_i32_0 : i32, i32
  }
  func.func @transform_23(%arg0: i32) -> (i32, i32) {
    %c0_i32 = arith.constant 0 : i32
    %c0_i32_0 = arith.constant 0 : i32
    %c0_i32_1 = arith.constant 0 : i32
    return %c0_i32, %c0_i32_0 : i32, i32
  }
  func.func @transform_24(%arg0: i32) -> (i32, i32) {
    %c0_i32 = arith.constant 0 : i32
    %c0_i32_0 = arith.constant 0 : i32
    %c0_i32_1 = arith.constant 0 : i32
    return %c0_i32, %c0_i32_0 : i32, i32
  }
  func.func @transform_25(%arg0: i32) -> (i32, i32) {
    %c0_i32 = arith.constant 0 : i32
    %c0_i32_0 = arith.constant 0 : i32
    %c0_i32_1 = arith.constant 0 : i32
    return %c0_i32, %c0_i32_0 : i32, i32
  }
  func.func @transform_26(%arg0: i32) -> (i32, i32) {
    %c0_i32 = arith.constant 0 : i32
    %c0_i32_0 = arith.constant 0 : i32
    %c0_i32_1 = arith.constant 0 : i32
    return %c0_i32, %c0_i32_0 : i32, i32
  }
  func.func @transform_27(%arg0: i32) -> (i32, i32) {
    %c0_i32 = arith.constant 0 : i32
    %c0_i32_0 = arith.constant 0 : i32
    %c0_i32_1 = arith.constant 0 : i32
    return %c0_i32, %c0_i32_0 : i32, i32
  }
  func.func @transform_28(%arg0: i32) -> (i32, i32) {
    %c0_i32 = arith.constant 0 : i32
    %c0_i32_0 = arith.constant 0 : i32
    %c0_i32_1 = arith.constant 0 : i32
    return %c0_i32, %c0_i32_0 : i32, i32
  }
  func.func @transform_29(%arg0: i32) -> (i32, i32) {
    %c0_i32 = arith.constant 0 : i32
    %c0_i32_0 = arith.constant 0 : i32
    %c0_i32_1 = arith.constant 0 : i32
    return %c0_i32, %c0_i32_0 : i32, i32
  }
  func.func @transform_30(%arg0: i32) -> (i32, i32) {
    %c0_i32 = arith.constant 0 : i32
    %c0_i32_0 = arith.constant 0 : i32
    return %arg0, %c0_i32 : i32, i32
  }
}

</mosaic_0001>

<sc_bundles>
// kernel: kernel.10.cloned.1.call-start
scs
__scs_entry_jumppad:
0x0: {  	(pc) =	sbr.rel $0x88, $3  }
0x1: {  	(tag) =	ssettag $0x0;
	lr =	simm.s32 $0x1  }
0x2: {  	[smem:$0x3F6D] =	sst lr;
	_ =	strace $0xD0000000  }
0x3: {  	_ = 	snop  }
0x4: {  	_ = 	snop  }
0x5: {  	_ = 	snop  }
0x6: {  	_ = 	snop  }
0x7: {  	_ = 	snop  }
__scs_overlays_trampoline_lowered:
0x8: {  	[smem:$0x3F7C] =	sst s0  }
0x9: {  	[smem:$0x3F7D] =	sst s1  }
0xa: {  	[smem:$0x3F7E] =	sst s2  }
0xb: {  	[smem:$0x3F7F] =	sst s3  }
0xc: {  	[smem:$0x3F80] =	sst s4  }
0xd: {  	[smem:$0x3F81] =	sst s5  }
0xe: {  	[smem:$0x3F82] =	sst s6  }
0xf: {  	[smem:$0x3F83] =	sst s7  }
0x10: {  	[smem:$0x3F84] =	sst s8  }
0x11: {  	[smem:$0x3F85] =	sst s9;
	s0 =	simm.s32 @!p0 $0x0  }
0x12: {  	s1 =	sld [smem:$0x3F6B];
	s0 =	simm.s32 @p0 $0x1  }
0x13: {  	[smem:$0x3F86] =	sst s0;
	s0 =	simm.s32 @!p1 $0x0  }
0x14: {  	s2 =	sld [smem:$0x3F6A];
	s0 =	simm.s32 @p1 $0x1  }
0x15: {  	[smem:$0x3F87] =	sst s0;
	s0 =	simm.s32 @!p2 $0x0  }
0x16: {  	s3 =	sld [smem:$0x3FDB];
	s0 =	simm.s32 @p2 $0x1  }
0x17: {  	s4 =	simm.s32 $0x1BF5;
	[smem:$0x3F89] =	sst s0  }
0x18: {  	s0 =	sld [smem:$0x3F6C];
	_ =	swait.ge [sflag:s4], $0x0  }
0x19: {  	s7 =	sld [smem:$0x3F6D]  }
0x1a: {  	s8 =	sadd.s32 $0xFFFFE003, lr  }
0x1b: {  	s9 =	sadd.s32 $0xFFFFFEF7, lr;
	s5 =	simm.s32 $0xFFFFFFFF;
	p2 =	slt.u32 s8, $0xFFFFF086  }
0x1c: {  	p1 =	slt.u32 s9, $0xF7A;
	s5 =	simm.s32 @!p2 $0x0  }
0x1d: {  	s5 =	simm.s32 @p1 $0x1;
	p0 =	seq.s32 s7, s2  }
0x1e: {  	s7 =	smul.u32 @!p0 $0xF7A, s2;
	p2 =	seq.s32 @!p0 s5, $0x0  }
0x1f: {  	s9 =	smul.u32 $0xF7A, s1;
	s8 =	simm.s32 @!p0 $0x1BF5;
	p2 =	por !p2, p0  }
0x20: {  	[sflag:s8] =	ssyncset.s32 @!p0 $0xFFFFF086;
	s6 =	sadd.s32 @!p0 s3, s7;
	s7 =	simm.s32 @!p0 $0x108  }
0x21: {  	s3 =	sadd.s32 s3, s9;
	s6 =	sadd.s32 @!p0 $0x88, s6;
	s7 =	simm.s32 @p2 $0x1082  }
0x22: {  	[simem:s7], [sflag:s8] =	dma.local @!p0 [hbm:s6], $0xF7A  }
0x23: {  	s9 =	sor.u32 $0xD0000000, s2;
	s6 =	simm.s32 $0x108;
	_ =	swait.ge @!p0 [sflag:s8], $0x0  }
0x24: {  	s3 =	sadd.s32 $0x88, s3;
	s6 =	simm.s32 @!p1 $0x1082;
	[sflag:s4] =	ssyncset.s32 $0xFFFFF086  }
0x25: {  	[simem:s6], [sflag:s4] =	dma.local [hbm:s3], $0xF7A  }
0x26: {  	[smem:$0x3F6D] =	sst s1;
	(tag) =	ssettag s2;
	_ =	strace s9  }
0x27: {  	s1 =	sld [smem:$0x3F7D]  }
0x28: {  	s2 =	sld [smem:$0x3F7E]  }
0x29: {  	s4 =	sld [smem:$0x3F80]  }
0x2a: {  	p0 =	seq.s32 s5, $0x0;
	s5 =	sld [smem:$0x3F81]  }
0x2b: {  	s6 =	sld [smem:$0x3F82]  }
0x2c: {  	s7 =	sld [smem:$0x3F83]  }
0x2d: {  	s3 =	simm.s32 $0x108;
	s8 =	sld [smem:$0x3F84]  }
0x2e: {  	s3 =	simm.s32 @!p0 $0x1082;
	s9 =	sld [smem:$0x3F85]  }
0x2f: {  	lr =	sadd.s32 s0, s3;
	s0 =	sld [smem:$0x3F7C]  }
0x30: {  	s3 =	sld [smem:$0x3F7F]  }
0x31: {  	[smem:$0x3F88] =	sst s10  }
0x32: {  	s10 =	sld [smem:$0x3F86];
	_ =	sdelay $0x3  }
0x33: {  	p0 =	seq.s32 s10, $0x1;
	s10 =	sld [smem:$0x3F88];
	_ =	sdelay $0x3  }
0x34: {  	[smem:$0x3F88] =	sst s10  }
0x35: {  	s10 =	sld [smem:$0x3F87];
	_ =	sdelay $0x3  }
0x36: {  	p1 =	seq.s32 s10, $0x1;
	s10 =	sld [smem:$0x3F88];
	_ =	sdelay $0x3  }
0x37: {  	[smem:$0x3F88] =	sst s10  }
0x38: {  	s10 =	sld [smem:$0x3F89]  }
0x39: {  	_ = 	snop;
	(pc) =	sbr.ind lr, $3  }
0x3a: {  	_ = 	snop  }
0x3b: {  	_ = 	snop  }
0x3c: {  	p2 =	seq.s32 s10, $0x1;
	s10 =	sld [smem:$0x3F88]  }
0x3d: {  	_ =	shalt  }
0x3e: {  	_ =	shalt  }
0x3f: {  	_ =	shalt  }
0x40: {  	_ =	shalt  }
0x41: {  	_ =	shalt  }
0x42: {  	_ =	shalt  }
0x43: {  	_ =	shalt  }
0x44: {  	_ =	shalt  }
0x45: {  	_ =	shalt  }
0x46: {  	_ =	shalt  }
0x47: {  	_ =	shalt  }
0x48: {  	_ =	shalt  }
0x49: {  	_ =	shalt  }
0x4a: {  	_ =	shalt  }
0x4b: {  	_ =	shalt  }
0x4c: {  	_ =	shalt  }
0x4d: {  	_ =	shalt  }
0x4e: {  	_ =	shalt  }
0x4f: {  	_ =	shalt  }
0x50: {  	_ =	shalt  }
0x51: {  	_ =	shalt  }
0x52: {  	_ =	shalt  }
0x53: {  	_ =	shalt  }
0x54: {  	_ =	shalt  }
0x55: {  	_ =	shalt  }
0x56: {  	_ =	shalt  }
0x57: {  	_ =	shalt  }
0x58: {  	_ =	shalt  }
0x59: {  	_ =	shalt  }
0x5a: {  	_ =	shalt  }
0x5b: {  	_ =	shalt  }
0x5c: {  	_ =	shalt  }
0x5d: {  	_ =	shalt  }
0x5e: {  	_ =	shalt  }
0x5f: {  	_ =	shalt  }
0x60: {  	_ =	shalt  }
0x61: {  	_ =	shalt  }
0x62: {  	_ =	shalt  }
0x63: {  	_ =	shalt  }
0x64: {  	_ =	shalt  }
0x65: {  	_ =	shalt  }
0x66: {  	_ =	shalt  }
0x67: {  	_ =	shalt  }
0x68: {  	_ =	shalt  }
0x69: {  	_ =	shalt  }
0x6a: {  	_ =	shalt  }
0x6b: {  	_ =	shalt  }
0x6c: {  	_ =	shalt  }
0x6d: {  	_ =	shalt  }
0x6e: {  	_ =	shalt  }
0x6f: {  	_ =	shalt  }
0x70: {  	_ =	shalt  }
0x71: {  	_ =	shalt  }
0x72: {  	_ =	shalt  }
0x73: {  	_ =	shalt  }
0x74: {  	_ =	shalt  }
0x75: {  	_ =	shalt  }
0x76: {  	_ =	shalt  }
0x77: {  	_ =	shalt  }
0x78: {  	_ =	shalt  }
0x79: {  	_ =	shalt  }
0x7a: {  	_ =	shalt  }
0x7b: {  	_ =	shalt  }
0x7c: {  	_ =	shalt  }
0x7d: {  	_ =	shalt  }
0x7e: {  	_ =	shalt  }
0x7f: {  	_ =	shalt  }
0x80: {  	_ =	shalt  }
0x81: {  	_ =	shalt  }
0x82: {  	_ =	shalt  }
0x83: {  	_ =	shalt  }
0x84: {  	_ =	shalt  }
0x85: {  	_ =	shalt  }
0x86: {  	_ =	shalt  }
0x87: {  	_ =	shalt  }
.Lfunc_end0:
.L_simem_size_0:
called_computation.1_lowered:
.L_overlay_start_0:
0x88: {  	s2 =	sld [smem:$0x3FD9]  }
0x89: {  	s3 =	sld [smem:$0x3FFE];
	_ =	sdelay $0x1  }
0x8a: {  	s1 =	srdreg.scid  }
0x8b: {  	s0 =	sand.u32 $0x1, s1  }
0x8c: {  	s16 =	sshll.u32 s0, $0xA;
	s2 =	sadd.s32 s3, s2  }
0x8d: {  	s2 =	sadd.s32 s2, s16  }
0x8e: {  	[smem:$0x3F94] =	sst s2  }
0x8f: {  	_ = 	snop  }
0x90: {  	(tm) =	ssettm $0x1  }
0x91: {  	s17 =	sld [smem:$0x3FFB];
	_ =	sdelay $0x3  }
0x92: {  	_ =	strace s17  }
0x93: {  	s2 =	sld [smem:$0x3FFC];
	_ =	sdelay $0x3  }
0x94: {  	_ =	strace s2  }
0x95: {  	s2 =	sld [smem:$0x3FFD];
	_ =	sdelay $0x3  }
0x96: {  	_ =	strace s2  }
0x97: {  	_ =	strace $0x8FFFFFFF  }
0x98: {  	s18 =	sld [smem:$0x3FDB];
	_ =	sdelay $0x1  }
0x99: {  	s19 =	simm.s32 $_scs_section_size  }
0x9a: {  	s4 =	simm.s32 $_size__tile_overlayer_lowered;
	s5 =	simm.s32 $_tile_overlayer_lowered  }
0x9b: {  	s22 =	simm.s32 $0x1BFF;
	s21 =	sshll.u32 s5, $0x1;
	s2 =	sadd.s32 s19, s18  }
0x9c: {  	s6 =	simm.s32 $0x0;
	s20 =	sshll.u32 s4, $0x1;
	s4 =	sadd.s32 s21, s2  }
0x9d: {  	[timem:s6], [sflag:s22] =	dma.local [hbm:s4], s20  }
0x9e: {  	_ =	swait.ge [sflag:s22], s20  }
0x9f: {  	s3 =	ssub.s32 $0x0, s20;
	[sflag:s22] =	ssyncset.done $0x0  }
0xa0: {  	[sflag:s22] =	ssyncadd.s32 s3;
	_ =	sdelay $0x1  }
0xa1: {  	s23 =	simm.s32 $0x1B8B  }
0xa2: {  	_ =	swait.ge [sflag:s23], $0x1  }
0xa3: {  	[sflag:s23] =	ssyncset.done $0x0  }
0xa4: {  	s25 =	simm.s32 $0x1B8E;
	s24 =	sld [smem:$0x3FFE];
	[sflag:s23] =	ssyncadd.s32 $0xFFFFFFFF  }
0xa5: {  	s26 =	simm.s32 $execute0_lowered;
	[smem:$0x3FD2] =	sst s25  }
0xa6: {  	s4 =	sshll.u32 s26, $0x1;
	_ =	strace $0x80000049;
	[dreg:$0x1] =	wrdreg $0xFFFFFFFF  }
0xa7: {  	s28 =	simm.s32 $_size_execute0_lowered;
	s2 =	sadd.s32 s2, s4;
	[dreg:$0x0] =	wrdreg $0x0  }
0xa8: {  	s4 =	sshll.u32 s28, $0x1;
	[dreg:$0x2] =	wrdreg s2  }
0xa9: {  	[dreg:$0x3] =	wrdreg s4  }
0xaa: {  	[dreg:$0x4] =	wrdreg $0xC0  }
0xab: {  	_ =	task [dreg:s6], $0x5FFFF  }
0xac: {  	[dreg:$0x1] =	wrdreg $0xFFFFFFFF  }
0xad: {  	[dreg:$0x0] =	wrdreg $0x60  }
0xae: {  	[dreg:$0x2] =	wrdreg s24  }
0xaf: {  	[dreg:$0x3] =	wrdreg $0x9  }
0xb0: {  	_ =	task.clear_ibuf [dreg:s6], $0x4FFFF;
	_ =	strace $0x90000049  }
0xb1: {  	s29 =	simm.s32 $0x9;
	_ =	strace $0x8000004B  }
0xb2: {  	_ =	swait.ge [sflag:s29], $0x1  }
0xb3: {  	[sflag:s29] =	ssyncadd.s32 $0xFFFFFFFF  }
0xb4: {  	_ =	strace $0x9000004B  }
0xb5: {  	_ =	sfence  }
0xb6: {  	s30 =	sld [smem:$0x0];
	_ =	sdelay $0x2  }
0xb7: {  	s31 =	sshll.u32 s1, $0xD;
	s1 =	sshrl.u32 s1, $0x2  }
0xb8: {  	s3 =	sand.u32 $0x4000, s31;
	s1 =	sadd.s32 s1, s30  }
0xb9: {  	s0 =	sor.u32 s3, s0;
	s1 =	sshll.u32 s1, $0x11  }
0xba: {  	s0 =	sor.u32 s1, s0  }
0xbb: {  	s0 =	sadd.s32 $0x8F2B, s0  }
0xbc: {  	[sflag:s0] =	ssyncadd.remote.s32 $0x1  }
0xbd: {  	_ =	sfence.sel $0xFFFF  }
0xbe: {  	[dreg:$0x0] =	wrdreg $0xFFFFFFFF;
	(pc) =	sbr.abs _section_cstart, $3  }
0xbf: {  	[dreg:$0x1] =	wrdreg $0xFFFFFFFF  }
0xc0: {  	_ =	task.clear_ibuf [dreg:s6], $0x2FFFF;
	_ =	strace $0x9FFFFFFF  }
0xc1: {  	(tm) =	ssettm $0x7FFFFFFF  }
tec
execute0_lowered:
.L_overlay_start_1:
0x0: {  	(tag) =	ssettag $0x1  }
0x1: {  	s4 =	rddreg [dreg:$0x0]  }
0x2: {  	s0 =	rddreg [dreg:$0x1];
	s3 =	srdreg.scid  }
0x3: {  	s1 =	stileid.u32;
	s2 =	simm.s32 $0x0;
	s16 =	simm.s32 $0x4100  }
0x4: {  	s17 =	simm.s32 $0x1;
	s18 =	simm.s32 $0x3;
	s9 =	smul.u32 $0x280000, s1  }
0x5: {  	s19 =	simm.s32 $0x2;
	s20 =	simm.s32 $0x4;
	s14 =	smul.u32 $0x5000, s1  }
0x6: {  	s21 =	simm.s32 $0x0;
	s10 =	sand.u32 $0x1, s3;
	s15 =	smul.u32 $0x50000, s1  }
0x7: {  	s28 =	sshll.u32 s1, $0x1;
	[smem:$0x7FF] =	sst s2;
	s13 =	smul.u32 $0x140000, s10  }
0x8: {  	s3 =	sadd.s32 $0x63800, s4;
	s12 =	sadd.s32 $0x31800, s4;
	s31 =	smul.u32 $0x2800, s10  }
0x9: {  	s5 =	sor.u32 s10, s28;
	s6 =	ssub.s32 $0x2, s10;
	s10 =	smul.u32 $0x28000, s10  }
0xa: {  	s11 =	sadd.s32 $0xA8B800, s4;
	s7 =	smul.u32 $0x2800, s5;
	s8 =	sshrl.u32 s6, $0x1  }
0xb: {  	_ =	strace $0x8000004A;
	s5 =	smul.u32 $0x140000, s5;
	s8 =	ssub.s32 s6, s8  }
0xc: {  	s9 =	sadd.s32 s13, s9;
	s13 =	sadd.s32 s31, s14;
	s29 =	sshrl.u32 s7, $0x3  }
0xd: {  	s5 =	sshrl.u32 s5, $0x3;
	s8 =	smax.u32 s8, $0x1;
	s9 =	sshrl.u32 s9, $0x3  }
0xe: {  	s14 =	sor.u32 $0x180, s13;
	s13 =	sor.u32 $0x100, s13;
	s4 =	sadd.s32 s12, s29  }
0xf: {  	s30 =	sadd.s32 s11, s5;
	s9 =	sadd.s32 s9, s11;
	s11 =	sadd.s32 s15, s11  }
0x10: {  	s14 =	sshrl.u32 s14, $0x3;
	s13 =	sshrl.u32 s13, $0x3;
	s15 =	simm.s32 $0x100  }
0x11: {  	s5 =	sadd.s32 $0x10, s4;
	s6 =	sadd.s32 $0x27000, s30;
	s7 =	sadd.s32 $0x27800, s30  }
0x12: {  	s11 =	sadd.s32 s10, s11;
	s10 =	sadd.s32 s14, s12;
	s12 =	sadd.s32 s13, s12  }
0x13: {  	s13 =	simm.s32 $0x5;
	s14 =	simm.s32 $0x80;
	s11 =	sadd.s32 $0x800, s11  }
.LBB2_1:
0x14: {  	[tilespmem:s2], [sflag:$0x5] =	stream.linear.gather [hbm4b:s4+s2], $0x80, $0x38;
	[tilespmem:$0x8100] =	vst v63  }
0x15: {  	_ =	swait.ge [sflag:s13], $0x80  }
0x16: {  	[sflag:s13] =	ssyncset.done $0x0  }
0x17: {  	[sflag:s13] =	ssyncadd.s32 $0xFFFFFF80  }
0x18: {  	[tilespmem:s15], [sflag:$0x1] =	stream.indirect.gather [hbm4b:s3+s14], $0x80, s2, s14, $0xb8;
	[tilespmem:$0x8100] =	vst v63  }
0x19: {  	_ = 	snop  }
0x1a: {  	[tilespmem:s14], [sflag:$0x5] =	stream.linear.gather [hbm4b:s5+s2], $0x80, $0x38;
	[tilespmem:$0x8100] =	vst v63  }
0x1b: {  	_ =	swait.ge [sflag:s13], $0x80  }
0x1c: {  	[sflag:s13] =	ssyncset.done $0x0  }
0x1d: {  	[sflag:s13] =	ssyncadd.s32 $0xFFFFFF80  }
0x1e: {  	[tilespmem:s16], [sflag:$0x2] =	stream.indirect.gather [hbm4b:s3+s14], $0x80, s14, s14, $0xb8;
	[tilespmem:$0x8100] =	vst v63  }
0x1f: {  	_ =	swait.ge [sflag:s17], $0x4000  }
0x20: {  	[sflag:s17] =	ssyncset.done $0x0  }
0x21: {  	[sflag:s17] =	ssyncadd.s32 $0xFFFFC000  }
0x22: {  	[hbm4b:s9+s2] =	stream.linear.scatter [tilespmem:s15], [sflag:$0x3], $0x4000, $0x38;
	[tilespmem:$0x8100] =	vst v63  }
0x23: {  	_ =	swait.ge [sflag:s18], $0x4000  }
0x24: {  	[sflag:s18] =	ssyncset.done $0x0  }
0x25: {  	s22 =	sadd.s32 $0x0, s12;
	[sflag:s18] =	ssyncadd.s32 $0xFFFFC000  }
0x26: {  	[tilespmem:s2], [sflag:$0x5] =	stream.linear.gather [hbm4b:s22+s2], $0x80, $0x38;
	[tilespmem:$0x8100] =	vst v63  }
0x27: {  	_ =	swait.ge [sflag:s13], $0x80  }
0x28: {  	[sflag:s13] =	ssyncset.done $0x0  }
0x29: {  	[sflag:s13] =	ssyncadd.s32 $0xFFFFFF80  }
0x2a: {  	[tilespmem:s15], [sflag:$0x1] =	stream.indirect.gather [hbm4b:s3+s14], $0x80, s2, s14, $0xb8;
	[tilespmem:$0x8100] =	vst v63  }
0x2b: {  	_ =	swait.ge [sflag:s19], $0x4000  }
0x2c: {  	[sflag:s19] =	ssyncset.done $0x0  }
0x2d: {  	[sflag:s19] =	ssyncadd.s32 $0xFFFFC000  }
0x2e: {  	[hbm4b:s11+s2] =	stream.linear.scatter [tilespmem:s16], [sflag:$0x4], $0x4000, $0x38;
	[tilespmem:$0x8100] =	vst v63  }
0x2f: {  	_ =	swait.ge [sflag:s20], $0x4000  }
0x30: {  	[sflag:s20] =	ssyncset.done $0x0  }
0x31: {  	s31 =	sadd.s32 $0x0, s10;
	[sflag:s20] =	ssyncadd.s32 $0xFFFFC000  }
0x32: {  	[tilespmem:s14], [sflag:$0x5] =	stream.linear.gather [hbm4b:s31+s2], $0x80, $0x38;
	[tilespmem:$0x8100] =	vst v63  }
0x33: {  	_ =	swait.ge [sflag:s13], $0x80  }
0x34: {  	s23 =	sadd.s32 $0x1000, s9;
	[sflag:s13] =	ssyncset.done $0x0  }
0x35: {  	s24 =	sadd.s32 $0x1000, s11;
	s22 =	simm.s32 $0x20;
	[sflag:s13] =	ssyncadd.s32 $0xFFFFFF80  }
.LBB2_2:
0x36: {  	[tilespmem:s16], [sflag:$0x2] =	stream.indirect.gather [hbm4b:s3+s14], $0x80, s14, s14, $0xb8;
	[tilespmem:$0x8100] =	vst v63  }
0x37: {  	s25 =	smov.u32 s22  }
0x38: {  	p0 =	sne.s32 s22, $0x4C0;
	s22 =	sadd.s32 $0x20, s22;
	_ =	swait.ge [sflag:s17], $0x4000  }
0x39: {  	[sflag:s17] =	ssyncset.done $0x0  }
0x3a: {  	[sflag:s17] =	ssyncadd.s32 $0xFFFFC000  }
0x3b: {  	[hbm4b:s23+s2] =	stream.linear.scatter [tilespmem:s15], [sflag:$0x3], $0x4000, $0x38;
	[tilespmem:$0x8100] =	vst v63  }
0x3c: {  	_ =	swait.ge [sflag:s18], $0x4000  }
0x3d: {  	[sflag:s18] =	ssyncset.done $0x0  }
0x3e: {  	s26 =	sadd.s32 s25, s12;
	[sflag:s18] =	ssyncadd.s32 $0xFFFFC000  }
0x3f: {  	[tilespmem:s2], [sflag:$0x5] =	stream.linear.gather [hbm4b:s26+s2], $0x80, $0x38;
	[tilespmem:$0x8100] =	vst v63  }
0x40: {  	_ =	swait.ge [sflag:s13], $0x80  }
0x41: {  	[sflag:s13] =	ssyncset.done $0x0  }
0x42: {  	[sflag:s13] =	ssyncadd.s32 $0xFFFFFF80  }
0x43: {  	[tilespmem:s15], [sflag:$0x1] =	stream.indirect.gather [hbm4b:s3+s14], $0x80, s2, s14, $0xb8;
	[tilespmem:$0x8100] =	vst v63  }
0x44: {  	_ =	swait.ge [sflag:s19], $0x4000  }
0x45: {  	[sflag:s19] =	ssyncset.done $0x0  }
0x46: {  	[sflag:s19] =	ssyncadd.s32 $0xFFFFC000  }
0x47: {  	[hbm4b:s24+s2] =	stream.linear.scatter [tilespmem:s16], [sflag:$0x4], $0x4000, $0x38;
	[tilespmem:$0x8100] =	vst v63  }
0x48: {  	_ =	swait.ge [sflag:s20], $0x4000  }
0x49: {  	[sflag:s20] =	ssyncset.done $0x0  }
.Ltmp0:
0x4a: {  	s25 =	sadd.s32 s25, s10;
	[sflag:s20] =	ssyncadd.s32 $0xFFFFC000;
	(pc) =	sbr.rel @p0 .LBB2_2-.Ltmp0, $4  }
0x4b: {  	[tilespmem:s14], [sflag:$0x5] =	stream.linear.gather [hbm4b:s25+s2], $0x80, $0x38;
	[tilespmem:$0x8100] =	vst v63  }
0x4c: {  	_ =	swait.ge [sflag:s13], $0x80  }
0x4d: {  	[sflag:s13] =	ssyncset.done $0x0  }
0x4e: {  	s23 =	sadd.s32 $0x1000, s23;
	s24 =	sadd.s32 $0x1000, s24;
	[sflag:s13] =	ssyncadd.s32 $0xFFFFFF80  }
0x4f: {  	[tilespmem:s16], [sflag:$0x2] =	stream.indirect.gather [hbm4b:s3+s14], $0x80, s14, s14, $0xb8;
	[tilespmem:$0x8100] =	vst v63  }
0x50: {  	_ =	swait.ge [sflag:s17], $0x4000  }
0x51: {  	[sflag:s17] =	ssyncset.done $0x0  }
0x52: {  	[sflag:s17] =	ssyncadd.s32 $0xFFFFC000  }
0x53: {  	[hbm4b:s6+s2] =	stream.linear.scatter [tilespmem:s15], [sflag:$0x3], $0x4000, $0x38;
	[tilespmem:$0x8100] =	vst v63  }
0x54: {  	_ =	swait.ge [sflag:s18], $0x4000  }
0x55: {  	[sflag:s18] =	ssyncset.done $0x0  }
0x56: {  	[sflag:s18] =	ssyncadd.s32 $0xFFFFC000  }
0x57: {  	s21 =	sadd.s32 $0x1, s21;
	_ =	swait.ge [sflag:s19], $0x4000  }
0x58: {  	p0 =	sne.s32 s21, s8;
	[sflag:s19] =	ssyncset.done $0x0  }
.Ltmp1:
0x59: {  	[sflag:s19] =	ssyncadd.s32 $0xFFFFC000;
	(pc) =	sbr.rel @p0 .LBB2_1-.Ltmp1, $4  }
0x5a: {  	[hbm4b:s7+s2] =	stream.linear.scatter [tilespmem:s16], [sflag:$0x4], $0x4000, $0x38;
	[tilespmem:$0x8100] =	vst v63  }
0x5b: {  	_ =	swait.ge [sflag:s20], $0x4000  }
0x5c: {  	[sflag:s20] =	ssyncset.done $0x0  }
0x5d: {  	[sflag:s20] =	ssyncadd.s32 $0xFFFFC000  }
0x5e: {  	_ =	sfence.sel $0x180000  }
0x5f: {  	[bflag:$0x0] =	sbarrier.arrive $0xFFFF  }
0x60: {  	p0 =	sne.s32 s1, $0x0;
	_ =	strace $0x9000004A  }
0x61: {  	s0 =	sadd.s32 @!p0 $0x100000, s0;
	[bflag:$0x2] =	sbarrier.arrive $0xFFFF  }
0x62: {  	[sflag:s0] =	ssyncadd.tile.s32 @!p0 $0x1;
	_ =	shalt  }
.Lfunc_end2:
_tile_overlayer_lowered:
.L_overlay_start_2:
0x63: {  	(tag) =	ssettag $0x2  }
0x64: {  	s0 =	rddreg [dreg:$0x0];
	s2 =	stileid.u32  }
0x65: {  	s1 =	rddreg [dreg:$0x1];
	p0 =	sne.s32 s2, $0x0  }
0x66: {  	s3 =	rddreg [dreg:$0x2];
	[bflag:$0x3] =	sbarrier.arrive $0xFFFF;
	s2 =	simm.s32 @!p0 $0x1C05  }
0x67: {  	[timem:s3], [sflag:s2] =	dma.local @!p0 [hbm:s0], s1  }
0x68: {  	s0 =	simm.s32 @!p0 $0x5  }
0x69: {  	_ =	swait.ge @!p0 [sflag:s0], s1  }
0x6a: {  	s1 =	ssub.s32 @!p0 $0x0, s1;
	[sflag:s0] =	ssyncset.done @!p0 $0x0  }
0x6b: {  	[sflag:s0] =	ssyncadd.s32 @!p0 s1  }
0x6c: {  	[bflag:$0x3] =	sbarrier.arrive $0xFFFF  }
0x6d: {  	_ =	shalt  }

// kernel: kernel.7.cloned.1.call-start
scs
__scs_entry_jumppad:
0x0: {  	(pc) =	sbr.rel $0x88, $3  }
0x1: {  	(tag) =	ssettag $0x0;
	lr =	simm.s32 $0x1  }
0x2: {  	[smem:$0x3F6D] =	sst lr;
	_ =	strace $0xD0000000  }
0x3: {  	_ = 	snop  }
0x4: {  	_ = 	snop  }
0x5: {  	_ = 	snop  }
0x6: {  	_ = 	snop  }
0x7: {  	_ = 	snop  }
__scs_overlays_trampoline_lowered:
0x8: {  	[smem:$0x3F7C] =	sst s0  }
0x9: {  	[smem:$0x3F7D] =	sst s1  }
0xa: {  	[smem:$0x3F7E] =	sst s2  }
0xb: {  	[smem:$0x3F7F] =	sst s3  }
0xc: {  	[smem:$0x3F80] =	sst s4  }
0xd: {  	[smem:$0x3F81] =	sst s5  }
0xe: {  	[smem:$0x3F82] =	sst s6  }
0xf: {  	[smem:$0x3F83] =	sst s7  }
0x10: {  	[smem:$0x3F84] =	sst s8  }
0x11: {  	[smem:$0x3F85] =	sst s9;
	s0 =	simm.s32 @!p0 $0x0  }
0x12: {  	s1 =	sld [smem:$0x3F6B];
	s0 =	simm.s32 @p0 $0x1  }
0x13: {  	[smem:$0x3F86] =	sst s0;
	s0 =	simm.s32 @!p1 $0x0  }
0x14: {  	s2 =	sld [smem:$0x3F6A];
	s0 =	simm.s32 @p1 $0x1  }
0x15: {  	[smem:$0x3F87] =	sst s0;
	s0 =	simm.s32 @!p2 $0x0  }
0x16: {  	s3 =	sld [smem:$0x3FDB];
	s0 =	simm.s32 @p2 $0x1  }
0x17: {  	s4 =	simm.s32 $0x1BF5;
	[smem:$0x3F89] =	sst s0  }
0x18: {  	s0 =	sld [smem:$0x3F6C];
	_ =	swait.ge [sflag:s4], $0x0  }
0x19: {  	s7 =	sld [smem:$0x3F6D]  }
0x1a: {  	s8 =	sadd.s32 $0xFFFFE003, lr  }
0x1b: {  	s9 =	sadd.s32 $0xFFFFFEF7, lr;
	s5 =	simm.s32 $0xFFFFFFFF;
	p2 =	slt.u32 s8, $0xFFFFF086  }
0x1c: {  	p1 =	slt.u32 s9, $0xF7A;
	s5 =	simm.s32 @!p2 $0x0  }
0x1d: {  	s5 =	simm.s32 @p1 $0x1;
	p0 =	seq.s32 s7, s2  }
0x1e: {  	s7 =	smul.u32 @!p0 $0xF7A, s2;
	p2 =	seq.s32 @!p0 s5, $0x0  }
0x1f: {  	s9 =	smul.u32 $0xF7A, s1;
	s8 =	simm.s32 @!p0 $0x1BF5;
	p2 =	por !p2, p0  }
0x20: {  	[sflag:s8] =	ssyncset.s32 @!p0 $0xFFFFF086;
	s6 =	sadd.s32 @!p0 s3, s7;
	s7 =	simm.s32 @!p0 $0x108  }
0x21: {  	s3 =	sadd.s32 s3, s9;
	s6 =	sadd.s32 @!p0 $0x88, s6;
	s7 =	simm.s32 @p2 $0x1082  }
0x22: {  	[simem:s7], [sflag:s8] =	dma.local @!p0 [hbm:s6], $0xF7A  }
0x23: {  	s9 =	sor.u32 $0xD0000000, s2;
	s6 =	simm.s32 $0x108;
	_ =	swait.ge @!p0 [sflag:s8], $0x0  }
0x24: {  	s3 =	sadd.s32 $0x88, s3;
	s6 =	simm.s32 @!p1 $0x1082;
	[sflag:s4] =	ssyncset.s32 $0xFFFFF086  }
0x25: {  	[simem:s6], [sflag:s4] =	dma.local [hbm:s3], $0xF7A  }
0x26: {  	[smem:$0x3F6D] =	sst s1;
	(tag) =	ssettag s2;
	_ =	strace s9  }
0x27: {  	s1 =	sld [smem:$0x3F7D]  }
0x28: {  	s2 =	sld [smem:$0x3F7E]  }
0x29: {  	s4 =	sld [smem:$0x3F80]  }
0x2a: {  	p0 =	seq.s32 s5, $0x0;
	s5 =	sld [smem:$0x3F81]  }
0x2b: {  	s6 =	sld [smem:$0x3F82]  }
0x2c: {  	s7 =	sld [smem:$0x3F83]  }
0x2d: {  	s3 =	simm.s32 $0x108;
	s8 =	sld [smem:$0x3F84]  }
0x2e: {  	s3 =	simm.s32 @!p0 $0x1082;
	s9 =	sld [smem:$0x3F85]  }
0x2f: {  	lr =	sadd.s32 s0, s3;
	s0 =	sld [smem:$0x3F7C]  }
0x30: {  	s3 =	sld [smem:$0x3F7F]  }
0x31: {  	[smem:$0x3F88] =	sst s10  }
0x32: {  	s10 =	sld [smem:$0x3F86];
	_ =	sdelay $0x3  }
0x33: {  	p0 =	seq.s32 s10, $0x1;
	s10 =	sld [smem:$0x3F88];
	_ =	sdelay $0x3  }
0x34: {  	[smem:$0x3F88] =	sst s10  }
0x35: {  	s10 =	sld [smem:$0x3F87];
	_ =	sdelay $0x3  }
0x36: {  	p1 =	seq.s32 s10, $0x1;
	s10 =	sld [smem:$0x3F88];
	_ =	sdelay $0x3  }
0x37: {  	[smem:$0x3F88] =	sst s10  }
0x38: {  	s10 =	sld [smem:$0x3F89]  }
0x39: {  	_ = 	snop;
	(pc) =	sbr.ind lr, $3  }
0x3a: {  	_ = 	snop  }
0x3b: {  	_ = 	snop  }
0x3c: {  	p2 =	seq.s32 s10, $0x1;
	s10 =	sld [smem:$0x3F88]  }
0x3d: {  	_ =	shalt  }
0x3e: {  	_ =	shalt  }
0x3f: {  	_ =	shalt  }
0x40: {  	_ =	shalt  }
0x41: {  	_ =	shalt  }
0x42: {  	_ =	shalt  }
0x43: {  	_ =	shalt  }
0x44: {  	_ =	shalt  }
0x45: {  	_ =	shalt  }
0x46: {  	_ =	shalt  }
0x47: {  	_ =	shalt  }
0x48: {  	_ =	shalt  }
0x49: {  	_ =	shalt  }
0x4a: {  	_ =	shalt  }
0x4b: {  	_ =	shalt  }
0x4c: {  	_ =	shalt  }
0x4d: {  	_ =	shalt  }
0x4e: {  	_ =	shalt  }
0x4f: {  	_ =	shalt  }
0x50: {  	_ =	shalt  }
0x51: {  	_ =	shalt  }
0x52: {  	_ =	shalt  }
0x53: {  	_ =	shalt  }
0x54: {  	_ =	shalt  }
0x55: {  	_ =	shalt  }
0x56: {  	_ =	shalt  }
0x57: {  	_ =	shalt  }
0x58: {  	_ =	shalt  }
0x59: {  	_ =	shalt  }
0x5a: {  	_ =	shalt  }
0x5b: {  	_ =	shalt  }
0x5c: {  	_ =	shalt  }
0x5d: {  	_ =	shalt  }
0x5e: {  	_ =	shalt  }
0x5f: {  	_ =	shalt  }
0x60: {  	_ =	shalt  }
0x61: {  	_ =	shalt  }
0x62: {  	_ =	shalt  }
0x63: {  	_ =	shalt  }
0x64: {  	_ =	shalt  }
0x65: {  	_ =	shalt  }
0x66: {  	_ =	shalt  }
0x67: {  	_ =	shalt  }
0x68: {  	_ =	shalt  }
0x69: {  	_ =	shalt  }
0x6a: {  	_ =	shalt  }
0x6b: {  	_ =	shalt  }
0x6c: {  	_ =	shalt  }
0x6d: {  	_ =	shalt  }
0x6e: {  	_ =	shalt  }
0x6f: {  	_ =	shalt  }
0x70: {  	_ =	shalt  }
0x71: {  	_ =	shalt  }
0x72: {  	_ =	shalt  }
0x73: {  	_ =	shalt  }
0x74: {  	_ =	shalt  }
0x75: {  	_ =	shalt  }
0x76: {  	_ =	shalt  }
0x77: {  	_ =	shalt  }
0x78: {  	_ =	shalt  }
0x79: {  	_ =	shalt  }
0x7a: {  	_ =	shalt  }
0x7b: {  	_ =	shalt  }
0x7c: {  	_ =	shalt  }
0x7d: {  	_ =	shalt  }
0x7e: {  	_ =	shalt  }
0x7f: {  	_ =	shalt  }
0x80: {  	_ =	shalt  }
0x81: {  	_ =	shalt  }
0x82: {  	_ =	shalt  }
0x83: {  	_ =	shalt  }
0x84: {  	_ =	shalt  }
0x85: {  	_ =	shalt  }
0x86: {  	_ =	shalt  }
0x87: {  	_ =	shalt  }
.Lfunc_end0:
.L_simem_size_0:
called_computation_lowered:
.L_overlay_start_0:
0x88: {  	s2 =	sld [smem:$0x3FD9]  }
0x89: {  	s3 =	sld [smem:$0x3FFE];
	_ =	sdelay $0x1  }
0x8a: {  	s1 =	srdreg.scid  }
0x8b: {  	s0 =	sand.u32 $0x1, s1  }
0x8c: {  	s16 =	sshll.u32 s0, $0xA;
	s2 =	sadd.s32 s3, s2  }
0x8d: {  	s2 =	sadd.s32 s2, s16  }
0x8e: {  	[smem:$0x3F94] =	sst s2  }
0x8f: {  	_ = 	snop  }
0x90: {  	(tm) =	ssettm $0x1  }
0x91: {  	s17 =	sld [smem:$0x3FFB];
	_ =	sdelay $0x3  }
0x92: {  	_ =	strace s17  }
0x93: {  	s2 =	sld [smem:$0x3FFC];
	_ =	sdelay $0x3  }
0x94: {  	_ =	strace s2  }
0x95: {  	s2 =	sld [smem:$0x3FFD];
	_ =	sdelay $0x3  }
0x96: {  	_ =	strace s2  }
0x97: {  	_ =	strace $0x8FFFFFFF  }
0x98: {  	s18 =	sld [smem:$0x3FDB];
	_ =	sdelay $0x1  }
0x99: {  	s19 =	simm.s32 $_scs_section_size  }
0x9a: {  	s4 =	simm.s32 $_size__tile_overlayer_lowered;
	s5 =	simm.s32 $_tile_overlayer_lowered  }
0x9b: {  	s22 =	simm.s32 $0x1BFF;
	s21 =	sshll.u32 s5, $0x1;
	s2 =	sadd.s32 s19, s18  }
0x9c: {  	s6 =	simm.s32 $0x0;
	s20 =	sshll.u32 s4, $0x1;
	s4 =	sadd.s32 s21, s2  }
0x9d: {  	[timem:s6], [sflag:s22] =	dma.local [hbm:s4], s20  }
0x9e: {  	_ =	swait.ge [sflag:s22], s20  }
0x9f: {  	s3 =	ssub.s32 $0x0, s20;
	[sflag:s22] =	ssyncset.done $0x0  }
0xa0: {  	[sflag:s22] =	ssyncadd.s32 s3;
	_ =	sdelay $0x1  }
0xa1: {  	s23 =	simm.s32 $0x1B8B  }
0xa2: {  	_ =	swait.ge [sflag:s23], $0x1  }
0xa3: {  	[sflag:s23] =	ssyncset.done $0x0  }
0xa4: {  	s25 =	simm.s32 $0x1B8E;
	s24 =	sld [smem:$0x3FFE];
	[sflag:s23] =	ssyncadd.s32 $0xFFFFFFFF  }
0xa5: {  	s26 =	simm.s32 $execute0_lowered;
	[smem:$0x3FD2] =	sst s25  }
0xa6: {  	s4 =	sshll.u32 s26, $0x1;
	_ =	strace $0x80000046;
	[dreg:$0x1] =	wrdreg $0xFFFFFFFF  }
0xa7: {  	s28 =	simm.s32 $_size_execute0_lowered;
	s2 =	sadd.s32 s2, s4;
	[dreg:$0x0] =	wrdreg $0x0  }
0xa8: {  	s4 =	sshll.u32 s28, $0x1;
	[dreg:$0x2] =	wrdreg s2  }
0xa9: {  	[dreg:$0x3] =	wrdreg s4  }
0xaa: {  	[dreg:$0x4] =	wrdreg $0xC0  }
0xab: {  	_ =	task [dreg:s6], $0x5FFFF  }
0xac: {  	[dreg:$0x1] =	wrdreg $0xFFFFFFFF  }
0xad: {  	[dreg:$0x0] =	wrdreg $0x60  }
0xae: {  	[dreg:$0x2] =	wrdreg s24  }
0xaf: {  	[dreg:$0x3] =	wrdreg $0x9  }
0xb0: {  	_ =	task.clear_ibuf [dreg:s6], $0x4FFFF;
	_ =	strace $0x90000046  }
0xb1: {  	s29 =	simm.s32 $0x9;
	_ =	strace $0x80000048  }
0xb2: {  	_ =	swait.ge [sflag:s29], $0x1  }
0xb3: {  	[sflag:s29] =	ssyncadd.s32 $0xFFFFFFFF  }
0xb4: {  	_ =	strace $0x90000048  }
0xb5: {  	_ =	sfence  }
0xb6: {  	s30 =	sld [smem:$0x0];
	_ =	sdelay $0x2  }
0xb7: {  	s31 =	sshll.u32 s1, $0xD;
	s1 =	sshrl.u32 s1, $0x2  }
0xb8: {  	s3 =	sand.u32 $0x4000, s31;
	s1 =	sadd.s32 s1, s30  }
0xb9: {  	s0 =	sor.u32 s3, s0;
	s1 =	sshll.u32 s1, $0x11  }
0xba: {  	s0 =	sor.u32 s1, s0  }
0xbb: {  	s0 =	sadd.s32 $0x8F2B, s0  }
0xbc: {  	[sflag:s0] =	ssyncadd.remote.s32 $0x1  }
0xbd: {  	_ =	sfence.sel $0xFFFF  }
0xbe: {  	[dreg:$0x0] =	wrdreg $0xFFFFFFFF;
	(pc) =	sbr.abs _section_cstart, $3  }
0xbf: {  	[dreg:$0x1] =	wrdreg $0xFFFFFFFF  }
0xc0: {  	_ =	task.clear_ibuf [dreg:s6], $0x2FFFF;
	_ =	strace $0x9FFFFFFF  }
0xc1: {  	(tm) =	ssettm $0x7FFFFFFF  }
tec
execute0_lowered:
.L_overlay_start_1:
0x0: {  	(tag) =	ssettag $0x1  }
0x1: {  	s4 =	rddreg [dreg:$0x0]  }
0x2: {  	s0 =	rddreg [dreg:$0x1];
	s3 =	srdreg.scid  }
0x3: {  	s1 =	stileid.u32;
	s2 =	simm.s32 $0x0;
	s16 =	simm.s32 $0x4100  }
0x4: {  	s17 =	simm.s32 $0x1;
	s18 =	simm.s32 $0x3;
	s9 =	smul.u32 $0x280000, s1  }
0x5: {  	s19 =	simm.s32 $0x2;
	s20 =	simm.s32 $0x4;
	s14 =	smul.u32 $0x5000, s1  }
0x6: {  	s21 =	simm.s32 $0x0;
	s10 =	sand.u32 $0x1, s3;
	s15 =	smul.u32 $0x50000, s1  }
0x7: {  	s28 =	sshll.u32 s1, $0x1;
	[smem:$0x7FF] =	sst s2;
	s13 =	smul.u32 $0x140000, s10  }
0x8: {  	s3 =	sadd.s32 $0x63800, s4;
	s12 =	sadd.s32 $0x31800, s4;
	s31 =	smul.u32 $0x2800, s10  }
0x9: {  	s5 =	sor.u32 s10, s28;
	s6 =	ssub.s32 $0x2, s10;
	s10 =	smul.u32 $0x28000, s10  }
0xa: {  	s11 =	sadd.s32 $0x8B800, s4;
	s7 =	smul.u32 $0x2800, s5;
	s8 =	sshrl.u32 s6, $0x1  }
0xb: {  	_ =	strace $0x80000047;
	s5 =	smul.u32 $0x140000, s5;
	s8 =	ssub.s32 s6, s8  }
0xc: {  	s9 =	sadd.s32 s13, s9;
	s13 =	sadd.s32 s31, s14;
	s29 =	sshrl.u32 s7, $0x3  }
0xd: {  	s5 =	sshrl.u32 s5, $0x3;
	s8 =	smax.u32 s8, $0x1;
	s9 =	sshrl.u32 s9, $0x3  }
0xe: {  	s14 =	sor.u32 $0x180, s13;
	s13 =	sor.u32 $0x100, s13;
	s4 =	sadd.s32 s12, s29  }
0xf: {  	s30 =	sadd.s32 s11, s5;
	s9 =	sadd.s32 s9, s11;
	s11 =	sadd.s32 s15, s11  }
0x10: {  	s14 =	sshrl.u32 s14, $0x3;
	s13 =	sshrl.u32 s13, $0x3;
	s15 =	simm.s32 $0x100  }
0x11: {  	s5 =	sadd.s32 $0x10, s4;
	s6 =	sadd.s32 $0x27000, s30;
	s7 =	sadd.s32 $0x27800, s30  }
0x12: {  	s11 =	sadd.s32 s10, s11;
	s10 =	sadd.s32 s14, s12;
	s12 =	sadd.s32 s13, s12  }
0x13: {  	s13 =	simm.s32 $0x5;
	s14 =	simm.s32 $0x80;
	s11 =	sadd.s32 $0x800, s11  }
.LBB2_1:
0x14: {  	[tilespmem:s2], [sflag:$0x5] =	stream.linear.gather [hbm4b:s4+s2], $0x80, $0x38;
	[tilespmem:$0x8100] =	vst v63  }
0x15: {  	_ =	swait.ge [sflag:s13], $0x80  }
0x16: {  	[sflag:s13] =	ssyncset.done $0x0  }
0x17: {  	[sflag:s13] =	ssyncadd.s32 $0xFFFFFF80  }
0x18: {  	[tilespmem:s15], [sflag:$0x1] =	stream.indirect.gather [hbm4b:s3+s14], $0x80, s2, s14, $0xb8;
	[tilespmem:$0x8100] =	vst v63  }
0x19: {  	_ = 	snop  }
0x1a: {  	[tilespmem:s14], [sflag:$0x5] =	stream.linear.gather [hbm4b:s5+s2], $0x80, $0x38;
	[tilespmem:$0x8100] =	vst v63  }
0x1b: {  	_ =	swait.ge [sflag:s13], $0x80  }
0x1c: {  	[sflag:s13] =	ssyncset.done $0x0  }
0x1d: {  	[sflag:s13] =	ssyncadd.s32 $0xFFFFFF80  }
0x1e: {  	[tilespmem:s16], [sflag:$0x2] =	stream.indirect.gather [hbm4b:s3+s14], $0x80, s14, s14, $0xb8;
	[tilespmem:$0x8100] =	vst v63  }
0x1f: {  	_ =	swait.ge [sflag:s17], $0x4000  }
0x20: {  	[sflag:s17] =	ssyncset.done $0x0  }
0x21: {  	[sflag:s17] =	ssyncadd.s32 $0xFFFFC000  }
0x22: {  	[hbm4b:s9+s2] =	stream.linear.scatter [tilespmem:s15], [sflag:$0x3], $0x4000, $0x38;
	[tilespmem:$0x8100] =	vst v63  }
0x23: {  	_ =	swait.ge [sflag:s18], $0x4000  }
0x24: {  	[sflag:s18] =	ssyncset.done $0x0  }
0x25: {  	s22 =	sadd.s32 $0x0, s12;
	[sflag:s18] =	ssyncadd.s32 $0xFFFFC000  }
0x26: {  	[tilespmem:s2], [sflag:$0x5] =	stream.linear.gather [hbm4b:s22+s2], $0x80, $0x38;
	[tilespmem:$0x8100] =	vst v63  }
0x27: {  	_ =	swait.ge [sflag:s13], $0x80  }
0x28: {  	[sflag:s13] =	ssyncset.done $0x0  }
0x29: {  	[sflag:s13] =	ssyncadd.s32 $0xFFFFFF80  }
0x2a: {  	[tilespmem:s15], [sflag:$0x1] =	stream.indirect.gather [hbm4b:s3+s14], $0x80, s2, s14, $0xb8;
	[tilespmem:$0x8100] =	vst v63  }
0x2b: {  	_ =	swait.ge [sflag:s19], $0x4000  }
0x2c: {  	[sflag:s19] =	ssyncset.done $0x0  }
0x2d: {  	[sflag:s19] =	ssyncadd.s32 $0xFFFFC000  }
0x2e: {  	[hbm4b:s11+s2] =	stream.linear.scatter [tilespmem:s16], [sflag:$0x4], $0x4000, $0x38;
	[tilespmem:$0x8100] =	vst v63  }
0x2f: {  	_ =	swait.ge [sflag:s20], $0x4000  }
0x30: {  	[sflag:s20] =	ssyncset.done $0x0  }
0x31: {  	s31 =	sadd.s32 $0x0, s10;
	[sflag:s20] =	ssyncadd.s32 $0xFFFFC000  }
0x32: {  	[tilespmem:s14], [sflag:$0x5] =	stream.linear.gather [hbm4b:s31+s2], $0x80, $0x38;
	[tilespmem:$0x8100] =	vst v63  }
0x33: {  	_ =	swait.ge [sflag:s13], $0x80  }
0x34: {  	s23 =	sadd.s32 $0x1000, s9;
	[sflag:s13] =	ssyncset.done $0x0  }
0x35: {  	s24 =	sadd.s32 $0x1000, s11;
	s22 =	simm.s32 $0x20;
	[sflag:s13] =	ssyncadd.s32 $0xFFFFFF80  }
.LBB2_2:
0x36: {  	[tilespmem:s16], [sflag:$0x2] =	stream.indirect.gather [hbm4b:s3+s14], $0x80, s14, s14, $0xb8;
	[tilespmem:$0x8100] =	vst v63  }
0x37: {  	s25 =	smov.u32 s22  }
0x38: {  	p0 =	sne.s32 s22, $0x4C0;
	s22 =	sadd.s32 $0x20, s22;
	_ =	swait.ge [sflag:s17], $0x4000  }
0x39: {  	[sflag:s17] =	ssyncset.done $0x0  }
0x3a: {  	[sflag:s17] =	ssyncadd.s32 $0xFFFFC000  }
0x3b: {  	[hbm4b:s23+s2] =	stream.linear.scatter [tilespmem:s15], [sflag:$0x3], $0x4000, $0x38;
	[tilespmem:$0x8100] =	vst v63  }
0x3c: {  	_ =	swait.ge [sflag:s18], $0x4000  }
0x3d: {  	[sflag:s18] =	ssyncset.done $0x0  }
0x3e: {  	s26 =	sadd.s32 s25, s12;
	[sflag:s18] =	ssyncadd.s32 $0xFFFFC000  }
0x3f: {  	[tilespmem:s2], [sflag:$0x5] =	stream.linear.gather [hbm4b:s26+s2], $0x80, $0x38;
	[tilespmem:$0x8100] =	vst v63  }
0x40: {  	_ =	swait.ge [sflag:s13], $0x80  }
0x41: {  	[sflag:s13] =	ssyncset.done $0x0  }
0x42: {  	[sflag:s13] =	ssyncadd.s32 $0xFFFFFF80  }
0x43: {  	[tilespmem:s15], [sflag:$0x1] =	stream.indirect.gather [hbm4b:s3+s14], $0x80, s2, s14, $0xb8;
	[tilespmem:$0x8100] =	vst v63  }
0x44: {  	_ =	swait.ge [sflag:s19], $0x4000  }
0x45: {  	[sflag:s19] =	ssyncset.done $0x0  }
0x46: {  	[sflag:s19] =	ssyncadd.s32 $0xFFFFC000  }
0x47: {  	[hbm4b:s24+s2] =	stream.linear.scatter [tilespmem:s16], [sflag:$0x4], $0x4000, $0x38;
	[tilespmem:$0x8100] =	vst v63  }
0x48: {  	_ =	swait.ge [sflag:s20], $0x4000  }
0x49: {  	[sflag:s20] =	ssyncset.done $0x0  }
.Ltmp0:
0x4a: {  	s25 =	sadd.s32 s25, s10;
	[sflag:s20] =	ssyncadd.s32 $0xFFFFC000;
	(pc) =	sbr.rel @p0 .LBB2_2-.Ltmp0, $4  }
0x4b: {  	[tilespmem:s14], [sflag:$0x5] =	stream.linear.gather [hbm4b:s25+s2], $0x80, $0x38;
	[tilespmem:$0x8100] =	vst v63  }
0x4c: {  	_ =	swait.ge [sflag:s13], $0x80  }
0x4d: {  	[sflag:s13] =	ssyncset.done $0x0  }
0x4e: {  	s23 =	sadd.s32 $0x1000, s23;
	s24 =	sadd.s32 $0x1000, s24;
	[sflag:s13] =	ssyncadd.s32 $0xFFFFFF80  }
0x4f: {  	[tilespmem:s16], [sflag:$0x2] =	stream.indirect.gather [hbm4b:s3+s14], $0x80, s14, s14, $0xb8;
	[tilespmem:$0x8100] =	vst v63  }
0x50: {  	_ =	swait.ge [sflag:s17], $0x4000  }
0x51: {  	[sflag:s17] =	ssyncset.done $0x0  }
0x52: {  	[sflag:s17] =	ssyncadd.s32 $0xFFFFC000  }
0x53: {  	[hbm4b:s6+s2] =	stream.linear.scatter [tilespmem:s15], [sflag:$0x3], $0x4000, $0x38;
	[tilespmem:$0x8100] =	vst v63  }
0x54: {  	_ =	swait.ge [sflag:s18], $0x4000  }
0x55: {  	[sflag:s18] =	ssyncset.done $0x0  }
0x56: {  	[sflag:s18] =	ssyncadd.s32 $0xFFFFC000  }
0x57: {  	s21 =	sadd.s32 $0x1, s21;
	_ =	swait.ge [sflag:s19], $0x4000  }
0x58: {  	p0 =	sne.s32 s21, s8;
	[sflag:s19] =	ssyncset.done $0x0  }
.Ltmp1:
0x59: {  	[sflag:s19] =	ssyncadd.s32 $0xFFFFC000;
	(pc) =	sbr.rel @p0 .LBB2_1-.Ltmp1, $4  }
0x5a: {  	[hbm4b:s7+s2] =	stream.linear.scatter [tilespmem:s16], [sflag:$0x4], $0x4000, $0x38;
	[tilespmem:$0x8100] =	vst v63  }
0x5b: {  	_ =	swait.ge [sflag:s20], $0x4000  }
0x5c: {  	[sflag:s20] =	ssyncset.done $0x0  }
0x5d: {  	[sflag:s20] =	ssyncadd.s32 $0xFFFFC000  }
0x5e: {  	_ =	sfence.sel $0x180000  }
0x5f: {  	[bflag:$0x0] =	sbarrier.arrive $0xFFFF  }
0x60: {  	p0 =	sne.s32 s1, $0x0;
	_ =	strace $0x90000047  }
0x61: {  	s0 =	sadd.s32 @!p0 $0x100000, s0;
	[bflag:$0x2] =	sbarrier.arrive $0xFFFF  }
0x62: {  	[sflag:s0] =	ssyncadd.tile.s32 @!p0 $0x1;
	_ =	shalt  }
.Lfunc_end2:
_tile_overlayer_lowered:
.L_overlay_start_2:
0x63: {  	(tag) =	ssettag $0x2  }
0x64: {  	s0 =	rddreg [dreg:$0x0];
	s2 =	stileid.u32  }
0x65: {  	s1 =	rddreg [dreg:$0x1];
	p0 =	sne.s32 s2, $0x0  }
0x66: {  	s3 =	rddreg [dreg:$0x2];
	[bflag:$0x3] =	sbarrier.arrive $0xFFFF;
	s2 =	simm.s32 @!p0 $0x1C05  }
0x67: {  	[timem:s3], [sflag:s2] =	dma.local @!p0 [hbm:s0], s1  }
0x68: {  	s0 =	simm.s32 @!p0 $0x5  }
0x69: {  	_ =	swait.ge @!p0 [sflag:s0], s1  }
0x6a: {  	s1 =	ssub.s32 @!p0 $0x0, s1;
	[sflag:s0] =	ssyncset.done @!p0 $0x0  }
0x6b: {  	[sflag:s0] =	ssyncadd.s32 @!p0 s1  }
0x6c: {  	[bflag:$0x3] =	sbarrier.arrive $0xFFFF  }
0x6d: {  	_ =	shalt  }

</sc_bundles>
